<compile_context>
chip_gen: v7x
topology: tpu7x:2x2x1
jax: 0.10.2.dev20260603
libtpu: 0.0.44.dev20260713+nightly
codegen_flags: <defaults>
</compile_context>

<pallas_src>
import functools

import jax
import jax.numpy as jnp
from jax import lax
from jax.experimental import pallas as pl
from jax.experimental.pallas import tpu as pltpu
from jax.experimental.pallas import tpu_sc as plsc

N_NODES = 10000
D = 128
NC, NS = 2, 16
NW = NC * NS
N_ACC = 10048
ROWS_PER_TILE = N_ACC // NS
DEG_W = 32
SLAB = 16


def _sc_agg_body(ei_hbm, featbf_hbm, sum0_out, sum1_out, deg0_out, deg1_out,
                 src_sl, dst_sl, braw_a, braw_b, ones_v, zdeg_v,
                 feat_sp, accum, degacc, gsem_a, gsem_b, ssem_a, ssem_b):
    c = lax.axis_index("c")
    s = lax.axis_index("s")
    w = s * NC + c
    cpw = src_sl.shape[0]
    chunk = src_sl.shape[1]

    zero32 = jnp.zeros((32,), jnp.bfloat16)
    one32 = jnp.ones((32,), jnp.bfloat16)

    def z_rows(i, _):
        braw_a[i // 4, pl.ds((i % 4) * 32, 32)] = zero32
        return 0
    lax.fori_loop(0, chunk * 4, z_rows, 0)

    def z_deg(i, _):
        zdeg_v[i, pl.ds(0, 32)] = zero32
        return 0
    lax.fori_loop(0, chunk, z_deg, 0)

    def o_rows(i, _):
        ones_v[i, pl.ds(0, 32)] = one32
        return 0
    lax.fori_loop(0, chunk, o_rows, 0)

    base = s * ROWS_PER_TILE
    n_feat = featbf_hbm.shape[0]
    last = ROWS_PER_TILE * NS - n_feat
    @pl.when(base + ROWS_PER_TILE <= n_feat)
    def _():
        pltpu.sync_copy(featbf_hbm.at[pl.ds(base, ROWS_PER_TILE)],
                        feat_sp.at[pl.ds(base, ROWS_PER_TILE)])
    @pl.when(base + ROWS_PER_TILE > n_feat)
    def _():
        pltpu.sync_copy(featbf_hbm.at[pl.ds(base, ROWS_PER_TILE - last)],
                        feat_sp.at[pl.ds(base, ROWS_PER_TILE - last)])

    nfull = ROWS_PER_TILE // chunk
    for k in range(nfull):
        pltpu.sync_copy(braw_a, accum.at[pl.ds(base + k * chunk, chunk)])
        pltpu.sync_copy(zdeg_v, degacc.at[pl.ds(base + k * chunk, chunk)])
    rem = ROWS_PER_TILE % chunk
    if rem:
        rbase = base + nfull * chunk
        pltpu.sync_copy(braw_a.at[pl.ds(0, rem)], accum.at[pl.ds(rbase, rem)])
        pltpu.sync_copy(zdeg_v.at[pl.ds(0, rem)], degacc.at[pl.ds(rbase, rem)])

    pltpu.sync_copy(ei_hbm.at[0, pl.ds(w * cpw, cpw)], src_sl)
    pltpu.sync_copy(ei_hbm.at[1, pl.ds(w * cpw, cpw)], dst_sl)
    plsc.subcore_barrier()

    bufs = (braw_a, braw_b)
    gsems = (gsem_a, gsem_b)
    ssems = (ssem_a, ssem_b)

    def outer(t, _):
        cbase = t * SLAB
        gather = {0: pltpu.async_copy(feat_sp.at[src_sl.at[cbase]],
                                      bufs[0], gsems[0])}
        pend = {0: [], 1: []}
        for j in range(SLAB):
            b = j % 2
            nb = 1 - b
            if j + 1 < SLAB:
                for h in pend[nb]:
                    h.wait()
                pend[nb] = []
                gather[nb] = pltpu.async_copy(
                    feat_sp.at[src_sl.at[cbase + j + 1]], bufs[nb], gsems[nb])
            gather[b].wait()
            pend[b] = [
                pltpu.async_copy(bufs[b], accum.at[dst_sl.at[cbase + j]],
                                 ssems[b], add=True),
                pltpu.async_copy(ones_v, degacc.at[dst_sl.at[cbase + j]],
                                 ssems[b], add=True),
            ]
        for k in (0, 1):
            for h in pend[k]:
                h.wait()
        return 0
    lax.fori_loop(0, cpw // SLAB, outer, 0)

    plsc.subcore_barrier()

    @pl.when(c == 0)
    def _():
        pltpu.sync_copy(accum.at[pl.ds(base, ROWS_PER_TILE)],
                        sum0_out.at[pl.ds(base, ROWS_PER_TILE)])
        pltpu.sync_copy(degacc.at[pl.ds(base, ROWS_PER_TILE)],
                        deg0_out.at[pl.ds(base, ROWS_PER_TILE)])
    @pl.when(c == 1)
    def _():
        pltpu.sync_copy(accum.at[pl.ds(base, ROWS_PER_TILE)],
                        sum1_out.at[pl.ds(base, ROWS_PER_TILE)])
        pltpu.sync_copy(degacc.at[pl.ds(base, ROWS_PER_TILE)],
                        deg1_out.at[pl.ds(base, ROWS_PER_TILE)])


def _make_sc_agg(n_chunks, chunk):
    return pl.kernel(
        _sc_agg_body,
        out_type=[
            jax.ShapeDtypeStruct((N_ACC, D), jnp.bfloat16),
            jax.ShapeDtypeStruct((N_ACC, D), jnp.bfloat16),
            jax.ShapeDtypeStruct((N_ACC, DEG_W), jnp.bfloat16),
            jax.ShapeDtypeStruct((N_ACC, DEG_W), jnp.bfloat16),
        ],
        mesh=plsc.VectorSubcoreMesh(core_axis_name="c", subcore_axis_name="s",
                                    num_cores=NC),
        scratch_types=[
            pltpu.VMEM((n_chunks // NW, chunk), jnp.int32),
            pltpu.VMEM((n_chunks // NW, chunk), jnp.int32),
            pltpu.VMEM((chunk, D), jnp.bfloat16),
            pltpu.VMEM((chunk, D), jnp.bfloat16),
            pltpu.VMEM((chunk, DEG_W), jnp.bfloat16),
            pltpu.VMEM((chunk, DEG_W), jnp.bfloat16),
            pltpu.VMEM_SHARED((N_ACC, D), jnp.bfloat16),
            pltpu.VMEM_SHARED((N_ACC, D), jnp.bfloat16),
            pltpu.VMEM_SHARED((N_ACC, DEG_W), jnp.bfloat16),
            pltpu.SemaphoreType.DMA,
            pltpu.SemaphoreType.DMA,
            pltpu.SemaphoreType.DMA,
            pltpu.SemaphoreType.DMA,
        ],
        compiler_params=pltpu.CompilerParams(use_tc_tiling_on_sc=False),
    )


def _tc_body(feat_ref, s0_ref, s1_ref, d0_ref, d1_ref,
             wn_ref, ws_ref, b_ref, out_ref):
    ssum = s0_ref[...].astype(jnp.float32) + s1_ref[...].astype(jnp.float32)
    deg = (d0_ref[:, 0:1].astype(jnp.float32)
           + d1_ref[:, 0:1].astype(jnp.float32))
    h_neigh = ssum / jnp.maximum(deg, 1.0)
    out_ref[...] = (
        jnp.dot(h_neigh, wn_ref[...], preferred_element_type=jnp.float32)
        + jnp.dot(feat_ref[...], ws_ref[...], preferred_element_type=jnp.float32)
        + b_ref[...]
    )


def _tc_finish(feat, s0, s1, d0, d1, wn_t, ws_t, bias2d):
    blk = 2000
    grid = N_NODES // blk
    return pl.pallas_call(
        _tc_body,
        grid=(grid,),
        in_specs=[
            pl.BlockSpec((blk, D), lambda i: (i, 0)),
            pl.BlockSpec((blk, D), lambda i: (i, 0)),
            pl.BlockSpec((blk, D), lambda i: (i, 0)),
            pl.BlockSpec((blk, DEG_W), lambda i: (i, 0)),
            pl.BlockSpec((blk, DEG_W), lambda i: (i, 0)),
            pl.BlockSpec((D, D), lambda i: (0, 0)),
            pl.BlockSpec((D, D), lambda i: (0, 0)),
            pl.BlockSpec((1, D), lambda i: (0, 0)),
        ],
        out_specs=pl.BlockSpec((blk, D), lambda i: (i, 0)),
        out_shape=jax.ShapeDtypeStruct((N_NODES, D), jnp.float32),
    )(feat, s0, s1, d0, d1, wn_t, ws_t, bias2d)


@jax.jit
def kernel(feat, edge_index, W_neigh, W_self, bias):
    e = edge_index.shape[1]
    chunk = None
    for cand in range(128, 63, -1):
        if e % (NW * SLAB * cand) == 0:
            chunk = cand
            break
    ei = edge_index.astype(jnp.int32)
    if chunk is None:
        chunk = 128
        cpw = -(-(-(-e // (chunk * NW))) // SLAB) * SLAB
        n_chunks = cpw * NW
        pad = n_chunks * chunk - e
        ei = jnp.concatenate(
            [ei, jnp.concatenate(
                [jnp.zeros((1, pad), jnp.int32),
                 jnp.full((1, pad), N_NODES, jnp.int32)])], axis=1)
    else:
        n_chunks = e // chunk
    ei3 = ei.reshape(2, n_chunks, chunk)

    feat_bf = feat.astype(jnp.bfloat16)
    s0, s1, d0, d1 = _make_sc_agg(n_chunks, chunk)(ei3, feat_bf)

    out = _tc_finish(feat, s0, s1, d0, d1, W_neigh.T, W_self.T,
                     bias.reshape(1, D))
    return out

# --- scband reference (transcript-rebuilt; emitter-appended) ---
"""Pipeline reference for scband-nigconv-17051020165718 (READ-ONLY COPY).

The authoritative reference and input builder live on the scoring server;
editing this copy changes nothing except your own understanding.
"""

import jax, jax.numpy as jnp
import numpy as np

N_NODES = 10000
N_EDGES = 320000
D_IN = 128
D_OUT = 128


def setup_inputs(seed: int = 0) -> dict:
    key = jax.random.key(seed)
    k1, k2, k3, k4 = jax.random.split(key, 4)
    feat = jax.random.normal(k1, (N_NODES, D_IN), dtype=jnp.float32)
    edge_index = jax.random.randint(k2, (2, N_EDGES), 0, N_NODES, dtype=jnp.int64)
    # Xavier-uniform with relu gain for the two linear weights (shape [out, in], torch convention)
    gain = float(np.sqrt(2.0))
    bound = gain * float(np.sqrt(6.0 / (D_IN + D_OUT)))
    W_neigh = jax.random.uniform(k3, (D_OUT, D_IN), minval=-bound, maxval=bound, dtype=jnp.float32)
    W_self = jax.random.uniform(k4, (D_OUT, D_IN), minval=-bound, maxval=bound, dtype=jnp.float32)
    bias = jnp.zeros((D_OUT,), dtype=jnp.float32)
    return {"feat": feat, "edge_index": edge_index, "W_neigh": W_neigh, "W_self": W_self, "bias": bias}


def reference(feat, edge_index, W_neigh, W_self, bias):
    # feat_drop with p=0.0 is identity; feat_src = feat_dst = feat
    n = feat.shape[0]
    src = edge_index[0]
    dst = edge_index[1]
    # lin_before_mp = (in_feats > out_feats) = False -> aggregate raw features first
    msgs = jnp.take(feat, src, axis=0)  # copy_src gather, [E, D_IN]
    summed = jax.ops.segment_sum(msgs, dst, num_segments=n)  # scatter-add by dst
    deg = jax.ops.segment_sum(jnp.ones((dst.shape[0],), dtype=feat.dtype), dst, num_segments=n)
    h_neigh = summed / jnp.maximum(deg, 1.0)[:, None]  # mean; zero-degree nodes -> 0
    h_neigh = h_neigh @ W_neigh.T  # fc_neigh after message passing
    rst = feat @ W_self.T + h_neigh  # fc_self(h_self) + h_neigh
    rst = rst + bias
    return rst

if __name__ == "__main__":
    import jax
    _d = setup_inputs()
    print(jax.jit(kernel)(*tuple(_d.values())))

</pallas_src>

<mosaic_0001>
#map = affine_map<(d0, d1) -> (0, 0, 0)>
#map1 = affine_map<(d0, d1) -> (0, 0)>
module attributes {stable_mosaic.version = 14 : i64} {
  func.func @_sc_agg_body(%arg0: i32, %arg1: i32, %arg2: memref<2x2560x125xi32, #tpu.memory_space<hbm>>, %arg3: memref<10000x128xbf16, #tpu.memory_space<hbm>>, %arg4: memref<10048x128xbf16, #tpu.memory_space<hbm>>, %arg5: memref<10048x128xbf16, #tpu.memory_space<hbm>>, %arg6: memref<10048x32xbf16, #tpu.memory_space<hbm>>, %arg7: memref<10048x32xbf16, #tpu.memory_space<hbm>>, %arg8: memref<80x125xi32, #tpu.memory_space<vmem>>, %arg9: memref<80x125xi32, #tpu.memory_space<vmem>>, %arg10: memref<125x128xbf16, #tpu.memory_space<vmem>>, %arg11: memref<125x128xbf16, #tpu.memory_space<vmem>>, %arg12: memref<125x32xbf16, #tpu.memory_space<vmem>>, %arg13: memref<125x32xbf16, #tpu.memory_space<vmem>>, %arg14: memref<10048x128xbf16, #tpu.memory_space<vmem_shared>>, %arg15: memref<10048x128xbf16, #tpu.memory_space<vmem_shared>>, %arg16: memref<10048x32xbf16, #tpu.memory_space<vmem_shared>>, %arg17: memref<!tpu.dma_semaphore, #tpu.memory_space<semaphore_mem>>, %arg18: memref<!tpu.dma_semaphore, #tpu.memory_space<semaphore_mem>>, %arg19: memref<!tpu.dma_semaphore, #tpu.memory_space<semaphore_mem>>, %arg20: memref<!tpu.dma_semaphore, #tpu.memory_space<semaphore_mem>>) attributes {dimension_semantics = [#tpu.dimension_semantics<core_parallel>, #tpu.dimension_semantics<subcore_parallel>], iteration_bounds = array<i64: 2, 16>, scalar_prefetch = 0 : i64, scratch_operands = 13 : i64, tpu.core_type = #tpu.core_type<sc_vector_subcore>, window_params = [{transform_indices = #map}, {transform_indices = #map1}, {transform_indices = #map1}, {transform_indices = #map1}, {transform_indices = #map1}, {transform_indices = #map1}]} {
    %mul3A = arith.constant 2 : i32
    %mul3A_0 = arith.muli %arg1, %mul3A : i32
    %add3A = arith.addi %mul3A_0, %arg0 : i32
    %broadcast_in_dim3A = arith.constant 0.000000e+00 : bf16
    %broadcast_in_dim3A_1 = vector.broadcast %broadcast_in_dim3A : bf16 to vector<32xbf16>
    %broadcast_in_dim3A_2 = arith.constant 1.000000e+00 : bf16
    %broadcast_in_dim3A_3 = vector.broadcast %broadcast_in_dim3A_2 : bf16 to vector<32xbf16>
    %scan3A = arith.constant 0 : i32
    %scan3A_4 = arith.constant 0 : i32
    %scan3A_5 = arith.constant 500 : i32
    %scan3A_6 = arith.addi %scan3A_4, %scan3A_5 : i32
    %scan3A_7 = arith.constant 1 : i32
    %scan3A_8 = scf.for %scan3A_80 = %scan3A_4 to %scan3A_6 step %scan3A_7 iter_args(%scan3A_81 = %scan3A) -> (i32)  : i32 {
      %jit3A = arith.constant 4 : i32
      %div3A = arith.divsi %scan3A_80, %jit3A : i32
      %sign3A = arith.constant 0 : i32
      %sign3A_82 = arith.cmpi sgt, %scan3A_80, %sign3A : i32
      %sign3A_83 = arith.extui %sign3A_82 : i1 to i32
      %sign3A_84 = arith.constant 0 : i32
      %sign3A_85 = arith.cmpi slt, %scan3A_80, %sign3A_84 : i32
      %sign3A_86 = arith.extui %sign3A_85 : i1 to i32
      %sign3A_87 = arith.subi %sign3A_83, %sign3A_86 : i32
      %sign3A_88 = arith.constant 0 : i32
      %sign3A_89 = arith.cmpi sgt, %jit3A, %sign3A_88 : i32
      %sign3A_90 = arith.extui %sign3A_89 : i1 to i32
      %sign3A_91 = arith.constant 0 : i32
      %sign3A_92 = arith.cmpi slt, %jit3A, %sign3A_91 : i32
      %sign3A_93 = arith.extui %sign3A_92 : i1 to i32
      %sign3A_94 = arith.subi %sign3A_90, %sign3A_93 : i32
      %ne3A = arith.cmpi ne, %sign3A_87, %sign3A_94 : i32
      %rem3A = arith.remsi %scan3A_80, %jit3A : i32
      %ne3A_95 = arith.constant 0 : i32
      %ne3A_96 = arith.cmpi ne, %rem3A, %ne3A_95 : i32
      %and3A = arith.andi %ne3A, %ne3A_96 : i1
      %sub3A = arith.constant 1 : i32
      %sub3A_97 = arith.subi %div3A, %sub3A : i32
      %select_n3A = arith.select %and3A, %sub3A_97, %div3A : i32
      %jit3A_98 = arith.constant 4 : i32
      %eq3A_99 = arith.constant 0 : i32
      %eq3A_100 = arith.cmpi eq, %jit3A_98, %eq3A_99 : i32
      %jit3A_101 = arith.constant 1 : i32
      %select_n3A_102 = arith.select %eq3A_100, %jit3A_101, %jit3A_98 : i32
      %rem3A_103 = arith.remsi %scan3A_80, %select_n3A_102 : i32
      %ne3A_104 = arith.constant 0 : i32
      %ne3A_105 = arith.cmpi ne, %rem3A_103, %ne3A_104 : i32
      %lt3A = arith.constant 0 : i32
      %lt3A_106 = arith.cmpi slt, %rem3A_103, %lt3A : i32
      %lt3A_107 = arith.constant 0 : i32
      %lt3A_108 = arith.cmpi slt, %select_n3A_102, %lt3A_107 : i32
      %ne3A_109 = arith.xori %lt3A_106, %lt3A_108 : i1
      %and3A_110 = arith.andi %ne3A_109, %ne3A_105 : i1
      %add3A_111 = arith.addi %rem3A_103, %select_n3A_102 : i32
      %select_n3A_112 = arith.select %and3A_110, %add3A_111, %rem3A_103 : i32
      %mul3A_113 = arith.constant 32 : i32
      %mul3A_114 = arith.muli %select_n3A_112, %mul3A_113 : i32
      %swap3A = arith.index_cast %select_n3A : i32 to index
      %swap3A_115 = arith.index_cast %mul3A_114 : i32 to index
      %swap3A_116 = tpu.vector_load %arg10[%swap3A, %swap3A_115] {strides = array<i32>} : memref<125x128xbf16, #tpu.memory_space<vmem>>, vector<1x32xbf16>,
      %swap3A_117 = vector.shape_cast %swap3A_116 : vector<1x32xbf16> to vector<32xbf16>
      %swap3A_118 = vector.shape_cast %broadcast_in_dim3A_1 : vector<32xbf16> to vector<1x32xbf16>
      tpu.vector_store %arg10[%swap3A, %swap3A_115], %swap3A_118 {strides = array<i32>} : memref<125x128xbf16, #tpu.memory_space<vmem>>, vector<1x32xbf16>,
      %scan3A_119 = arith.constant 0 : i32
      scf.yield %scan3A_119 : i32
    }
    %scan3A_9 = arith.constant 500 : i32
    %scan3A_10 = arith.constant 0 : i32
    %scan3A_11 = arith.constant 0 : i32
    %scan3A_12 = arith.constant 125 : i32
    %scan3A_13 = arith.addi %scan3A_11, %scan3A_12 : i32
    %scan3A_14 = arith.constant 1 : i32
    %scan3A_15 = scf.for %scan3A_80 = %scan3A_11 to %scan3A_13 step %scan3A_14 iter_args(%scan3A_81 = %scan3A_10) -> (i32)  : i32 {
      %swap3A = arith.index_cast %scan3A_80 : i32 to index
      %swap3A_82 = arith.constant 0 : index
      %swap3A_83 = tpu.vector_load %arg13[%swap3A, %swap3A_82] {strides = array<i32>} : memref<125x32xbf16, #tpu.memory_space<vmem>>, vector<1x32xbf16>,
      %swap3A_84 = vector.shape_cast %swap3A_83 : vector<1x32xbf16> to vector<32xbf16>
      %swap3A_85 = vector.shape_cast %broadcast_in_dim3A_1 : vector<32xbf16> to vector<1x32xbf16>
      tpu.vector_store %arg13[%swap3A, %swap3A_82], %swap3A_85 {strides = array<i32>} : memref<125x32xbf16, #tpu.memory_space<vmem>>, vector<1x32xbf16>,
      %scan3A_86 = arith.constant 0 : i32
      scf.yield %scan3A_86 : i32
    }
    %scan3A_16 = arith.constant 125 : i32
    %scan3A_17 = arith.constant 0 : i32
    %scan3A_18 = arith.constant 0 : i32
    %scan3A_19 = arith.constant 125 : i32
    %scan3A_20 = arith.addi %scan3A_18, %scan3A_19 : i32
    %scan3A_21 = arith.constant 1 : i32
    %scan3A_22 = scf.for %scan3A_80 = %scan3A_18 to %scan3A_20 step %scan3A_21 iter_args(%scan3A_81 = %scan3A_17) -> (i32)  : i32 {
      %swap3A = arith.index_cast %scan3A_80 : i32 to index
      %swap3A_82 = arith.constant 0 : index
      %swap3A_83 = tpu.vector_load %arg12[%swap3A, %swap3A_82] {strides = array<i32>} : memref<125x32xbf16, #tpu.memory_space<vmem>>, vector<1x32xbf16>,
      %swap3A_84 = vector.shape_cast %swap3A_83 : vector<1x32xbf16> to vector<32xbf16>
      %swap3A_85 = vector.shape_cast %broadcast_in_dim3A_3 : vector<32xbf16> to vector<1x32xbf16>
      tpu.vector_store %arg12[%swap3A, %swap3A_82], %swap3A_85 {strides = array<i32>} : memref<125x32xbf16, #tpu.memory_space<vmem>>, vector<1x32xbf16>,
      %scan3A_86 = arith.constant 0 : i32
      scf.yield %scan3A_86 : i32
    }
    %scan3A_23 = arith.constant 125 : i32
    %mul3A_24 = arith.constant 628 : i32
    %mul3A_25 = arith.muli %arg1, %mul3A_24 : i32
    %add3A_26 = arith.constant 628 : i32
    %add3A_27 = arith.addi %mul3A_25, %add3A_26 : i32
    %le3A = arith.constant 10000 : i32
    %le3A_28 = arith.cmpi sle, %add3A_27, %le3A : i32
    %convert_element_type3A = arith.extui %le3A_28 : i1 to i32
    %cond3A = arith.constant 0 : i32
    %cond3A_29 = arith.cmpi ne, %convert_element_type3A, %cond3A : i32
    scf.if %cond3A_29 {
      "tpu.region"() ({
        %run_scoped3A_80 = tpu.sem_alloc : memref<!tpu.dma_semaphore, #tpu.memory_space<semaphore_mem>>
        %dma_start3A = arith.constant 0 : i32
        %dma_start3A_81 = tpu.memref_slice %arg14[%mul3A_25, %dma_start3A] : memref<10048x128xbf16, #tpu.memory_space<vmem_shared>> -> memref<628x128xbf16, #tpu.memory_space<vmem_shared>>
        %dma_start3A_82 = arith.constant 0 : i32
        %dma_start3A_83 = tpu.memref_slice %arg3[%mul3A_25, %dma_start3A_82] : memref<10000x128xbf16, #tpu.memory_space<hbm>> -> memref<628x128xbf16, #tpu.memory_space<hbm>>
        tpu.enqueue_dma source(%dma_start3A_83 : memref<628x128xbf16, #tpu.memory_space<hbm>>) target(%dma_start3A_81 : memref<628x128xbf16, #tpu.memory_space<vmem_shared>>) target_semaphore(%run_scoped3A_80 : memref<!tpu.dma_semaphore, #tpu.memory_space<semaphore_mem>>)
        %dma_wait3A = arith.constant 0 : i32
        %dma_wait3A_84 = tpu.memref_slice %arg14[%mul3A_25, %dma_wait3A] : memref<10048x128xbf16, #tpu.memory_space<vmem_shared>> -> memref<628x128xbf16, #tpu.memory_space<vmem_shared>>
        %dma_wait3A_85 = arith.constant 0 : i32
        %dma_wait3A_86 = tpu.memref_slice %arg3[%mul3A_25, %dma_wait3A_85] : memref<10000x128xbf16, #tpu.memory_space<hbm>> -> memref<628x128xbf16, #tpu.memory_space<hbm>>
        tpu.wait_dma2 semaphore(%run_scoped3A_80 : memref<!tpu.dma_semaphore, #tpu.memory_space<semaphore_mem>>) src(%dma_wait3A_86 : memref<628x128xbf16, #tpu.memory_space<hbm>>) dst(%dma_wait3A_84 : memref<628x128xbf16, #tpu.memory_space<vmem_shared>>)
        tpu.yield
      }) : () -> ()
    } else {
    }
    %add3A_30 = arith.constant 628 : i32
    %add3A_31 = arith.addi %mul3A_25, %add3A_30 : i32
    %gt3A = arith.constant 10000 : i32
    %gt3A_32 = arith.cmpi sgt, %add3A_31, %gt3A : i32
    %convert_element_type3A_33 = arith.extui %gt3A_32 : i1 to i32
    %cond3A_34 = arith.constant 0 : i32
    %cond3A_35 = arith.cmpi ne, %convert_element_type3A_33, %cond3A_34 : i32
    scf.if %cond3A_35 {
      "tpu.region"() ({
        %run_scoped3A_80 = tpu.sem_alloc : memref<!tpu.dma_semaphore, #tpu.memory_space<semaphore_mem>>
        %dma_start3A = arith.constant 0 : i32
        %dma_start3A_81 = tpu.memref_slice %arg14[%mul3A_25, %dma_start3A] : memref<10048x128xbf16, #tpu.memory_space<vmem_shared>> -> memref<580x128xbf16, #tpu.memory_space<vmem_shared>>
        %dma_start3A_82 = arith.constant 0 : i32
        %dma_start3A_83 = tpu.memref_slice %arg3[%mul3A_25, %dma_start3A_82] : memref<10000x128xbf16, #tpu.memory_space<hbm>> -> memref<580x128xbf16, #tpu.memory_space<hbm>>
        tpu.enqueue_dma source(%dma_start3A_83 : memref<580x128xbf16, #tpu.memory_space<hbm>>) target(%dma_start3A_81 : memref<580x128xbf16, #tpu.memory_space<vmem_shared>>) target_semaphore(%run_scoped3A_80 : memref<!tpu.dma_semaphore, #tpu.memory_space<semaphore_mem>>)
        %dma_wait3A = arith.constant 0 : i32
        %dma_wait3A_84 = tpu.memref_slice %arg14[%mul3A_25, %dma_wait3A] : memref<10048x128xbf16, #tpu.memory_space<vmem_shared>> -> memref<580x128xbf16, #tpu.memory_space<vmem_shared>>
        %dma_wait3A_85 = arith.constant 0 : i32
        %dma_wait3A_86 = tpu.memref_slice %arg3[%mul3A_25, %dma_wait3A_85] : memref<10000x128xbf16, #tpu.memory_space<hbm>> -> memref<580x128xbf16, #tpu.memory_space<hbm>>
        tpu.wait_dma2 semaphore(%run_scoped3A_80 : memref<!tpu.dma_semaphore, #tpu.memory_space<semaphore_mem>>) src(%dma_wait3A_86 : memref<580x128xbf16, #tpu.memory_space<hbm>>) dst(%dma_wait3A_84 : memref<580x128xbf16, #tpu.memory_space<vmem_shared>>)
        tpu.yield
      }) : () -> ()
    } else {
    }
    %add3A_36 = arith.constant 0 : i32
    %add3A_37 = arith.addi %mul3A_25, %add3A_36 : i32
    "tpu.region"() ({
      %run_scoped3A_80 = tpu.sem_alloc : memref<!tpu.dma_semaphore, #tpu.memory_space<semaphore_mem>>
      %dma_start3A = arith.constant 0 : i32
      %dma_start3A_81 = tpu.memref_slice %arg15[%add3A_37, %dma_start3A] : memref<10048x128xbf16, #tpu.memory_space<vmem_shared>> -> memref<125x128xbf16, #tpu.memory_space<vmem_shared>>
      %dma_start3A_82 = arith.constant 0 : i32
      %dma_start3A_83 = tpu.memref_slice %arg15[%add3A_37, %dma_start3A_82] : memref<10048x128xbf16, #tpu.memory_space<vmem_shared>> -> memref<125x128xbf16, #tpu.memory_space<vmem_shared>>
      tpu.enqueue_dma source(%arg10 : memref<125x128xbf16, #tpu.memory_space<vmem>>) target(%dma_start3A_83 : memref<125x128xbf16, #tpu.memory_space<vmem_shared>>) target_semaphore(%run_scoped3A_80 : memref<!tpu.dma_semaphore, #tpu.memory_space<semaphore_mem>>)
      %dma_wait3A = arith.constant 0 : i32
      %dma_wait3A_84 = tpu.memref_slice %arg15[%add3A_37, %dma_wait3A] : memref<10048x128xbf16, #tpu.memory_space<vmem_shared>> -> memref<125x128xbf16, #tpu.memory_space<vmem_shared>>
      %dma_wait3A_85 = arith.constant 0 : i32
      %dma_wait3A_86 = tpu.memref_slice %arg15[%add3A_37, %dma_wait3A_85] : memref<10048x128xbf16, #tpu.memory_space<vmem_shared>> -> memref<125x128xbf16, #tpu.memory_space<vmem_shared>>
      tpu.wait_dma2 semaphore(%run_scoped3A_80 : memref<!tpu.dma_semaphore, #tpu.memory_space<semaphore_mem>>) src(%arg10 : memref<125x128xbf16, #tpu.memory_space<vmem>>) dst(%dma_wait3A_86 : memref<125x128xbf16, #tpu.memory_space<vmem_shared>>)
      tpu.yield
    }) : () -> ()
    %add3A_38 = arith.constant 0 : i32
    %add3A_39 = arith.addi %mul3A_25, %add3A_38 : i32
    "tpu.region"() ({
      %run_scoped3A_80 = tpu.sem_alloc : memref<!tpu.dma_semaphore, #tpu.memory_space<semaphore_mem>>
      %dma_start3A = arith.constant 0 : i32
      %dma_start3A_81 = tpu.memref_slice %arg16[%add3A_39, %dma_start3A] : memref<10048x32xbf16, #tpu.memory_space<vmem_shared>> -> memref<125x32xbf16, #tpu.memory_space<vmem_shared>>
      %dma_start3A_82 = arith.constant 0 : i32
      %dma_start3A_83 = tpu.memref_slice %arg16[%add3A_39, %dma_start3A_82] : memref<10048x32xbf16, #tpu.memory_space<vmem_shared>> -> memref<125x32xbf16, #tpu.memory_space<vmem_shared>>
      tpu.enqueue_dma source(%arg13 : memref<125x32xbf16, #tpu.memory_space<vmem>>) target(%dma_start3A_83 : memref<125x32xbf16, #tpu.memory_space<vmem_shared>>) target_semaphore(%run_scoped3A_80 : memref<!tpu.dma_semaphore, #tpu.memory_space<semaphore_mem>>)
      %dma_wait3A = arith.constant 0 : i32
      %dma_wait3A_84 = tpu.memref_slice %arg16[%add3A_39, %dma_wait3A] : memref<10048x32xbf16, #tpu.memory_space<vmem_shared>> -> memref<125x32xbf16, #tpu.memory_space<vmem_shared>>
      %dma_wait3A_85 = arith.constant 0 : i32
      %dma_wait3A_86 = tpu.memref_slice %arg16[%add3A_39, %dma_wait3A_85] : memref<10048x32xbf16, #tpu.memory_space<vmem_shared>> -> memref<125x32xbf16, #tpu.memory_space<vmem_shared>>
      tpu.wait_dma2 semaphore(%run_scoped3A_80 : memref<!tpu.dma_semaphore, #tpu.memory_space<semaphore_mem>>) src(%arg13 : memref<125x32xbf16, #tpu.memory_space<vmem>>) dst(%dma_wait3A_86 : memref<125x32xbf16, #tpu.memory_space<vmem_shared>>)
      tpu.yield
    }) : () -> ()
    %add3A_40 = arith.constant 125 : i32
    %add3A_41 = arith.addi %mul3A_25, %add3A_40 : i32
    "tpu.region"() ({
      %run_scoped3A_80 = tpu.sem_alloc : memref<!tpu.dma_semaphore, #tpu.memory_space<semaphore_mem>>
      %dma_start3A = arith.constant 0 : i32
      %dma_start3A_81 = tpu.memref_slice %arg15[%add3A_41, %dma_start3A] : memref<10048x128xbf16, #tpu.memory_space<vmem_shared>> -> memref<125x128xbf16, #tpu.memory_space<vmem_shared>>
      %dma_start3A_82 = arith.constant 0 : i32
      %dma_start3A_83 = tpu.memref_slice %arg15[%add3A_41, %dma_start3A_82] : memref<10048x128xbf16, #tpu.memory_space<vmem_shared>> -> memref<125x128xbf16, #tpu.memory_space<vmem_shared>>
      tpu.enqueue_dma source(%arg10 : memref<125x128xbf16, #tpu.memory_space<vmem>>) target(%dma_start3A_83 : memref<125x128xbf16, #tpu.memory_space<vmem_shared>>) target_semaphore(%run_scoped3A_80 : memref<!tpu.dma_semaphore, #tpu.memory_space<semaphore_mem>>)
      %dma_wait3A = arith.constant 0 : i32
      %dma_wait3A_84 = tpu.memref_slice %arg15[%add3A_41, %dma_wait3A] : memref<10048x128xbf16, #tpu.memory_space<vmem_shared>> -> memref<125x128xbf16, #tpu.memory_space<vmem_shared>>
      %dma_wait3A_85 = arith.constant 0 : i32
      %dma_wait3A_86 = tpu.memref_slice %arg15[%add3A_41, %dma_wait3A_85] : memref<10048x128xbf16, #tpu.memory_space<vmem_shared>> -> memref<125x128xbf16, #tpu.memory_space<vmem_shared>>
      tpu.wait_dma2 semaphore(%run_scoped3A_80 : memref<!tpu.dma_semaphore, #tpu.memory_space<semaphore_mem>>) src(%arg10 : memref<125x128xbf16, #tpu.memory_space<vmem>>) dst(%dma_wait3A_86 : memref<125x128xbf16, #tpu.memory_space<vmem_shared>>)
      tpu.yield
    }) : () -> ()
    %add3A_42 = arith.constant 125 : i32
    %add3A_43 = arith.addi %mul3A_25, %add3A_42 : i32
    "tpu.region"() ({
      %run_scoped3A_80 = tpu.sem_alloc : memref<!tpu.dma_semaphore, #tpu.memory_space<semaphore_mem>>
      %dma_start3A = arith.constant 0 : i32
      %dma_start3A_81 = tpu.memref_slice %arg16[%add3A_43, %dma_start3A] : memref<10048x32xbf16, #tpu.memory_space<vmem_shared>> -> memref<125x32xbf16, #tpu.memory_space<vmem_shared>>
      %dma_start3A_82 = arith.constant 0 : i32
      %dma_start3A_83 = tpu.memref_slice %arg16[%add3A_43, %dma_start3A_82] : memref<10048x32xbf16, #tpu.memory_space<vmem_shared>> -> memref<125x32xbf16, #tpu.memory_space<vmem_shared>>
      tpu.enqueue_dma source(%arg13 : memref<125x32xbf16, #tpu.memory_space<vmem>>) target(%dma_start3A_83 : memref<125x32xbf16, #tpu.memory_space<vmem_shared>>) target_semaphore(%run_scoped3A_80 : memref<!tpu.dma_semaphore, #tpu.memory_space<semaphore_mem>>)
      %dma_wait3A = arith.constant 0 : i32
      %dma_wait3A_84 = tpu.memref_slice %arg16[%add3A_43, %dma_wait3A] : memref<10048x32xbf16, #tpu.memory_space<vmem_shared>> -> memref<125x32xbf16, #tpu.memory_space<vmem_shared>>
      %dma_wait3A_85 = arith.constant 0 : i32
      %dma_wait3A_86 = tpu.memref_slice %arg16[%add3A_43, %dma_wait3A_85] : memref<10048x32xbf16, #tpu.memory_space<vmem_shared>> -> memref<125x32xbf16, #tpu.memory_space<vmem_shared>>
      tpu.wait_dma2 semaphore(%run_scoped3A_80 : memref<!tpu.dma_semaphore, #tpu.memory_space<semaphore_mem>>) src(%arg13 : memref<125x32xbf16, #tpu.memory_space<vmem>>) dst(%dma_wait3A_86 : memref<125x32xbf16, #tpu.memory_space<vmem_shared>>)
      tpu.yield
    }) : () -> ()
    %add3A_44 = arith.constant 250 : i32
    %add3A_45 = arith.addi %mul3A_25, %add3A_44 : i32
    "tpu.region"() ({
      %run_scoped3A_80 = tpu.sem_alloc : memref<!tpu.dma_semaphore, #tpu.memory_space<semaphore_mem>>
      %dma_start3A = arith.constant 0 : i32
      %dma_start3A_81 = tpu.memref_slice %arg15[%add3A_45, %dma_start3A] : memref<10048x128xbf16, #tpu.memory_space<vmem_shared>> -> memref<125x128xbf16, #tpu.memory_space<vmem_shared>>
      %dma_start3A_82 = arith.constant 0 : i32
      %dma_start3A_83 = tpu.memref_slice %arg15[%add3A_45, %dma_start3A_82] : memref<10048x128xbf16, #tpu.memory_space<vmem_shared>> -> memref<125x128xbf16, #tpu.memory_space<vmem_shared>>
      tpu.enqueue_dma source(%arg10 : memref<125x128xbf16, #tpu.memory_space<vmem>>) target(%dma_start3A_83 : memref<125x128xbf16, #tpu.memory_space<vmem_shared>>) target_semaphore(%run_scoped3A_80 : memref<!tpu.dma_semaphore, #tpu.memory_space<semaphore_mem>>)
      %dma_wait3A = arith.constant 0 : i32
      %dma_wait3A_84 = tpu.memref_slice %arg15[%add3A_45, %dma_wait3A] : memref<10048x128xbf16, #tpu.memory_space<vmem_shared>> -> memref<125x128xbf16, #tpu.memory_space<vmem_shared>>
      %dma_wait3A_85 = arith.constant 0 : i32
      %dma_wait3A_86 = tpu.memref_slice %arg15[%add3A_45, %dma_wait3A_85] : memref<10048x128xbf16, #tpu.memory_space<vmem_shared>> -> memref<125x128xbf16, #tpu.memory_space<vmem_shared>>
      tpu.wait_dma2 semaphore(%run_scoped3A_80 : memref<!tpu.dma_semaphore, #tpu.memory_space<semaphore_mem>>) src(%arg10 : memref<125x128xbf16, #tpu.memory_space<vmem>>) dst(%dma_wait3A_86 : memref<125x128xbf16, #tpu.memory_space<vmem_shared>>)
      tpu.yield
    }) : () -> ()
    %add3A_46 = arith.constant 250 : i32
    %add3A_47 = arith.addi %mul3A_25, %add3A_46 : i32
    "tpu.region"() ({
      %run_scoped3A_80 = tpu.sem_alloc : memref<!tpu.dma_semaphore, #tpu.memory_space<semaphore_mem>>
      %dma_start3A = arith.constant 0 : i32
      %dma_start3A_81 = tpu.memref_slice %arg16[%add3A_47, %dma_start3A] : memref<10048x32xbf16, #tpu.memory_space<vmem_shared>> -> memref<125x32xbf16, #tpu.memory_space<vmem_shared>>
      %dma_start3A_82 = arith.constant 0 : i32
      %dma_start3A_83 = tpu.memref_slice %arg16[%add3A_47, %dma_start3A_82] : memref<10048x32xbf16, #tpu.memory_space<vmem_shared>> -> memref<125x32xbf16, #tpu.memory_space<vmem_shared>>
      tpu.enqueue_dma source(%arg13 : memref<125x32xbf16, #tpu.memory_space<vmem>>) target(%dma_start3A_83 : memref<125x32xbf16, #tpu.memory_space<vmem_shared>>) target_semaphore(%run_scoped3A_80 : memref<!tpu.dma_semaphore, #tpu.memory_space<semaphore_mem>>)
      %dma_wait3A = arith.constant 0 : i32
      %dma_wait3A_84 = tpu.memref_slice %arg16[%add3A_47, %dma_wait3A] : memref<10048x32xbf16, #tpu.memory_space<vmem_shared>> -> memref<125x32xbf16, #tpu.memory_space<vmem_shared>>
      %dma_wait3A_85 = arith.constant 0 : i32
      %dma_wait3A_86 = tpu.memref_slice %arg16[%add3A_47, %dma_wait3A_85] : memref<10048x32xbf16, #tpu.memory_space<vmem_shared>> -> memref<125x32xbf16, #tpu.memory_space<vmem_shared>>
      tpu.wait_dma2 semaphore(%run_scoped3A_80 : memref<!tpu.dma_semaphore, #tpu.memory_space<semaphore_mem>>) src(%arg13 : memref<125x32xbf16, #tpu.memory_space<vmem>>) dst(%dma_wait3A_86 : memref<125x32xbf16, #tpu.memory_space<vmem_shared>>)
      tpu.yield
    }) : () -> ()
    %add3A_48 = arith.constant 375 : i32
    %add3A_49 = arith.addi %mul3A_25, %add3A_48 : i32
    "tpu.region"() ({
      %run_scoped3A_80 = tpu.sem_alloc : memref<!tpu.dma_semaphore, #tpu.memory_space<semaphore_mem>>
      %dma_start3A = arith.constant 0 : i32
      %dma_start3A_81 = tpu.memref_slice %arg15[%add3A_49, %dma_start3A] : memref<10048x128xbf16, #tpu.memory_space<vmem_shared>> -> memref<125x128xbf16, #tpu.memory_space<vmem_shared>>
      %dma_start3A_82 = arith.constant 0 : i32
      %dma_start3A_83 = tpu.memref_slice %arg15[%add3A_49, %dma_start3A_82] : memref<10048x128xbf16, #tpu.memory_space<vmem_shared>> -> memref<125x128xbf16, #tpu.memory_space<vmem_shared>>
      tpu.enqueue_dma source(%arg10 : memref<125x128xbf16, #tpu.memory_space<vmem>>) target(%dma_start3A_83 : memref<125x128xbf16, #tpu.memory_space<vmem_shared>>) target_semaphore(%run_scoped3A_80 : memref<!tpu.dma_semaphore, #tpu.memory_space<semaphore_mem>>)
      %dma_wait3A = arith.constant 0 : i32
      %dma_wait3A_84 = tpu.memref_slice %arg15[%add3A_49, %dma_wait3A] : memref<10048x128xbf16, #tpu.memory_space<vmem_shared>> -> memref<125x128xbf16, #tpu.memory_space<vmem_shared>>
      %dma_wait3A_85 = arith.constant 0 : i32
      %dma_wait3A_86 = tpu.memref_slice %arg15[%add3A_49, %dma_wait3A_85] : memref<10048x128xbf16, #tpu.memory_space<vmem_shared>> -> memref<125x128xbf16, #tpu.memory_space<vmem_shared>>
      tpu.wait_dma2 semaphore(%run_scoped3A_80 : memref<!tpu.dma_semaphore, #tpu.memory_space<semaphore_mem>>) src(%arg10 : memref<125x128xbf16, #tpu.memory_space<vmem>>) dst(%dma_wait3A_86 : memref<125x128xbf16, #tpu.memory_space<vmem_shared>>)
      tpu.yield
    }) : () -> ()
    %add3A_50 = arith.constant 375 : i32
    %add3A_51 = arith.addi %mul3A_25, %add3A_50 : i32
    "tpu.region"() ({
      %run_scoped3A_80 = tpu.sem_alloc : memref<!tpu.dma_semaphore, #tpu.memory_space<semaphore_mem>>
      %dma_start3A = arith.constant 0 : i32
      %dma_start3A_81 = tpu.memref_slice %arg16[%add3A_51, %dma_start3A] : memref<10048x32xbf16, #tpu.memory_space<vmem_shared>> -> memref<125x32xbf16, #tpu.memory_space<vmem_shared>>
      %dma_start3A_82 = arith.constant 0 : i32
      %dma_start3A_83 = tpu.memref_slice %arg16[%add3A_51, %dma_start3A_82] : memref<10048x32xbf16, #tpu.memory_space<vmem_shared>> -> memref<125x32xbf16, #tpu.memory_space<vmem_shared>>
      tpu.enqueue_dma source(%arg13 : memref<125x32xbf16, #tpu.memory_space<vmem>>) target(%dma_start3A_83 : memref<125x32xbf16, #tpu.memory_space<vmem_shared>>) target_semaphore(%run_scoped3A_80 : memref<!tpu.dma_semaphore, #tpu.memory_space<semaphore_mem>>)
      %dma_wait3A = arith.constant 0 : i32
      %dma_wait3A_84 = tpu.memref_slice %arg16[%add3A_51, %dma_wait3A] : memref<10048x32xbf16, #tpu.memory_space<vmem_shared>> -> memref<125x32xbf16, #tpu.memory_space<vmem_shared>>
      %dma_wait3A_85 = arith.constant 0 : i32
      %dma_wait3A_86 = tpu.memref_slice %arg16[%add3A_51, %dma_wait3A_85] : memref<10048x32xbf16, #tpu.memory_space<vmem_shared>> -> memref<125x32xbf16, #tpu.memory_space<vmem_shared>>
      tpu.wait_dma2 semaphore(%run_scoped3A_80 : memref<!tpu.dma_semaphore, #tpu.memory_space<semaphore_mem>>) src(%arg13 : memref<125x32xbf16, #tpu.memory_space<vmem>>) dst(%dma_wait3A_86 : memref<125x32xbf16, #tpu.memory_space<vmem_shared>>)
      tpu.yield
    }) : () -> ()
    %add3A_52 = arith.constant 500 : i32
    %add3A_53 = arith.addi %mul3A_25, %add3A_52 : i32
    "tpu.region"() ({
      %run_scoped3A_80 = tpu.sem_alloc : memref<!tpu.dma_semaphore, #tpu.memory_space<semaphore_mem>>
      %dma_start3A = arith.constant 0 : i32
      %dma_start3A_81 = tpu.memref_slice %arg15[%add3A_53, %dma_start3A] : memref<10048x128xbf16, #tpu.memory_space<vmem_shared>> -> memref<125x128xbf16, #tpu.memory_space<vmem_shared>>
      %dma_start3A_82 = arith.constant 0 : i32
      %dma_start3A_83 = tpu.memref_slice %arg15[%add3A_53, %dma_start3A_82] : memref<10048x128xbf16, #tpu.memory_space<vmem_shared>> -> memref<125x128xbf16, #tpu.memory_space<vmem_shared>>
      tpu.enqueue_dma source(%arg10 : memref<125x128xbf16, #tpu.memory_space<vmem>>) target(%dma_start3A_83 : memref<125x128xbf16, #tpu.memory_space<vmem_shared>>) target_semaphore(%run_scoped3A_80 : memref<!tpu.dma_semaphore, #tpu.memory_space<semaphore_mem>>)
      %dma_wait3A = arith.constant 0 : i32
      %dma_wait3A_84 = tpu.memref_slice %arg15[%add3A_53, %dma_wait3A] : memref<10048x128xbf16, #tpu.memory_space<vmem_shared>> -> memref<125x128xbf16, #tpu.memory_space<vmem_shared>>
      %dma_wait3A_85 = arith.constant 0 : i32
      %dma_wait3A_86 = tpu.memref_slice %arg15[%add3A_53, %dma_wait3A_85] : memref<10048x128xbf16, #tpu.memory_space<vmem_shared>> -> memref<125x128xbf16, #tpu.memory_space<vmem_shared>>
      tpu.wait_dma2 semaphore(%run_scoped3A_80 : memref<!tpu.dma_semaphore, #tpu.memory_space<semaphore_mem>>) src(%arg10 : memref<125x128xbf16, #tpu.memory_space<vmem>>) dst(%dma_wait3A_86 : memref<125x128xbf16, #tpu.memory_space<vmem_shared>>)
      tpu.yield
    }) : () -> ()
    %add3A_54 = arith.constant 500 : i32
    %add3A_55 = arith.addi %mul3A_25, %add3A_54 : i32
    "tpu.region"() ({
      %run_scoped3A_80 = tpu.sem_alloc : memref<!tpu.dma_semaphore, #tpu.memory_space<semaphore_mem>>
      %dma_start3A = arith.constant 0 : i32
      %dma_start3A_81 = tpu.memref_slice %arg16[%add3A_55, %dma_start3A] : memref<10048x32xbf16, #tpu.memory_space<vmem_shared>> -> memref<125x32xbf16, #tpu.memory_space<vmem_shared>>
      %dma_start3A_82 = arith.constant 0 : i32
      %dma_start3A_83 = tpu.memref_slice %arg16[%add3A_55, %dma_start3A_82] : memref<10048x32xbf16, #tpu.memory_space<vmem_shared>> -> memref<125x32xbf16, #tpu.memory_space<vmem_shared>>
      tpu.enqueue_dma source(%arg13 : memref<125x32xbf16, #tpu.memory_space<vmem>>) target(%dma_start3A_83 : memref<125x32xbf16, #tpu.memory_space<vmem_shared>>) target_semaphore(%run_scoped3A_80 : memref<!tpu.dma_semaphore, #tpu.memory_space<semaphore_mem>>)
      %dma_wait3A = arith.constant 0 : i32
      %dma_wait3A_84 = tpu.memref_slice %arg16[%add3A_55, %dma_wait3A] : memref<10048x32xbf16, #tpu.memory_space<vmem_shared>> -> memref<125x32xbf16, #tpu.memory_space<vmem_shared>>
      %dma_wait3A_85 = arith.constant 0 : i32
      %dma_wait3A_86 = tpu.memref_slice %arg16[%add3A_55, %dma_wait3A_85] : memref<10048x32xbf16, #tpu.memory_space<vmem_shared>> -> memref<125x32xbf16, #tpu.memory_space<vmem_shared>>
      tpu.wait_dma2 semaphore(%run_scoped3A_80 : memref<!tpu.dma_semaphore, #tpu.memory_space<semaphore_mem>>) src(%arg13 : memref<125x32xbf16, #tpu.memory_space<vmem>>) dst(%dma_wait3A_86 : memref<125x32xbf16, #tpu.memory_space<vmem_shared>>)
      tpu.yield
    }) : () -> ()
    %add3A_56 = arith.constant 625 : i32
    %add3A_57 = arith.addi %mul3A_25, %add3A_56 : i32
    "tpu.region"() ({
      %run_scoped3A_80 = tpu.sem_alloc : memref<!tpu.dma_semaphore, #tpu.memory_space<semaphore_mem>>
      %dma_start3A = arith.constant 0 : i32
      %dma_start3A_81 = arith.constant 0 : i32
      %dma_start3A_82 = tpu.memref_slice %arg10[%dma_start3A, %dma_start3A_81] : memref<125x128xbf16, #tpu.memory_space<vmem>> -> memref<3x128xbf16, #tpu.memory_space<vmem>>
      %dma_start3A_83 = arith.constant 0 : i32
      %dma_start3A_84 = tpu.memref_slice %arg15[%add3A_57, %dma_start3A_83] : memref<10048x128xbf16, #tpu.memory_space<vmem_shared>> -> memref<3x128xbf16, #tpu.memory_space<vmem_shared>>
      %dma_start3A_85 = arith.constant 0 : i32
      %dma_start3A_86 = tpu.memref_slice %arg15[%add3A_57, %dma_start3A_85] : memref<10048x128xbf16, #tpu.memory_space<vmem_shared>> -> memref<3x128xbf16, #tpu.memory_space<vmem_shared>>
      %dma_start3A_87 = arith.constant 0 : i32
      %dma_start3A_88 = arith.constant 0 : i32
      %dma_start3A_89 = tpu.memref_slice %arg10[%dma_start3A_87, %dma_start3A_88] : memref<125x128xbf16, #tpu.memory_space<vmem>> -> memref<3x128xbf16, #tpu.memory_space<vmem>>
      tpu.enqueue_dma source(%dma_start3A_89 : memref<3x128xbf16, #tpu.memory_space<vmem>>) target(%dma_start3A_86 : memref<3x128xbf16, #tpu.memory_space<vmem_shared>>) target_semaphore(%run_scoped3A_80 : memref<!tpu.dma_semaphore, #tpu.memory_space<semaphore_mem>>)
      %dma_wait3A = arith.constant 0 : i32
      %dma_wait3A_90 = arith.constant 0 : i32
      %dma_wait3A_91 = tpu.memref_slice %arg10[%dma_wait3A, %dma_wait3A_90] : memref<125x128xbf16, #tpu.memory_space<vmem>> -> memref<3x128xbf16, #tpu.memory_space<vmem>>
      %dma_wait3A_92 = arith.constant 0 : i32
      %dma_wait3A_93 = tpu.memref_slice %arg15[%add3A_57, %dma_wait3A_92] : memref<10048x128xbf16, #tpu.memory_space<vmem_shared>> -> memref<3x128xbf16, #tpu.memory_space<vmem_shared>>
      %dma_wait3A_94 = arith.constant 0 : i32
      %dma_wait3A_95 = tpu.memref_slice %arg15[%add3A_57, %dma_wait3A_94] : memref<10048x128xbf16, #tpu.memory_space<vmem_shared>> -> memref<3x128xbf16, #tpu.memory_space<vmem_shared>>
      %dma_wait3A_96 = arith.constant 0 : i32
      %dma_wait3A_97 = arith.constant 0 : i32
      %dma_wait3A_98 = tpu.memref_slice %arg10[%dma_wait3A_96, %dma_wait3A_97] : memref<125x128xbf16, #tpu.memory_space<vmem>> -> memref<3x128xbf16, #tpu.memory_space<vmem>>
      tpu.wait_dma2 semaphore(%run_scoped3A_80 : memref<!tpu.dma_semaphore, #tpu.memory_space<semaphore_mem>>) src(%dma_wait3A_98 : memref<3x128xbf16, #tpu.memory_space<vmem>>) dst(%dma_wait3A_95 : memref<3x128xbf16, #tpu.memory_space<vmem_shared>>)
      tpu.yield
    }) : () -> ()
    "tpu.region"() ({
      %run_scoped3A_80 = tpu.sem_alloc : memref<!tpu.dma_semaphore, #tpu.memory_space<semaphore_mem>>
      %dma_start3A = arith.constant 0 : i32
      %dma_start3A_81 = arith.constant 0 : i32
      %dma_start3A_82 = tpu.memref_slice %arg13[%dma_start3A, %dma_start3A_81] : memref<125x32xbf16, #tpu.memory_space<vmem>> -> memref<3x32xbf16, #tpu.memory_space<vmem>>
      %dma_start3A_83 = arith.constant 0 : i32
      %dma_start3A_84 = tpu.memref_slice %arg16[%add3A_57, %dma_start3A_83] : memref<10048x32xbf16, #tpu.memory_space<vmem_shared>> -> memref<3x32xbf16, #tpu.memory_space<vmem_shared>>
      %dma_start3A_85 = arith.constant 0 : i32
      %dma_start3A_86 = tpu.memref_slice %arg16[%add3A_57, %dma_start3A_85] : memref<10048x32xbf16, #tpu.memory_space<vmem_shared>> -> memref<3x32xbf16, #tpu.memory_space<vmem_shared>>
      %dma_start3A_87 = arith.constant 0 : i32
      %dma_start3A_88 = arith.constant 0 : i32
      %dma_start3A_89 = tpu.memref_slice %arg13[%dma_start3A_87, %dma_start3A_88] : memref<125x32xbf16, #tpu.memory_space<vmem>> -> memref<3x32xbf16, #tpu.memory_space<vmem>>
      tpu.enqueue_dma source(%dma_start3A_89 : memref<3x32xbf16, #tpu.memory_space<vmem>>) target(%dma_start3A_86 : memref<3x32xbf16, #tpu.memory_space<vmem_shared>>) target_semaphore(%run_scoped3A_80 : memref<!tpu.dma_semaphore, #tpu.memory_space<semaphore_mem>>)
      %dma_wait3A = arith.constant 0 : i32
      %dma_wait3A_90 = arith.constant 0 : i32
      %dma_wait3A_91 = tpu.memref_slice %arg13[%dma_wait3A, %dma_wait3A_90] : memref<125x32xbf16, #tpu.memory_space<vmem>> -> memref<3x32xbf16, #tpu.memory_space<vmem>>
      %dma_wait3A_92 = arith.constant 0 : i32
      %dma_wait3A_93 = tpu.memref_slice %arg16[%add3A_57, %dma_wait3A_92] : memref<10048x32xbf16, #tpu.memory_space<vmem_shared>> -> memref<3x32xbf16, #tpu.memory_space<vmem_shared>>
      %dma_wait3A_94 = arith.constant 0 : i32
      %dma_wait3A_95 = tpu.memref_slice %arg16[%add3A_57, %dma_wait3A_94] : memref<10048x32xbf16, #tpu.memory_space<vmem_shared>> -> memref<3x32xbf16, #tpu.memory_space<vmem_shared>>
      %dma_wait3A_96 = arith.constant 0 : i32
      %dma_wait3A_97 = arith.constant 0 : i32
      %dma_wait3A_98 = tpu.memref_slice %arg13[%dma_wait3A_96, %dma_wait3A_97] : memref<125x32xbf16, #tpu.memory_space<vmem>> -> memref<3x32xbf16, #tpu.memory_space<vmem>>
      tpu.wait_dma2 semaphore(%run_scoped3A_80 : memref<!tpu.dma_semaphore, #tpu.memory_space<semaphore_mem>>) src(%dma_wait3A_98 : memref<3x32xbf16, #tpu.memory_space<vmem>>) dst(%dma_wait3A_95 : memref<3x32xbf16, #tpu.memory_space<vmem_shared>>)
      tpu.yield
    }) : () -> ()
    %mul3A_58 = arith.constant 80 : i32
    %mul3A_59 = arith.muli %add3A, %mul3A_58 : i32
    %run_scoped3A = arith.constant 0 : i32
    "tpu.region"() ({
      %run_scoped3A_80 = tpu.sem_alloc : memref<!tpu.dma_semaphore, #tpu.memory_space<semaphore_mem>>
      %dma_start3A = arith.constant 0 : i32
      %dma_start3A_81 = tpu.memref_slice %arg2[%run_scoped3A, %mul3A_59, %dma_start3A] : memref<2x2560x125xi32, #tpu.memory_space<hbm>> -> memref<1x80x125xi32, #tpu.memory_space<hbm>>
      %dma_start3A_82 = tpu.memref_squeeze %dma_start3A_81 : memref<1x80x125xi32, #tpu.memory_space<hbm>> -> memref<80x125xi32, #tpu.memory_space<hbm>>
      %dma_start3A_83 = arith.constant 0 : i32
      %dma_start3A_84 = tpu.memref_slice %arg2[%run_scoped3A, %mul3A_59, %dma_start3A_83] : memref<2x2560x125xi32, #tpu.memory_space<hbm>> -> memref<1x80x125xi32, #tpu.memory_space<hbm>>
      %dma_start3A_85 = tpu.memref_squeeze %dma_start3A_84 : memref<1x80x125xi32, #tpu.memory_space<hbm>> -> memref<80x125xi32, #tpu.memory_space<hbm>>
      tpu.enqueue_dma source(%dma_start3A_85 : memref<80x125xi32, #tpu.memory_space<hbm>>) target(%arg8 : memref<80x125xi32, #tpu.memory_space<vmem>>) target_semaphore(%run_scoped3A_80 : memref<!tpu.dma_semaphore, #tpu.memory_space<semaphore_mem>>)
      %dma_wait3A = arith.constant 0 : i32
      %dma_wait3A_86 = tpu.memref_slice %arg2[%run_scoped3A, %mul3A_59, %dma_wait3A] : memref<2x2560x125xi32, #tpu.memory_space<hbm>> -> memref<1x80x125xi32, #tpu.memory_space<hbm>>
      %dma_wait3A_87 = tpu.memref_squeeze %dma_wait3A_86 : memref<1x80x125xi32, #tpu.memory_space<hbm>> -> memref<80x125xi32, #tpu.memory_space<hbm>>
      %dma_wait3A_88 = arith.constant 0 : i32
      %dma_wait3A_89 = tpu.memref_slice %arg2[%run_scoped3A, %mul3A_59, %dma_wait3A_88] : memref<2x2560x125xi32, #tpu.memory_space<hbm>> -> memref<1x80x125xi32, #tpu.memory_space<hbm>>
      %dma_wait3A_90 = tpu.memref_squeeze %dma_wait3A_89 : memref<1x80x125xi32, #tpu.memory_space<hbm>> -> memref<80x125xi32, #tpu.memory_space<hbm>>
      tpu.wait_dma2 semaphore(%run_scoped3A_80 : memref<!tpu.dma_semaphore, #tpu.memory_space<semaphore_mem>>) src(%dma_wait3A_90 : memref<80x125xi32, #tpu.memory_space<hbm>>) dst(%arg8 : memref<80x125xi32, #tpu.memory_space<vmem>>)
      tpu.yield
    }) : () -> ()
    %mul3A_60 = arith.constant 80 : i32
    %mul3A_61 = arith.muli %add3A, %mul3A_60 : i32
    %run_scoped3A_62 = arith.constant 1 : i32
    "tpu.region"() ({
      %run_scoped3A_80 = tpu.sem_alloc : memref<!tpu.dma_semaphore, #tpu.memory_space<semaphore_mem>>
      %dma_start3A = arith.constant 0 : i32
      %dma_start3A_81 = tpu.memref_slice %arg2[%run_scoped3A_62, %mul3A_61, %dma_start3A] : memref<2x2560x125xi32, #tpu.memory_space<hbm>> -> memref<1x80x125xi32, #tpu.memory_space<hbm>>
      %dma_start3A_82 = tpu.memref_squeeze %dma_start3A_81 : memref<1x80x125xi32, #tpu.memory_space<hbm>> -> memref<80x125xi32, #tpu.memory_space<hbm>>
      %dma_start3A_83 = arith.constant 0 : i32
      %dma_start3A_84 = tpu.memref_slice %arg2[%run_scoped3A_62, %mul3A_61, %dma_start3A_83] : memref<2x2560x125xi32, #tpu.memory_space<hbm>> -> memref<1x80x125xi32, #tpu.memory_space<hbm>>
      %dma_start3A_85 = tpu.memref_squeeze %dma_start3A_84 : memref<1x80x125xi32, #tpu.memory_space<hbm>> -> memref<80x125xi32, #tpu.memory_space<hbm>>
      tpu.enqueue_dma source(%dma_start3A_85 : memref<80x125xi32, #tpu.memory_space<hbm>>) target(%arg9 : memref<80x125xi32, #tpu.memory_space<vmem>>) target_semaphore(%run_scoped3A_80 : memref<!tpu.dma_semaphore, #tpu.memory_space<semaphore_mem>>)
      %dma_wait3A = arith.constant 0 : i32
      %dma_wait3A_86 = tpu.memref_slice %arg2[%run_scoped3A_62, %mul3A_61, %dma_wait3A] : memref<2x2560x125xi32, #tpu.memory_space<hbm>> -> memref<1x80x125xi32, #tpu.memory_space<hbm>>
      %dma_wait3A_87 = tpu.memref_squeeze %dma_wait3A_86 : memref<1x80x125xi32, #tpu.memory_space<hbm>> -> memref<80x125xi32, #tpu.memory_space<hbm>>
      %dma_wait3A_88 = arith.constant 0 : i32
      %dma_wait3A_89 = tpu.memref_slice %arg2[%run_scoped3A_62, %mul3A_61, %dma_wait3A_88] : memref<2x2560x125xi32, #tpu.memory_space<hbm>> -> memref<1x80x125xi32, #tpu.memory_space<hbm>>
      %dma_wait3A_90 = tpu.memref_squeeze %dma_wait3A_89 : memref<1x80x125xi32, #tpu.memory_space<hbm>> -> memref<80x125xi32, #tpu.memory_space<hbm>>
      tpu.wait_dma2 semaphore(%run_scoped3A_80 : memref<!tpu.dma_semaphore, #tpu.memory_space<semaphore_mem>>) src(%dma_wait3A_90 : memref<80x125xi32, #tpu.memory_space<hbm>>) dst(%arg9 : memref<80x125xi32, #tpu.memory_space<vmem>>)
      tpu.yield
    }) : () -> ()
    %barrier3A = arith.constant 0 : index
    tpu.barrier barrier_id(%barrier3A)
    %scan3A_63 = arith.constant 0 : i32
    %scan3A_64 = arith.constant 0 : i32
    %scan3A_65 = arith.constant 5 : i32
    %scan3A_66 = arith.addi %scan3A_64, %scan3A_65 : i32
    %scan3A_67 = arith.constant 1 : i32
    %scan3A_68 = scf.for %scan3A_80 = %scan3A_64 to %scan3A_66 step %scan3A_67 iter_args(%scan3A_81 = %scan3A_63) -> (i32)  : i32 {
      %mul3A_82 = arith.constant 16 : i32
      %mul3A_83 = arith.muli %scan3A_80, %mul3A_82 : i32
      %dma_start3A = arith.constant 0 : i32
      %dma_start3A_84 = tpu.memref_slice %arg8[%mul3A_83, %dma_start3A] : memref<80x125xi32, #tpu.memory_space<vmem>> -> memref<1x125xi32, #tpu.memory_space<vmem>>
      %dma_start3A_85 = tpu.memref_squeeze %dma_start3A_84 : memref<1x125xi32, #tpu.memory_space<vmem>> -> memref<125xi32, #tpu.memory_space<vmem>>
      %dma_start3A_86 = arith.constant 0 : i32
      %dma_start3A_87 = arith.constant 0 : i32
      %dma_start3A_88 = tpu.memref_slice %arg14[%dma_start3A_86, %dma_start3A_87] : memref<10048x128xbf16, #tpu.memory_space<vmem_shared>> -> memref<10048x128xbf16, #tpu.memory_space<vmem_shared>>
      tpu.enqueue_indirect_dma source(%dma_start3A_88 : memref<10048x128xbf16, #tpu.memory_space<vmem_shared>>) target(%arg10 : memref<125x128xbf16, #tpu.memory_space<vmem>>) offsets(%dma_start3A_85 : memref<125xi32, #tpu.memory_space<vmem>>) semaphore(%arg17 : memref<!tpu.dma_semaphore, #tpu.memory_space<semaphore_mem>>)
      %add3A_89 = arith.constant 0 : i32
      %add3A_90 = arith.addi %mul3A_83, %add3A_89 : i32
      %add3A_91 = arith.constant 1 : i32
      %add3A_92 = arith.addi %add3A_90, %add3A_91 : i32
      %dma_start3A_93 = arith.constant 0 : i32
      %dma_start3A_94 = tpu.memref_slice %arg8[%add3A_92, %dma_start3A_93] : memref<80x125xi32, #tpu.memory_space<vmem>> -> memref<1x125xi32, #tpu.memory_space<vmem>>
      %dma_start3A_95 = tpu.memref_squeeze %dma_start3A_94 : memref<1x125xi32, #tpu.memory_space<vmem>> -> memref<125xi32, #tpu.memory_space<vmem>>
      %dma_start3A_96 = arith.constant 0 : i32
      %dma_start3A_97 = arith.constant 0 : i32
      %dma_start3A_98 = tpu.memref_slice %arg14[%dma_start3A_96, %dma_start3A_97] : memref<10048x128xbf16, #tpu.memory_space<vmem_shared>> -> memref<10048x128xbf16, #tpu.memory_space<vmem_shared>>
      tpu.enqueue_indirect_dma source(%dma_start3A_98 : memref<10048x128xbf16, #tpu.memory_space<vmem_shared>>) target(%arg11 : memref<125x128xbf16, #tpu.memory_space<vmem>>) offsets(%dma_start3A_95 : memref<125xi32, #tpu.memory_space<vmem>>) semaphore(%arg18 : memref<!tpu.dma_semaphore, #tpu.memory_space<semaphore_mem>>)
      %dma_wait3A = arith.constant 0 : i32
      %dma_wait3A_99 = tpu.memref_slice %arg8[%mul3A_83, %dma_wait3A] : memref<80x125xi32, #tpu.memory_space<vmem>> -> memref<1x125xi32, #tpu.memory_space<vmem>>
      %dma_wait3A_100 = tpu.memref_squeeze %dma_wait3A_99 : memref<1x125xi32, #tpu.memory_space<vmem>> -> memref<125xi32, #tpu.memory_space<vmem>>
      %dma_wait3A_101 = arith.constant 0 : i32
      %dma_wait3A_102 = arith.constant 0 : i32
      %dma_wait3A_103 = tpu.memref_slice %arg14[%dma_wait3A_101, %dma_wait3A_102] : memref<10048x128xbf16, #tpu.memory_space<vmem_shared>> -> memref<10048x128xbf16, #tpu.memory_space<vmem_shared>>
      tpu.wait_indirect_dma semaphore(%arg17 : memref<!tpu.dma_semaphore, #tpu.memory_space<semaphore_mem>>) src(%dma_wait3A_103 : memref<10048x128xbf16, #tpu.memory_space<vmem_shared>>) dst(%arg10 : memref<125x128xbf16, #tpu.memory_space<vmem>>)
      %add3A_104 = arith.constant 0 : i32
      %add3A_105 = arith.addi %mul3A_83, %add3A_104 : i32
      %dma_start3A_106 = arith.constant 0 : i32
      %dma_start3A_107 = tpu.memref_slice %arg9[%add3A_105, %dma_start3A_106] : memref<80x125xi32, #tpu.memory_space<vmem>> -> memref<1x125xi32, #tpu.memory_space<vmem>>
      %dma_start3A_108 = tpu.memref_squeeze %dma_start3A_107 : memref<1x125xi32, #tpu.memory_space<vmem>> -> memref<125xi32, #tpu.memory_space<vmem>>
      %dma_start3A_109 = arith.constant 0 : i32
      %dma_start3A_110 = arith.constant 0 : i32
      %dma_start3A_111 = tpu.memref_slice %arg15[%dma_start3A_109, %dma_start3A_110] : memref<10048x128xbf16, #tpu.memory_space<vmem_shared>> -> memref<10048x128xbf16, #tpu.memory_space<vmem_shared>>
      tpu.enqueue_indirect_dma source(%arg10 : memref<125x128xbf16, #tpu.memory_space<vmem>>) target(%dma_start3A_111 : memref<10048x128xbf16, #tpu.memory_space<vmem_shared>>) offsets(%dma_start3A_108 : memref<125xi32, #tpu.memory_space<vmem>>) semaphore(%arg19 : memref<!tpu.dma_semaphore, #tpu.memory_space<semaphore_mem>>) {add = true}
      %add3A_112 = arith.constant 0 : i32
      %add3A_113 = arith.addi %mul3A_83, %add3A_112 : i32
      %dma_start3A_114 = arith.constant 0 : i32
      %dma_start3A_115 = tpu.memref_slice %arg9[%add3A_113, %dma_start3A_114] : memref<80x125xi32, #tpu.memory_space<vmem>> -> memref<1x125xi32, #tpu.memory_space<vmem>>
      %dma_start3A_116 = tpu.memref_squeeze %dma_start3A_115 : memref<1x125xi32, #tpu.memory_space<vmem>> -> memref<125xi32, #tpu.memory_space<vmem>>
      %dma_start3A_117 = arith.constant 0 : i32
      %dma_start3A_118 = arith.constant 0 : i32
      %dma_start3A_119 = tpu.memref_slice %arg16[%dma_start3A_117, %dma_start3A_118] : memref<10048x32xbf16, #tpu.memory_space<vmem_shared>> -> memref<10048x32xbf16, #tpu.memory_space<vmem_shared>>
      tpu.enqueue_indirect_dma source(%arg12 : memref<125x32xbf16, #tpu.memory_space<vmem>>) target(%dma_start3A_119 : memref<10048x32xbf16, #tpu.memory_space<vmem_shared>>) offsets(%dma_start3A_116 : memref<125xi32, #tpu.memory_space<vmem>>) semaphore(%arg19 : memref<!tpu.dma_semaphore, #tpu.memory_space<semaphore_mem>>) {add = true}
      %dma_wait3A_120 = arith.constant 0 : i32
      %dma_wait3A_121 = tpu.memref_slice %arg9[%add3A_105, %dma_wait3A_120] : memref<80x125xi32, #tpu.memory_space<vmem>> -> memref<1x125xi32, #tpu.memory_space<vmem>>
      %dma_wait3A_122 = tpu.memref_squeeze %dma_wait3A_121 : memref<1x125xi32, #tpu.memory_space<vmem>> -> memref<125xi32, #tpu.memory_space<vmem>>
      %dma_wait3A_123 = arith.constant 0 : i32
      %dma_wait3A_124 = arith.constant 0 : i32
      %dma_wait3A_125 = tpu.memref_slice %arg15[%dma_wait3A_123, %dma_wait3A_124] : memref<10048x128xbf16, #tpu.memory_space<vmem_shared>> -> memref<10048x128xbf16, #tpu.memory_space<vmem_shared>>
      tpu.wait_indirect_dma semaphore(%arg19 : memref<!tpu.dma_semaphore, #tpu.memory_space<semaphore_mem>>) src(%arg10 : memref<125x128xbf16, #tpu.memory_space<vmem>>) dst(%dma_wait3A_125 : memref<10048x128xbf16, #tpu.memory_space<vmem_shared>>)
      %dma_wait3A_126 = arith.constant 0 : i32
      %dma_wait3A_127 = tpu.memref_slice %arg9[%add3A_113, %dma_wait3A_126] : memref<80x125xi32, #tpu.memory_space<vmem>> -> memref<1x125xi32, #tpu.memory_space<vmem>>
      %dma_wait3A_128 = tpu.memref_squeeze %dma_wait3A_127 : memref<1x125xi32, #tpu.memory_space<vmem>> -> memref<125xi32, #tpu.memory_space<vmem>>
      %dma_wait3A_129 = arith.constant 0 : i32
      %dma_wait3A_130 = arith.constant 0 : i32
      %dma_wait3A_131 = tpu.memref_slice %arg16[%dma_wait3A_129, %dma_wait3A_130] : memref<10048x32xbf16, #tpu.memory_space<vmem_shared>> -> memref<10048x32xbf16, #tpu.memory_space<vmem_shared>>
      tpu.wait_indirect_dma semaphore(%arg19 : memref<!tpu.dma_semaphore, #tpu.memory_space<semaphore_mem>>) src(%arg12 : memref<125x32xbf16, #tpu.memory_space<vmem>>) dst(%dma_wait3A_131 : memref<10048x32xbf16, #tpu.memory_space<vmem_shared>>)
      %add3A_132 = arith.constant 1 : i32
      %add3A_133 = arith.addi %mul3A_83, %add3A_132 : i32
      %add3A_134 = arith.constant 1 : i32
      %add3A_135 = arith.addi %add3A_133, %add3A_134 : i32
      %dma_start3A_136 = arith.constant 0 : i32
      %dma_start3A_137 = tpu.memref_slice %arg8[%add3A_135, %dma_start3A_136] : memref<80x125xi32, #tpu.memory_space<vmem>> -> memref<1x125xi32, #tpu.memory_space<vmem>>
      %dma_start3A_138 = tpu.memref_squeeze %dma_start3A_137 : memref<1x125xi32, #tpu.memory_space<vmem>> -> memref<125xi32, #tpu.memory_space<vmem>>
      %dma_start3A_139 = arith.constant 0 : i32
      %dma_start3A_140 = arith.constant 0 : i32
      %dma_start3A_141 = tpu.memref_slice %arg14[%dma_start3A_139, %dma_start3A_140] : memref<10048x128xbf16, #tpu.memory_space<vmem_shared>> -> memref<10048x128xbf16, #tpu.memory_space<vmem_shared>>
      tpu.enqueue_indirect_dma source(%dma_start3A_141 : memref<10048x128xbf16, #tpu.memory_space<vmem_shared>>) target(%arg10 : memref<125x128xbf16, #tpu.memory_space<vmem>>) offsets(%dma_start3A_138 : memref<125xi32, #tpu.memory_space<vmem>>) semaphore(%arg17 : memref<!tpu.dma_semaphore, #tpu.memory_space<semaphore_mem>>)
      %dma_wait3A_142 = arith.constant 0 : i32
      %dma_wait3A_143 = tpu.memref_slice %arg8[%add3A_92, %dma_wait3A_142] : memref<80x125xi32, #tpu.memory_space<vmem>> -> memref<1x125xi32, #tpu.memory_space<vmem>>
      %dma_wait3A_144 = tpu.memref_squeeze %dma_wait3A_143 : memref<1x125xi32, #tpu.memory_space<vmem>> -> memref<125xi32, #tpu.memory_space<vmem>>
      %dma_wait3A_145 = arith.constant 0 : i32
      %dma_wait3A_146 = arith.constant 0 : i32
      %dma_wait3A_147 = tpu.memref_slice %arg14[%dma_wait3A_145, %dma_wait3A_146] : memref<10048x128xbf16, #tpu.memory_space<vmem_shared>> -> memref<10048x128xbf16, #tpu.memory_space<vmem_shared>>
      tpu.wait_indirect_dma semaphore(%arg18 : memref<!tpu.dma_semaphore, #tpu.memory_space<semaphore_mem>>) src(%dma_wait3A_147 : memref<10048x128xbf16, #tpu.memory_space<vmem_shared>>) dst(%arg11 : memref<125x128xbf16, #tpu.memory_space<vmem>>)
      %add3A_148 = arith.constant 1 : i32
      %add3A_149 = arith.addi %mul3A_83, %add3A_148 : i32
      %dma_start3A_150 = arith.constant 0 : i32
      %dma_start3A_151 = tpu.memref_slice %arg9[%add3A_149, %dma_start3A_150] : memref<80x125xi32, #tpu.memory_space<vmem>> -> memref<1x125xi32, #tpu.memory_space<vmem>>
      %dma_start3A_152 = tpu.memref_squeeze %dma_start3A_151 : memref<1x125xi32, #tpu.memory_space<vmem>> -> memref<125xi32, #tpu.memory_space<vmem>>
      %dma_start3A_153 = arith.constant 0 : i32
      %dma_start3A_154 = arith.constant 0 : i32
      %dma_start3A_155 = tpu.memref_slice %arg15[%dma_start3A_153, %dma_start3A_154] : memref<10048x128xbf16, #tpu.memory_space<vmem_shared>> -> memref<10048x128xbf16, #tpu.memory_space<vmem_shared>>
      tpu.enqueue_indirect_dma source(%arg11 : memref<125x128xbf16, #tpu.memory_space<vmem>>) target(%dma_start3A_155 : memref<10048x128xbf16, #tpu.memory_space<vmem_shared>>) offsets(%dma_start3A_152 : memref<125xi32, #tpu.memory_space<vmem>>) semaphore(%arg20 : memref<!tpu.dma_semaphore, #tpu.memory_space<semaphore_mem>>) {add = true}
      %add3A_156 = arith.constant 1 : i32
      %add3A_157 = arith.addi %mul3A_83, %add3A_156 : i32
      %dma_start3A_158 = arith.constant 0 : i32
      %dma_start3A_159 = tpu.memref_slice %arg9[%add3A_157, %dma_start3A_158] : memref<80x125xi32, #tpu.memory_space<vmem>> -> memref<1x125xi32, #tpu.memory_space<vmem>>
      %dma_start3A_160 = tpu.memref_squeeze %dma_start3A_159 : memref<1x125xi32, #tpu.memory_space<vmem>> -> memref<125xi32, #tpu.memory_space<vmem>>
      %dma_start3A_161 = arith.constant 0 : i32
      %dma_start3A_162 = arith.constant 0 : i32
      %dma_start3A_163 = tpu.memref_slice %arg16[%dma_start3A_161, %dma_start3A_162] : memref<10048x32xbf16, #tpu.memory_space<vmem_shared>> -> memref<10048x32xbf16, #tpu.memory_space<vmem_shared>>
      tpu.enqueue_indirect_dma source(%arg12 : memref<125x32xbf16, #tpu.memory_space<vmem>>) target(%dma_start3A_163 : memref<10048x32xbf16, #tpu.memory_space<vmem_shared>>) offsets(%dma_start3A_160 : memref<125xi32, #tpu.memory_space<vmem>>) semaphore(%arg20 : memref<!tpu.dma_semaphore, #tpu.memory_space<semaphore_mem>>) {add = true}
      %dma_wait3A_164 = arith.constant 0 : i32
      %dma_wait3A_165 = tpu.memref_slice %arg9[%add3A_149, %dma_wait3A_164] : memref<80x125xi32, #tpu.memory_space<vmem>> -> memref<1x125xi32, #tpu.memory_space<vmem>>
      %dma_wait3A_166 = tpu.memref_squeeze %dma_wait3A_165 : memref<1x125xi32, #tpu.memory_space<vmem>> -> memref<125xi32, #tpu.memory_space<vmem>>
      %dma_wait3A_167 = arith.constant 0 : i32
      %dma_wait3A_168 = arith.constant 0 : i32
      %dma_wait3A_169 = tpu.memref_slice %arg15[%dma_wait3A_167, %dma_wait3A_168] : memref<10048x128xbf16, #tpu.memory_space<vmem_shared>> -> memref<10048x128xbf16, #tpu.memory_space<vmem_shared>>
      tpu.wait_indirect_dma semaphore(%arg20 : memref<!tpu.dma_semaphore, #tpu.memory_space<semaphore_mem>>) src(%arg11 : memref<125x128xbf16, #tpu.memory_space<vmem>>) dst(%dma_wait3A_169 : memref<10048x128xbf16, #tpu.memory_space<vmem_shared>>)
      %dma_wait3A_170 = arith.constant 0 : i32
      %dma_wait3A_171 = tpu.memref_slice %arg9[%add3A_157, %dma_wait3A_170] : memref<80x125xi32, #tpu.memory_space<vmem>> -> memref<1x125xi32, #tpu.memory_space<vmem>>
      %dma_wait3A_172 = tpu.memref_squeeze %dma_wait3A_171 : memref<1x125xi32, #tpu.memory_space<vmem>> -> memref<125xi32, #tpu.memory_space<vmem>>
      %dma_wait3A_173 = arith.constant 0 : i32
      %dma_wait3A_174 = arith.constant 0 : i32
      %dma_wait3A_175 = tpu.memref_slice %arg16[%dma_wait3A_173, %dma_wait3A_174] : memref<10048x32xbf16, #tpu.memory_space<vmem_shared>> -> memref<10048x32xbf16, #tpu.memory_space<vmem_shared>>
      tpu.wait_indirect_dma semaphore(%arg20 : memref<!tpu.dma_semaphore, #tpu.memory_space<semaphore_mem>>) src(%arg12 : memref<125x32xbf16, #tpu.memory_space<vmem>>) dst(%dma_wait3A_175 : memref<10048x32xbf16, #tpu.memory_space<vmem_shared>>)
      %add3A_176 = arith.constant 2 : i32
      %add3A_177 = arith.addi %mul3A_83, %add3A_176 : i32
      %add3A_178 = arith.constant 1 : i32
      %add3A_179 = arith.addi %add3A_177, %add3A_178 : i32
      %dma_start3A_180 = arith.constant 0 : i32
      %dma_start3A_181 = tpu.memref_slice %arg8[%add3A_179, %dma_start3A_180] : memref<80x125xi32, #tpu.memory_space<vmem>> -> memref<1x125xi32, #tpu.memory_space<vmem>>
      %dma_start3A_182 = tpu.memref_squeeze %dma_start3A_181 : memref<1x125xi32, #tpu.memory_space<vmem>> -> memref<125xi32, #tpu.memory_space<vmem>>
      %dma_start3A_183 = arith.constant 0 : i32
      %dma_start3A_184 = arith.constant 0 : i32
      %dma_start3A_185 = tpu.memref_slice %arg14[%dma_start3A_183, %dma_start3A_184] : memref<10048x128xbf16, #tpu.memory_space<vmem_shared>> -> memref<10048x128xbf16, #tpu.memory_space<vmem_shared>>
      tpu.enqueue_indirect_dma source(%dma_start3A_185 : memref<10048x128xbf16, #tpu.memory_space<vmem_shared>>) target(%arg11 : memref<125x128xbf16, #tpu.memory_space<vmem>>) offsets(%dma_start3A_182 : memref<125xi32, #tpu.memory_space<vmem>>) semaphore(%arg18 : memref<!tpu.dma_semaphore, #tpu.memory_space<semaphore_mem>>)
      %dma_wait3A_186 = arith.constant 0 : i32
      %dma_wait3A_187 = tpu.memref_slice %arg8[%add3A_135, %dma_wait3A_186] : memref<80x125xi32, #tpu.memory_space<vmem>> -> memref<1x125xi32, #tpu.memory_space<vmem>>
      %dma_wait3A_188 = tpu.memref_squeeze %dma_wait3A_187 : memref<1x125xi32, #tpu.memory_space<vmem>> -> memref<125xi32, #tpu.memory_space<vmem>>
      %dma_wait3A_189 = arith.constant 0 : i32
      %dma_wait3A_190 = arith.constant 0 : i32
      %dma_wait3A_191 = tpu.memref_slice %arg14[%dma_wait3A_189, %dma_wait3A_190] : memref<10048x128xbf16, #tpu.memory_space<vmem_shared>> -> memref<10048x128xbf16, #tpu.memory_space<vmem_shared>>
      tpu.wait_indirect_dma semaphore(%arg17 : memref<!tpu.dma_semaphore, #tpu.memory_space<semaphore_mem>>) src(%dma_wait3A_191 : memref<10048x128xbf16, #tpu.memory_space<vmem_shared>>) dst(%arg10 : memref<125x128xbf16, #tpu.memory_space<vmem>>)
      %add3A_192 = arith.constant 2 : i32
      %add3A_193 = arith.addi %mul3A_83, %add3A_192 : i32
      %dma_start3A_194 = arith.constant 0 : i32
      %dma_start3A_195 = tpu.memref_slice %arg9[%add3A_193, %dma_start3A_194] : memref<80x125xi32, #tpu.memory_space<vmem>> -> memref<1x125xi32, #tpu.memory_space<vmem>>
      %dma_start3A_196 = tpu.memref_squeeze %dma_start3A_195 : memref<1x125xi32, #tpu.memory_space<vmem>> -> memref<125xi32, #tpu.memory_space<vmem>>
      %dma_start3A_197 = arith.constant 0 : i32
      %dma_start3A_198 = arith.constant 0 : i32
      %dma_start3A_199 = tpu.memref_slice %arg15[%dma_start3A_197, %dma_start3A_198] : memref<10048x128xbf16, #tpu.memory_space<vmem_shared>> -> memref<10048x128xbf16, #tpu.memory_space<vmem_shared>>
      tpu.enqueue_indirect_dma source(%arg10 : memref<125x128xbf16, #tpu.memory_space<vmem>>) target(%dma_start3A_199 : memref<10048x128xbf16, #tpu.memory_space<vmem_shared>>) offsets(%dma_start3A_196 : memref<125xi32, #tpu.memory_space<vmem>>) semaphore(%arg19 : memref<!tpu.dma_semaphore, #tpu.memory_space<semaphore_mem>>) {add = true}
      %add3A_200 = arith.constant 2 : i32
      %add3A_201 = arith.addi %mul3A_83, %add3A_200 : i32
      %dma_start3A_202 = arith.constant 0 : i32
      %dma_start3A_203 = tpu.memref_slice %arg9[%add3A_201, %dma_start3A_202] : memref<80x125xi32, #tpu.memory_space<vmem>> -> memref<1x125xi32, #tpu.memory_space<vmem>>
      %dma_start3A_204 = tpu.memref_squeeze %dma_start3A_203 : memref<1x125xi32, #tpu.memory_space<vmem>> -> memref<125xi32, #tpu.memory_space<vmem>>
      %dma_start3A_205 = arith.constant 0 : i32
      %dma_start3A_206 = arith.constant 0 : i32
      %dma_start3A_207 = tpu.memref_slice %arg16[%dma_start3A_205, %dma_start3A_206] : memref<10048x32xbf16, #tpu.memory_space<vmem_shared>> -> memref<10048x32xbf16, #tpu.memory_space<vmem_shared>>
      tpu.enqueue_indirect_dma source(%arg12 : memref<125x32xbf16, #tpu.memory_space<vmem>>) target(%dma_start3A_207 : memref<10048x32xbf16, #tpu.memory_space<vmem_shared>>) offsets(%dma_start3A_204 : memref<125xi32, #tpu.memory_space<vmem>>) semaphore(%arg19 : memref<!tpu.dma_semaphore, #tpu.memory_space<semaphore_mem>>) {add = true}
      %dma_wait3A_208 = arith.constant 0 : i32
      %dma_wait3A_209 = tpu.memref_slice %arg9[%add3A_193, %dma_wait3A_208] : memref<80x125xi32, #tpu.memory_space<vmem>> -> memref<1x125xi32, #tpu.memory_space<vmem>>
      %dma_wait3A_210 = tpu.memref_squeeze %dma_wait3A_209 : memref<1x125xi32, #tpu.memory_space<vmem>> -> memref<125xi32, #tpu.memory_space<vmem>>
      %dma_wait3A_211 = arith.constant 0 : i32
      %dma_wait3A_212 = arith.constant 0 : i32
      %dma_wait3A_213 = tpu.memref_slice %arg15[%dma_wait3A_211, %dma_wait3A_212] : memref<10048x128xbf16, #tpu.memory_space<vmem_shared>> -> memref<10048x128xbf16, #tpu.memory_space<vmem_shared>>
      tpu.wait_indirect_dma semaphore(%arg19 : memref<!tpu.dma_semaphore, #tpu.memory_space<semaphore_mem>>) src(%arg10 : memref<125x128xbf16, #tpu.memory_space<vmem>>) dst(%dma_wait3A_213 : memref<10048x128xbf16, #tpu.memory_space<vmem_shared>>)
      %dma_wait3A_214 = arith.constant 0 : i32
      %dma_wait3A_215 = tpu.memref_slice %arg9[%add3A_201, %dma_wait3A_214] : memref<80x125xi32, #tpu.memory_space<vmem>> -> memref<1x125xi32, #tpu.memory_space<vmem>>
      %dma_wait3A_216 = tpu.memref_squeeze %dma_wait3A_215 : memref<1x125xi32, #tpu.memory_space<vmem>> -> memref<125xi32, #tpu.memory_space<vmem>>
      %dma_wait3A_217 = arith.constant 0 : i32
      %dma_wait3A_218 = arith.constant 0 : i32
      %dma_wait3A_219 = tpu.memref_slice %arg16[%dma_wait3A_217, %dma_wait3A_218] : memref<10048x32xbf16, #tpu.memory_space<vmem_shared>> -> memref<10048x32xbf16, #tpu.memory_space<vmem_shared>>
      tpu.wait_indirect_dma semaphore(%arg19 : memref<!tpu.dma_semaphore, #tpu.memory_space<semaphore_mem>>) src(%arg12 : memref<125x32xbf16, #tpu.memory_space<vmem>>) dst(%dma_wait3A_219 : memref<10048x32xbf16, #tpu.memory_space<vmem_shared>>)
      %add3A_220 = arith.constant 3 : i32
      %add3A_221 = arith.addi %mul3A_83, %add3A_220 : i32
      %add3A_222 = arith.constant 1 : i32
      %add3A_223 = arith.addi %add3A_221, %add3A_222 : i32
      %dma_start3A_224 = arith.constant 0 : i32
      %dma_start3A_225 = tpu.memref_slice %arg8[%add3A_223, %dma_start3A_224] : memref<80x125xi32, #tpu.memory_space<vmem>> -> memref<1x125xi32, #tpu.memory_space<vmem>>
      %dma_start3A_226 = tpu.memref_squeeze %dma_start3A_225 : memref<1x125xi32, #tpu.memory_space<vmem>> -> memref<125xi32, #tpu.memory_space<vmem>>
      %dma_start3A_227 = arith.constant 0 : i32
      %dma_start3A_228 = arith.constant 0 : i32
      %dma_start3A_229 = tpu.memref_slice %arg14[%dma_start3A_227, %dma_start3A_228] : memref<10048x128xbf16, #tpu.memory_space<vmem_shared>> -> memref<10048x128xbf16, #tpu.memory_space<vmem_shared>>
      tpu.enqueue_indirect_dma source(%dma_start3A_229 : memref<10048x128xbf16, #tpu.memory_space<vmem_shared>>) target(%arg10 : memref<125x128xbf16, #tpu.memory_space<vmem>>) offsets(%dma_start3A_226 : memref<125xi32, #tpu.memory_space<vmem>>) semaphore(%arg17 : memref<!tpu.dma_semaphore, #tpu.memory_space<semaphore_mem>>)
      %dma_wait3A_230 = arith.constant 0 : i32
      %dma_wait3A_231 = tpu.memref_slice %arg8[%add3A_179, %dma_wait3A_230] : memref<80x125xi32, #tpu.memory_space<vmem>> -> memref<1x125xi32, #tpu.memory_space<vmem>>
      %dma_wait3A_232 = tpu.memref_squeeze %dma_wait3A_231 : memref<1x125xi32, #tpu.memory_space<vmem>> -> memref<125xi32, #tpu.memory_space<vmem>>
      %dma_wait3A_233 = arith.constant 0 : i32
      %dma_wait3A_234 = arith.constant 0 : i32
      %dma_wait3A_235 = tpu.memref_slice %arg14[%dma_wait3A_233, %dma_wait3A_234] : memref<10048x128xbf16, #tpu.memory_space<vmem_shared>> -> memref<10048x128xbf16, #tpu.memory_space<vmem_shared>>
      tpu.wait_indirect_dma semaphore(%arg18 : memref<!tpu.dma_semaphore, #tpu.memory_space<semaphore_mem>>) src(%dma_wait3A_235 : memref<10048x128xbf16, #tpu.memory_space<vmem_shared>>) dst(%arg11 : memref<125x128xbf16, #tpu.memory_space<vmem>>)
      %add3A_236 = arith.constant 3 : i32
      %add3A_237 = arith.addi %mul3A_83, %add3A_236 : i32
      %dma_start3A_238 = arith.constant 0 : i32
      %dma_start3A_239 = tpu.memref_slice %arg9[%add3A_237, %dma_start3A_238] : memref<80x125xi32, #tpu.memory_space<vmem>> -> memref<1x125xi32, #tpu.memory_space<vmem>>
      %dma_start3A_240 = tpu.memref_squeeze %dma_start3A_239 : memref<1x125xi32, #tpu.memory_space<vmem>> -> memref<125xi32, #tpu.memory_space<vmem>>
      %dma_start3A_241 = arith.constant 0 : i32
      %dma_start3A_242 = arith.constant 0 : i32
      %dma_start3A_243 = tpu.memref_slice %arg15[%dma_start3A_241, %dma_start3A_242] : memref<10048x128xbf16, #tpu.memory_space<vmem_shared>> -> memref<10048x128xbf16, #tpu.memory_space<vmem_shared>>
      tpu.enqueue_indirect_dma source(%arg11 : memref<125x128xbf16, #tpu.memory_space<vmem>>) target(%dma_start3A_243 : memref<10048x128xbf16, #tpu.memory_space<vmem_shared>>) offsets(%dma_start3A_240 : memref<125xi32, #tpu.memory_space<vmem>>) semaphore(%arg20 : memref<!tpu.dma_semaphore, #tpu.memory_space<semaphore_mem>>) {add = true}
      %add3A_244 = arith.constant 3 : i32
      %add3A_245 = arith.addi %mul3A_83, %add3A_244 : i32
      %dma_start3A_246 = arith.constant 0 : i32
      %dma_start3A_247 = tpu.memref_slice %arg9[%add3A_245, %dma_start3A_246] : memref<80x125xi32, #tpu.memory_space<vmem>> -> memref<1x125xi32, #tpu.memory_space<vmem>>
      %dma_start3A_248 = tpu.memref_squeeze %dma_start3A_247 : memref<1x125xi32, #tpu.memory_space<vmem>> -> memref<125xi32, #tpu.memory_space<vmem>>
      %dma_start3A_249 = arith.constant 0 : i32
      %dma_start3A_250 = arith.constant 0 : i32
      %dma_start3A_251 = tpu.memref_slice %arg16[%dma_start3A_249, %dma_start3A_250] : memref<10048x32xbf16, #tpu.memory_space<vmem_shared>> -> memref<10048x32xbf16, #tpu.memory_space<vmem_shared>>
      tpu.enqueue_indirect_dma source(%arg12 : memref<125x32xbf16, #tpu.memory_space<vmem>>) target(%dma_start3A_251 : memref<10048x32xbf16, #tpu.memory_space<vmem_shared>>) offsets(%dma_start3A_248 : memref<125xi32, #tpu.memory_space<vmem>>) semaphore(%arg20 : memref<!tpu.dma_semaphore, #tpu.memory_space<semaphore_mem>>) {add = true}
      %dma_wait3A_252 = arith.constant 0 : i32
      %dma_wait3A_253 = tpu.memref_slice %arg9[%add3A_237, %dma_wait3A_252] : memref<80x125xi32, #tpu.memory_space<vmem>> -> memref<1x125xi32, #tpu.memory_space<vmem>>
      %dma_wait3A_254 = tpu.memref_squeeze %dma_wait3A_253 : memref<1x125xi32, #tpu.memory_space<vmem>> -> memref<125xi32, #tpu.memory_space<vmem>>
      %dma_wait3A_255 = arith.constant 0 : i32
      %dma_wait3A_256 = arith.constant 0 : i32
      %dma_wait3A_257 = tpu.memref_slice %arg15[%dma_wait3A_255, %dma_wait3A_256] : memref<10048x128xbf16, #tpu.memory_space<vmem_shared>> -> memref<10048x128xbf16, #tpu.memory_space<vmem_shared>>
      tpu.wait_indirect_dma semaphore(%arg20 : memref<!tpu.dma_semaphore, #tpu.memory_space<semaphore_mem>>) src(%arg11 : memref<125x128xbf16, #tpu.memory_space<vmem>>) dst(%dma_wait3A_257 : memref<10048x128xbf16, #tpu.memory_space<vmem_shared>>)
      %dma_wait3A_258 = arith.constant 0 : i32
      %dma_wait3A_259 = tpu.memref_slice %arg9[%add3A_245, %dma_wait3A_258] : memref<80x125xi32, #tpu.memory_space<vmem>> -> memref<1x125xi32, #tpu.memory_space<vmem>>
      %dma_wait3A_260 = tpu.memref_squeeze %dma_wait3A_259 : memref<1x125xi32, #tpu.memory_space<vmem>> -> memref<125xi32, #tpu.memory_space<vmem>>
      %dma_wait3A_261 = arith.constant 0 : i32
      %dma_wait3A_262 = arith.constant 0 : i32
      %dma_wait3A_263 = tpu.memref_slice %arg16[%dma_wait3A_261, %dma_wait3A_262] : memref<10048x32xbf16, #tpu.memory_space<vmem_shared>> -> memref<10048x32xbf16, #tpu.memory_space<vmem_shared>>
      tpu.wait_indirect_dma semaphore(%arg20 : memref<!tpu.dma_semaphore, #tpu.memory_space<semaphore_mem>>) src(%arg12 : memref<125x32xbf16, #tpu.memory_space<vmem>>) dst(%dma_wait3A_263 : memref<10048x32xbf16, #tpu.memory_space<vmem_shared>>)
      %add3A_264 = arith.constant 4 : i32
      %add3A_265 = arith.addi %mul3A_83, %add3A_264 : i32
      %add3A_266 = arith.constant 1 : i32
      %add3A_267 = arith.addi %add3A_265, %add3A_266 : i32
      %dma_start3A_268 = arith.constant 0 : i32
      %dma_start3A_269 = tpu.memref_slice %arg8[%add3A_267, %dma_start3A_268] : memref<80x125xi32, #tpu.memory_space<vmem>> -> memref<1x125xi32, #tpu.memory_space<vmem>>
      %dma_start3A_270 = tpu.memref_squeeze %dma_start3A_269 : memref<1x125xi32, #tpu.memory_space<vmem>> -> memref<125xi32, #tpu.memory_space<vmem>>
      %dma_start3A_271 = arith.constant 0 : i32
      %dma_start3A_272 = arith.constant 0 : i32
      %dma_start3A_273 = tpu.memref_slice %arg14[%dma_start3A_271, %dma_start3A_272] : memref<10048x128xbf16, #tpu.memory_space<vmem_shared>> -> memref<10048x128xbf16, #tpu.memory_space<vmem_shared>>
      tpu.enqueue_indirect_dma source(%dma_start3A_273 : memref<10048x128xbf16, #tpu.memory_space<vmem_shared>>) target(%arg11 : memref<125x128xbf16, #tpu.memory_space<vmem>>) offsets(%dma_start3A_270 : memref<125xi32, #tpu.memory_space<vmem>>) semaphore(%arg18 : memref<!tpu.dma_semaphore, #tpu.memory_space<semaphore_mem>>)
      %dma_wait3A_274 = arith.constant 0 : i32
      %dma_wait3A_275 = tpu.memref_slice %arg8[%add3A_223, %dma_wait3A_274] : memref<80x125xi32, #tpu.memory_space<vmem>> -> memref<1x125xi32, #tpu.memory_space<vmem>>
      %dma_wait3A_276 = tpu.memref_squeeze %dma_wait3A_275 : memref<1x125xi32, #tpu.memory_space<vmem>> -> memref<125xi32, #tpu.memory_space<vmem>>
      %dma_wait3A_277 = arith.constant 0 : i32
      %dma_wait3A_278 = arith.constant 0 : i32
      %dma_wait3A_279 = tpu.memref_slice %arg14[%dma_wait3A_277, %dma_wait3A_278] : memref<10048x128xbf16, #tpu.memory_space<vmem_shared>> -> memref<10048x128xbf16, #tpu.memory_space<vmem_shared>>
      tpu.wait_indirect_dma semaphore(%arg17 : memref<!tpu.dma_semaphore, #tpu.memory_space<semaphore_mem>>) src(%dma_wait3A_279 : memref<10048x128xbf16, #tpu.memory_space<vmem_shared>>) dst(%arg10 : memref<125x128xbf16, #tpu.memory_space<vmem>>)
      %add3A_280 = arith.constant 4 : i32
      %add3A_281 = arith.addi %mul3A_83, %add3A_280 : i32
      %dma_start3A_282 = arith.constant 0 : i32
      %dma_start3A_283 = tpu.memref_slice %arg9[%add3A_281, %dma_start3A_282] : memref<80x125xi32, #tpu.memory_space<vmem>> -> memref<1x125xi32, #tpu.memory_space<vmem>>
      %dma_start3A_284 = tpu.memref_squeeze %dma_start3A_283 : memref<1x125xi32, #tpu.memory_space<vmem>> -> memref<125xi32, #tpu.memory_space<vmem>>
      %dma_start3A_285 = arith.constant 0 : i32
      %dma_start3A_286 = arith.constant 0 : i32
      %dma_start3A_287 = tpu.memref_slice %arg15[%dma_start3A_285, %dma_start3A_286] : memref<10048x128xbf16, #tpu.memory_space<vmem_shared>> -> memref<10048x128xbf16, #tpu.memory_space<vmem_shared>>
      tpu.enqueue_indirect_dma source(%arg10 : memref<125x128xbf16, #tpu.memory_space<vmem>>) target(%dma_start3A_287 : memref<10048x128xbf16, #tpu.memory_space<vmem_shared>>) offsets(%dma_start3A_284 : memref<125xi32, #tpu.memory_space<vmem>>) semaphore(%arg19 : memref<!tpu.dma_semaphore, #tpu.memory_space<semaphore_mem>>) {add = true}
      %add3A_288 = arith.constant 4 : i32
      %add3A_289 = arith.addi %mul3A_83, %add3A_288 : i32
      %dma_start3A_290 = arith.constant 0 : i32
      %dma_start3A_291 = tpu.memref_slice %arg9[%add3A_289, %dma_start3A_290] : memref<80x125xi32, #tpu.memory_space<vmem>> -> memref<1x125xi32, #tpu.memory_space<vmem>>
      %dma_start3A_292 = tpu.memref_squeeze %dma_start3A_291 : memref<1x125xi32, #tpu.memory_space<vmem>> -> memref<125xi32, #tpu.memory_space<vmem>>
      %dma_start3A_293 = arith.constant 0 : i32
      %dma_start3A_294 = arith.constant 0 : i32
      %dma_start3A_295 = tpu.memref_slice %arg16[%dma_start3A_293, %dma_start3A_294] : memref<10048x32xbf16, #tpu.memory_space<vmem_shared>> -> memref<10048x32xbf16, #tpu.memory_space<vmem_shared>>
      tpu.enqueue_indirect_dma source(%arg12 : memref<125x32xbf16, #tpu.memory_space<vmem>>) target(%dma_start3A_295 : memref<10048x32xbf16, #tpu.memory_space<vmem_shared>>) offsets(%dma_start3A_292 : memref<125xi32, #tpu.memory_space<vmem>>) semaphore(%arg19 : memref<!tpu.dma_semaphore, #tpu.memory_space<semaphore_mem>>) {add = true}
      %dma_wait3A_296 = arith.constant 0 : i32
      %dma_wait3A_297 = tpu.memref_slice %arg9[%add3A_281, %dma_wait3A_296] : memref<80x125xi32, #tpu.memory_space<vmem>> -> memref<1x125xi32, #tpu.memory_space<vmem>>
      %dma_wait3A_298 = tpu.memref_squeeze %dma_wait3A_297 : memref<1x125xi32, #tpu.memory_space<vmem>> -> memref<125xi32, #tpu.memory_space<vmem>>
      %dma_wait3A_299 = arith.constant 0 : i32
      %dma_wait3A_300 = arith.constant 0 : i32
      %dma_wait3A_301 = tpu.memref_slice %arg15[%dma_wait3A_299, %dma_wait3A_300] : memref<10048x128xbf16, #tpu.memory_space<vmem_shared>> -> memref<10048x128xbf16, #tpu.memory_space<vmem_shared>>
      tpu.wait_indirect_dma semaphore(%arg19 : memref<!tpu.dma_semaphore, #tpu.memory_space<semaphore_mem>>) src(%arg10 : memref<125x128xbf16, #tpu.memory_space<vmem>>) dst(%dma_wait3A_301 : memref<10048x128xbf16, #tpu.memory_space<vmem_shared>>)
      %dma_wait3A_302 = arith.constant 0 : i32
      %dma_wait3A_303 = tpu.memref_slice %arg9[%add3A_289, %dma_wait3A_302] : memref<80x125xi32, #tpu.memory_space<vmem>> -> memref<1x125xi32, #tpu.memory_space<vmem>>
      %dma_wait3A_304 = tpu.memref_squeeze %dma_wait3A_303 : memref<1x125xi32, #tpu.memory_space<vmem>> -> memref<125xi32, #tpu.memory_space<vmem>>
      %dma_wait3A_305 = arith.constant 0 : i32
      %dma_wait3A_306 = arith.constant 0 : i32
      %dma_wait3A_307 = tpu.memref_slice %arg16[%dma_wait3A_305, %dma_wait3A_306] : memref<10048x32xbf16, #tpu.memory_space<vmem_shared>> -> memref<10048x32xbf16, #tpu.memory_space<vmem_shared>>
      tpu.wait_indirect_dma semaphore(%arg19 : memref<!tpu.dma_semaphore, #tpu.memory_space<semaphore_mem>>) src(%arg12 : memref<125x32xbf16, #tpu.memory_space<vmem>>) dst(%dma_wait3A_307 : memref<10048x32xbf16, #tpu.memory_space<vmem_shared>>)
      %add3A_308 = arith.constant 5 : i32
      %add3A_309 = arith.addi %mul3A_83, %add3A_308 : i32
      %add3A_310 = arith.constant 1 : i32
      %add3A_311 = arith.addi %add3A_309, %add3A_310 : i32
      %dma_start3A_312 = arith.constant 0 : i32
      %dma_start3A_313 = tpu.memref_slice %arg8[%add3A_311, %dma_start3A_312] : memref<80x125xi32, #tpu.memory_space<vmem>> -> memref<1x125xi32, #tpu.memory_space<vmem>>
      %dma_start3A_314 = tpu.memref_squeeze %dma_start3A_313 : memref<1x125xi32, #tpu.memory_space<vmem>> -> memref<125xi32, #tpu.memory_space<vmem>>
      %dma_start3A_315 = arith.constant 0 : i32
      %dma_start3A_316 = arith.constant 0 : i32
      %dma_start3A_317 = tpu.memref_slice %arg14[%dma_start3A_315, %dma_start3A_316] : memref<10048x128xbf16, #tpu.memory_space<vmem_shared>> -> memref<10048x128xbf16, #tpu.memory_space<vmem_shared>>
      tpu.enqueue_indirect_dma source(%dma_start3A_317 : memref<10048x128xbf16, #tpu.memory_space<vmem_shared>>) target(%arg10 : memref<125x128xbf16, #tpu.memory_space<vmem>>) offsets(%dma_start3A_314 : memref<125xi32, #tpu.memory_space<vmem>>) semaphore(%arg17 : memref<!tpu.dma_semaphore, #tpu.memory_space<semaphore_mem>>)
      %dma_wait3A_318 = arith.constant 0 : i32
      %dma_wait3A_319 = tpu.memref_slice %arg8[%add3A_267, %dma_wait3A_318] : memref<80x125xi32, #tpu.memory_space<vmem>> -> memref<1x125xi32, #tpu.memory_space<vmem>>
      %dma_wait3A_320 = tpu.memref_squeeze %dma_wait3A_319 : memref<1x125xi32, #tpu.memory_space<vmem>> -> memref<125xi32, #tpu.memory_space<vmem>>
      %dma_wait3A_321 = arith.constant 0 : i32
      %dma_wait3A_322 = arith.constant 0 : i32
      %dma_wait3A_323 = tpu.memref_slice %arg14[%dma_wait3A_321, %dma_wait3A_322] : memref<10048x128xbf16, #tpu.memory_space<vmem_shared>> -> memref<10048x128xbf16, #tpu.memory_space<vmem_shared>>
      tpu.wait_indirect_dma semaphore(%arg18 : memref<!tpu.dma_semaphore, #tpu.memory_space<semaphore_mem>>) src(%dma_wait3A_323 : memref<10048x128xbf16, #tpu.memory_space<vmem_shared>>) dst(%arg11 : memref<125x128xbf16, #tpu.memory_space<vmem>>)
      %add3A_324 = arith.constant 5 : i32
      %add3A_325 = arith.addi %mul3A_83, %add3A_324 : i32
      %dma_start3A_326 = arith.constant 0 : i32
      %dma_start3A_327 = tpu.memref_slice %arg9[%add3A_325, %dma_start3A_326] : memref<80x125xi32, #tpu.memory_space<vmem>> -> memref<1x125xi32, #tpu.memory_space<vmem>>
      %dma_start3A_328 = tpu.memref_squeeze %dma_start3A_327 : memref<1x125xi32, #tpu.memory_space<vmem>> -> memref<125xi32, #tpu.memory_space<vmem>>
      %dma_start3A_329 = arith.constant 0 : i32
      %dma_start3A_330 = arith.constant 0 : i32
      %dma_start3A_331 = tpu.memref_slice %arg15[%dma_start3A_329, %dma_start3A_330] : memref<10048x128xbf16, #tpu.memory_space<vmem_shared>> -> memref<10048x128xbf16, #tpu.memory_space<vmem_shared>>
      tpu.enqueue_indirect_dma source(%arg11 : memref<125x128xbf16, #tpu.memory_space<vmem>>) target(%dma_start3A_331 : memref<10048x128xbf16, #tpu.memory_space<vmem_shared>>) offsets(%dma_start3A_328 : memref<125xi32, #tpu.memory_space<vmem>>) semaphore(%arg20 : memref<!tpu.dma_semaphore, #tpu.memory_space<semaphore_mem>>) {add = true}
      %add3A_332 = arith.constant 5 : i32
      %add3A_333 = arith.addi %mul3A_83, %add3A_332 : i32
      %dma_start3A_334 = arith.constant 0 : i32
      %dma_start3A_335 = tpu.memref_slice %arg9[%add3A_333, %dma_start3A_334] : memref<80x125xi32, #tpu.memory_space<vmem>> -> memref<1x125xi32, #tpu.memory_space<vmem>>
      %dma_start3A_336 = tpu.memref_squeeze %dma_start3A_335 : memref<1x125xi32, #tpu.memory_space<vmem>> -> memref<125xi32, #tpu.memory_space<vmem>>
      %dma_start3A_337 = arith.constant 0 : i32
      %dma_start3A_338 = arith.constant 0 : i32
      %dma_start3A_339 = tpu.memref_slice %arg16[%dma_start3A_337, %dma_start3A_338] : memref<10048x32xbf16, #tpu.memory_space<vmem_shared>> -> memref<10048x32xbf16, #tpu.memory_space<vmem_shared>>
      tpu.enqueue_indirect_dma source(%arg12 : memref<125x32xbf16, #tpu.memory_space<vmem>>) target(%dma_start3A_339 : memref<10048x32xbf16, #tpu.memory_space<vmem_shared>>) offsets(%dma_start3A_336 : memref<125xi32, #tpu.memory_space<vmem>>) semaphore(%arg20 : memref<!tpu.dma_semaphore, #tpu.memory_space<semaphore_mem>>) {add = true}
      %dma_wait3A_340 = arith.constant 0 : i32
      %dma_wait3A_341 = tpu.memref_slice %arg9[%add3A_325, %dma_wait3A_340] : memref<80x125xi32, #tpu.memory_space<vmem>> -> memref<1x125xi32, #tpu.memory_space<vmem>>
      %dma_wait3A_342 = tpu.memref_squeeze %dma_wait3A_341 : memref<1x125xi32, #tpu.memory_space<vmem>> -> memref<125xi32, #tpu.memory_space<vmem>>
      %dma_wait3A_343 = arith.constant 0 : i32
      %dma_wait3A_344 = arith.constant 0 : i32
      %dma_wait3A_345 = tpu.memref_slice %arg15[%dma_wait3A_343, %dma_wait3A_344] : memref<10048x128xbf16, #tpu.memory_space<vmem_shared>> -> memref<10048x128xbf16, #tpu.memory_space<vmem_shared>>
      tpu.wait_indirect_dma semaphore(%arg20 : memref<!tpu.dma_semaphore, #tpu.memory_space<semaphore_mem>>) src(%arg11 : memref<125x128xbf16, #tpu.memory_space<vmem>>) dst(%dma_wait3A_345 : memref<10048x128xbf16, #tpu.memory_space<vmem_shared>>)
      %dma_wait3A_346 = arith.constant 0 : i32
      %dma_wait3A_347 = tpu.memref_slice %arg9[%add3A_333, %dma_wait3A_346] : memref<80x125xi32, #tpu.memory_space<vmem>> -> memref<1x125xi32, #tpu.memory_space<vmem>>
      %dma_wait3A_348 = tpu.memref_squeeze %dma_wait3A_347 : memref<1x125xi32, #tpu.memory_space<vmem>> -> memref<125xi32, #tpu.memory_space<vmem>>
      %dma_wait3A_349 = arith.constant 0 : i32
      %dma_wait3A_350 = arith.constant 0 : i32
      %dma_wait3A_351 = tpu.memref_slice %arg16[%dma_wait3A_349, %dma_wait3A_350] : memref<10048x32xbf16, #tpu.memory_space<vmem_shared>> -> memref<10048x32xbf16, #tpu.memory_space<vmem_shared>>
      tpu.wait_indirect_dma semaphore(%arg20 : memref<!tpu.dma_semaphore, #tpu.memory_space<semaphore_mem>>) src(%arg12 : memref<125x32xbf16, #tpu.memory_space<vmem>>) dst(%dma_wait3A_351 : memref<10048x32xbf16, #tpu.memory_space<vmem_shared>>)
      %add3A_352 = arith.constant 6 : i32
      %add3A_353 = arith.addi %mul3A_83, %add3A_352 : i32
      %add3A_354 = arith.constant 1 : i32
      %add3A_355 = arith.addi %add3A_353, %add3A_354 : i32
      %dma_start3A_356 = arith.constant 0 : i32
      %dma_start3A_357 = tpu.memref_slice %arg8[%add3A_355, %dma_start3A_356] : memref<80x125xi32, #tpu.memory_space<vmem>> -> memref<1x125xi32, #tpu.memory_space<vmem>>
      %dma_start3A_358 = tpu.memref_squeeze %dma_start3A_357 : memref<1x125xi32, #tpu.memory_space<vmem>> -> memref<125xi32, #tpu.memory_space<vmem>>
      %dma_start3A_359 = arith.constant 0 : i32
      %dma_start3A_360 = arith.constant 0 : i32
      %dma_start3A_361 = tpu.memref_slice %arg14[%dma_start3A_359, %dma_start3A_360] : memref<10048x128xbf16, #tpu.memory_space<vmem_shared>> -> memref<10048x128xbf16, #tpu.memory_space<vmem_shared>>
      tpu.enqueue_indirect_dma source(%dma_start3A_361 : memref<10048x128xbf16, #tpu.memory_space<vmem_shared>>) target(%arg11 : memref<125x128xbf16, #tpu.memory_space<vmem>>) offsets(%dma_start3A_358 : memref<125xi32, #tpu.memory_space<vmem>>) semaphore(%arg18 : memref<!tpu.dma_semaphore, #tpu.memory_space<semaphore_mem>>)
      %dma_wait3A_362 = arith.constant 0 : i32
      %dma_wait3A_363 = tpu.memref_slice %arg8[%add3A_311, %dma_wait3A_362] : memref<80x125xi32, #tpu.memory_space<vmem>> -> memref<1x125xi32, #tpu.memory_space<vmem>>
      %dma_wait3A_364 = tpu.memref_squeeze %dma_wait3A_363 : memref<1x125xi32, #tpu.memory_space<vmem>> -> memref<125xi32, #tpu.memory_space<vmem>>
      %dma_wait3A_365 = arith.constant 0 : i32
      %dma_wait3A_366 = arith.constant 0 : i32
      %dma_wait3A_367 = tpu.memref_slice %arg14[%dma_wait3A_365, %dma_wait3A_366] : memref<10048x128xbf16, #tpu.memory_space<vmem_shared>> -> memref<10048x128xbf16, #tpu.memory_space<vmem_shared>>
      tpu.wait_indirect_dma semaphore(%arg17 : memref<!tpu.dma_semaphore, #tpu.memory_space<semaphore_mem>>) src(%dma_wait3A_367 : memref<10048x128xbf16, #tpu.memory_space<vmem_shared>>) dst(%arg10 : memref<125x128xbf16, #tpu.memory_space<vmem>>)
      %add3A_368 = arith.constant 6 : i32
      %add3A_369 = arith.addi %mul3A_83, %add3A_368 : i32
      %dma_start3A_370 = arith.constant 0 : i32
      %dma_start3A_371 = tpu.memref_slice %arg9[%add3A_369, %dma_start3A_370] : memref<80x125xi32, #tpu.memory_space<vmem>> -> memref<1x125xi32, #tpu.memory_space<vmem>>
      %dma_start3A_372 = tpu.memref_squeeze %dma_start3A_371 : memref<1x125xi32, #tpu.memory_space<vmem>> -> memref<125xi32, #tpu.memory_space<vmem>>
      %dma_start3A_373 = arith.constant 0 : i32
      %dma_start3A_374 = arith.constant 0 : i32
      %dma_start3A_375 = tpu.memref_slice %arg15[%dma_start3A_373, %dma_start3A_374] : memref<10048x128xbf16, #tpu.memory_space<vmem_shared>> -> memref<10048x128xbf16, #tpu.memory_space<vmem_shared>>
      tpu.enqueue_indirect_dma source(%arg10 : memref<125x128xbf16, #tpu.memory_space<vmem>>) target(%dma_start3A_375 : memref<10048x128xbf16, #tpu.memory_space<vmem_shared>>) offsets(%dma_start3A_372 : memref<125xi32, #tpu.memory_space<vmem>>) semaphore(%arg19 : memref<!tpu.dma_semaphore, #tpu.memory_space<semaphore_mem>>) {add = true}
      %add3A_376 = arith.constant 6 : i32
      %add3A_377 = arith.addi %mul3A_83, %add3A_376 : i32
      %dma_start3A_378 = arith.constant 0 : i32
      %dma_start3A_379 = tpu.memref_slice %arg9[%add3A_377, %dma_start3A_378] : memref<80x125xi32, #tpu.memory_space<vmem>> -> memref<1x125xi32, #tpu.memory_space<vmem>>
      %dma_start3A_380 = tpu.memref_squeeze %dma_start3A_379 : memref<1x125xi32, #tpu.memory_space<vmem>> -> memref<125xi32, #tpu.memory_space<vmem>>
      %dma_start3A_381 = arith.constant 0 : i32
      %dma_start3A_382 = arith.constant 0 : i32
      %dma_start3A_383 = tpu.memref_slice %arg16[%dma_start3A_381, %dma_start3A_382] : memref<10048x32xbf16, #tpu.memory_space<vmem_shared>> -> memref<10048x32xbf16, #tpu.memory_space<vmem_shared>>
      tpu.enqueue_indirect_dma source(%arg12 : memref<125x32xbf16, #tpu.memory_space<vmem>>) target(%dma_start3A_383 : memref<10048x32xbf16, #tpu.memory_space<vmem_shared>>) offsets(%dma_start3A_380 : memref<125xi32, #tpu.memory_space<vmem>>) semaphore(%arg19 : memref<!tpu.dma_semaphore, #tpu.memory_space<semaphore_mem>>) {add = true}
      %dma_wait3A_384 = arith.constant 0 : i32
      %dma_wait3A_385 = tpu.memref_slice %arg9[%add3A_369, %dma_wait3A_384] : memref<80x125xi32, #tpu.memory_space<vmem>> -> memref<1x125xi32, #tpu.memory_space<vmem>>
      %dma_wait3A_386 = tpu.memref_squeeze %dma_wait3A_385 : memref<1x125xi32, #tpu.memory_space<vmem>> -> memref<125xi32, #tpu.memory_space<vmem>>
      %dma_wait3A_387 = arith.constant 0 : i32
      %dma_wait3A_388 = arith.constant 0 : i32
      %dma_wait3A_389 = tpu.memref_slice %arg15[%dma_wait3A_387, %dma_wait3A_388] : memref<10048x128xbf16, #tpu.memory_space<vmem_shared>> -> memref<10048x128xbf16, #tpu.memory_space<vmem_shared>>
      tpu.wait_indirect_dma semaphore(%arg19 : memref<!tpu.dma_semaphore, #tpu.memory_space<semaphore_mem>>) src(%arg10 : memref<125x128xbf16, #tpu.memory_space<vmem>>) dst(%dma_wait3A_389 : memref<10048x128xbf16, #tpu.memory_space<vmem_shared>>)
      %dma_wait3A_390 = arith.constant 0 : i32
      %dma_wait3A_391 = tpu.memref_slice %arg9[%add3A_377, %dma_wait3A_390] : memref<80x125xi32, #tpu.memory_space<vmem>> -> memref<1x125xi32, #tpu.memory_space<vmem>>
      %dma_wait3A_392 = tpu.memref_squeeze %dma_wait3A_391 : memref<1x125xi32, #tpu.memory_space<vmem>> -> memref<125xi32, #tpu.memory_space<vmem>>
      %dma_wait3A_393 = arith.constant 0 : i32
      %dma_wait3A_394 = arith.constant 0 : i32
      %dma_wait3A_395 = tpu.memref_slice %arg16[%dma_wait3A_393, %dma_wait3A_394] : memref<10048x32xbf16, #tpu.memory_space<vmem_shared>> -> memref<10048x32xbf16, #tpu.memory_space<vmem_shared>>
      tpu.wait_indirect_dma semaphore(%arg19 : memref<!tpu.dma_semaphore, #tpu.memory_space<semaphore_mem>>) src(%arg12 : memref<125x32xbf16, #tpu.memory_space<vmem>>) dst(%dma_wait3A_395 : memref<10048x32xbf16, #tpu.memory_space<vmem_shared>>)
      %add3A_396 = arith.constant 7 : i32
      %add3A_397 = arith.addi %mul3A_83, %add3A_396 : i32
      %add3A_398 = arith.constant 1 : i32
      %add3A_399 = arith.addi %add3A_397, %add3A_398 : i32
      %dma_start3A_400 = arith.constant 0 : i32
      %dma_start3A_401 = tpu.memref_slice %arg8[%add3A_399, %dma_start3A_400] : memref<80x125xi32, #tpu.memory_space<vmem>> -> memref<1x125xi32, #tpu.memory_space<vmem>>
      %dma_start3A_402 = tpu.memref_squeeze %dma_start3A_401 : memref<1x125xi32, #tpu.memory_space<vmem>> -> memref<125xi32, #tpu.memory_space<vmem>>
      %dma_start3A_403 = arith.constant 0 : i32
      %dma_start3A_404 = arith.constant 0 : i32
      %dma_start3A_405 = tpu.memref_slice %arg14[%dma_start3A_403, %dma_start3A_404] : memref<10048x128xbf16, #tpu.memory_space<vmem_shared>> -> memref<10048x128xbf16, #tpu.memory_space<vmem_shared>>
      tpu.enqueue_indirect_dma source(%dma_start3A_405 : memref<10048x128xbf16, #tpu.memory_space<vmem_shared>>) target(%arg10 : memref<125x128xbf16, #tpu.memory_space<vmem>>) offsets(%dma_start3A_402 : memref<125xi32, #tpu.memory_space<vmem>>) semaphore(%arg17 : memref<!tpu.dma_semaphore, #tpu.memory_space<semaphore_mem>>)
      %dma_wait3A_406 = arith.constant 0 : i32
      %dma_wait3A_407 = tpu.memref_slice %arg8[%add3A_355, %dma_wait3A_406] : memref<80x125xi32, #tpu.memory_space<vmem>> -> memref<1x125xi32, #tpu.memory_space<vmem>>
      %dma_wait3A_408 = tpu.memref_squeeze %dma_wait3A_407 : memref<1x125xi32, #tpu.memory_space<vmem>> -> memref<125xi32, #tpu.memory_space<vmem>>
      %dma_wait3A_409 = arith.constant 0 : i32
      %dma_wait3A_410 = arith.constant 0 : i32
      %dma_wait3A_411 = tpu.memref_slice %arg14[%dma_wait3A_409, %dma_wait3A_410] : memref<10048x128xbf16, #tpu.memory_space<vmem_shared>> -> memref<10048x128xbf16, #tpu.memory_space<vmem_shared>>
      tpu.wait_indirect_dma semaphore(%arg18 : memref<!tpu.dma_semaphore, #tpu.memory_space<semaphore_mem>>) src(%dma_wait3A_411 : memref<10048x128xbf16, #tpu.memory_space<vmem_shared>>) dst(%arg11 : memref<125x128xbf16, #tpu.memory_space<vmem>>)
      %add3A_412 = arith.constant 7 : i32
      %add3A_413 = arith.addi %mul3A_83, %add3A_412 : i32
      %dma_start3A_414 = arith.constant 0 : i32
      %dma_start3A_415 = tpu.memref_slice %arg9[%add3A_413, %dma_start3A_414] : memref<80x125xi32, #tpu.memory_space<vmem>> -> memref<1x125xi32, #tpu.memory_space<vmem>>
      %dma_start3A_416 = tpu.memref_squeeze %dma_start3A_415 : memref<1x125xi32, #tpu.memory_space<vmem>> -> memref<125xi32, #tpu.memory_space<vmem>>
      %dma_start3A_417 = arith.constant 0 : i32
      %dma_start3A_418 = arith.constant 0 : i32
      %dma_start3A_419 = tpu.memref_slice %arg15[%dma_start3A_417, %dma_start3A_418] : memref<10048x128xbf16, #tpu.memory_space<vmem_shared>> -> memref<10048x128xbf16, #tpu.memory_space<vmem_shared>>
      tpu.enqueue_indirect_dma source(%arg11 : memref<125x128xbf16, #tpu.memory_space<vmem>>) target(%dma_start3A_419 : memref<10048x128xbf16, #tpu.memory_space<vmem_shared>>) offsets(%dma_start3A_416 : memref<125xi32, #tpu.memory_space<vmem>>) semaphore(%arg20 : memref<!tpu.dma_semaphore, #tpu.memory_space<semaphore_mem>>) {add = true}
      %add3A_420 = arith.constant 7 : i32
      %add3A_421 = arith.addi %mul3A_83, %add3A_420 : i32
      %dma_start3A_422 = arith.constant 0 : i32
      %dma_start3A_423 = tpu.memref_slice %arg9[%add3A_421, %dma_start3A_422] : memref<80x125xi32, #tpu.memory_space<vmem>> -> memref<1x125xi32, #tpu.memory_space<vmem>>
      %dma_start3A_424 = tpu.memref_squeeze %dma_start3A_423 : memref<1x125xi32, #tpu.memory_space<vmem>> -> memref<125xi32, #tpu.memory_space<vmem>>
      %dma_start3A_425 = arith.constant 0 : i32
      %dma_start3A_426 = arith.constant 0 : i32
      %dma_start3A_427 = tpu.memref_slice %arg16[%dma_start3A_425, %dma_start3A_426] : memref<10048x32xbf16, #tpu.memory_space<vmem_shared>> -> memref<10048x32xbf16, #tpu.memory_space<vmem_shared>>
      tpu.enqueue_indirect_dma source(%arg12 : memref<125x32xbf16, #tpu.memory_space<vmem>>) target(%dma_start3A_427 : memref<10048x32xbf16, #tpu.memory_space<vmem_shared>>) offsets(%dma_start3A_424 : memref<125xi32, #tpu.memory_space<vmem>>) semaphore(%arg20 : memref<!tpu.dma_semaphore, #tpu.memory_space<semaphore_mem>>) {add = true}
      %dma_wait3A_428 = arith.constant 0 : i32
      %dma_wait3A_429 = tpu.memref_slice %arg9[%add3A_413, %dma_wait3A_428] : memref<80x125xi32, #tpu.memory_space<vmem>> -> memref<1x125xi32, #tpu.memory_space<vmem>>
      %dma_wait3A_430 = tpu.memref_squeeze %dma_wait3A_429 : memref<1x125xi32, #tpu.memory_space<vmem>> -> memref<125xi32, #tpu.memory_space<vmem>>
      %dma_wait3A_431 = arith.constant 0 : i32
      %dma_wait3A_432 = arith.constant 0 : i32
      %dma_wait3A_433 = tpu.memref_slice %arg15[%dma_wait3A_431, %dma_wait3A_432] : memref<10048x128xbf16, #tpu.memory_space<vmem_shared>> -> memref<10048x128xbf16, #tpu.memory_space<vmem_shared>>
      tpu.wait_indirect_dma semaphore(%arg20 : memref<!tpu.dma_semaphore, #tpu.memory_space<semaphore_mem>>) src(%arg11 : memref<125x128xbf16, #tpu.memory_space<vmem>>) dst(%dma_wait3A_433 : memref<10048x128xbf16, #tpu.memory_space<vmem_shared>>)
      %dma_wait3A_434 = arith.constant 0 : i32
      %dma_wait3A_435 = tpu.memref_slice %arg9[%add3A_421, %dma_wait3A_434] : memref<80x125xi32, #tpu.memory_space<vmem>> -> memref<1x125xi32, #tpu.memory_space<vmem>>
      %dma_wait3A_436 = tpu.memref_squeeze %dma_wait3A_435 : memref<1x125xi32, #tpu.memory_space<vmem>> -> memref<125xi32, #tpu.memory_space<vmem>>
      %dma_wait3A_437 = arith.constant 0 : i32
      %dma_wait3A_438 = arith.constant 0 : i32
      %dma_wait3A_439 = tpu.memref_slice %arg16[%dma_wait3A_437, %dma_wait3A_438] : memref<10048x32xbf16, #tpu.memory_space<vmem_shared>> -> memref<10048x32xbf16, #tpu.memory_space<vmem_shared>>
      tpu.wait_indirect_dma semaphore(%arg20 : memref<!tpu.dma_semaphore, #tpu.memory_space<semaphore_mem>>) src(%arg12 : memref<125x32xbf16, #tpu.memory_space<vmem>>) dst(%dma_wait3A_439 : memref<10048x32xbf16, #tpu.memory_space<vmem_shared>>)
      %add3A_440 = arith.constant 8 : i32
      %add3A_441 = arith.addi %mul3A_83, %add3A_440 : i32
      %add3A_442 = arith.constant 1 : i32
      %add3A_443 = arith.addi %add3A_441, %add3A_442 : i32
      %dma_start3A_444 = arith.constant 0 : i32
      %dma_start3A_445 = tpu.memref_slice %arg8[%add3A_443, %dma_start3A_444] : memref<80x125xi32, #tpu.memory_space<vmem>> -> memref<1x125xi32, #tpu.memory_space<vmem>>
      %dma_start3A_446 = tpu.memref_squeeze %dma_start3A_445 : memref<1x125xi32, #tpu.memory_space<vmem>> -> memref<125xi32, #tpu.memory_space<vmem>>
      %dma_start3A_447 = arith.constant 0 : i32
      %dma_start3A_448 = arith.constant 0 : i32
      %dma_start3A_449 = tpu.memref_slice %arg14[%dma_start3A_447, %dma_start3A_448] : memref<10048x128xbf16, #tpu.memory_space<vmem_shared>> -> memref<10048x128xbf16, #tpu.memory_space<vmem_shared>>
      tpu.enqueue_indirect_dma source(%dma_start3A_449 : memref<10048x128xbf16, #tpu.memory_space<vmem_shared>>) target(%arg11 : memref<125x128xbf16, #tpu.memory_space<vmem>>) offsets(%dma_start3A_446 : memref<125xi32, #tpu.memory_space<vmem>>) semaphore(%arg18 : memref<!tpu.dma_semaphore, #tpu.memory_space<semaphore_mem>>)
      %dma_wait3A_450 = arith.constant 0 : i32
      %dma_wait3A_451 = tpu.memref_slice %arg8[%add3A_399, %dma_wait3A_450] : memref<80x125xi32, #tpu.memory_space<vmem>> -> memref<1x125xi32, #tpu.memory_space<vmem>>
      %dma_wait3A_452 = tpu.memref_squeeze %dma_wait3A_451 : memref<1x125xi32, #tpu.memory_space<vmem>> -> memref<125xi32, #tpu.memory_space<vmem>>
      %dma_wait3A_453 = arith.constant 0 : i32
      %dma_wait3A_454 = arith.constant 0 : i32
      %dma_wait3A_455 = tpu.memref_slice %arg14[%dma_wait3A_453, %dma_wait3A_454] : memref<10048x128xbf16, #tpu.memory_space<vmem_shared>> -> memref<10048x128xbf16, #tpu.memory_space<vmem_shared>>
      tpu.wait_indirect_dma semaphore(%arg17 : memref<!tpu.dma_semaphore, #tpu.memory_space<semaphore_mem>>) src(%dma_wait3A_455 : memref<10048x128xbf16, #tpu.memory_space<vmem_shared>>) dst(%arg10 : memref<125x128xbf16, #tpu.memory_space<vmem>>)
      %add3A_456 = arith.constant 8 : i32
      %add3A_457 = arith.addi %mul3A_83, %add3A_456 : i32
      %dma_start3A_458 = arith.constant 0 : i32
      %dma_start3A_459 = tpu.memref_slice %arg9[%add3A_457, %dma_start3A_458] : memref<80x125xi32, #tpu.memory_space<vmem>> -> memref<1x125xi32, #tpu.memory_space<vmem>>
      %dma_start3A_460 = tpu.memref_squeeze %dma_start3A_459 : memref<1x125xi32, #tpu.memory_space<vmem>> -> memref<125xi32, #tpu.memory_space<vmem>>
      %dma_start3A_461 = arith.constant 0 : i32
      %dma_start3A_462 = arith.constant 0 : i32
      %dma_start3A_463 = tpu.memref_slice %arg15[%dma_start3A_461, %dma_start3A_462] : memref<10048x128xbf16, #tpu.memory_space<vmem_shared>> -> memref<10048x128xbf16, #tpu.memory_space<vmem_shared>>
      tpu.enqueue_indirect_dma source(%arg10 : memref<125x128xbf16, #tpu.memory_space<vmem>>) target(%dma_start3A_463 : memref<10048x128xbf16, #tpu.memory_space<vmem_shared>>) offsets(%dma_start3A_460 : memref<125xi32, #tpu.memory_space<vmem>>) semaphore(%arg19 : memref<!tpu.dma_semaphore, #tpu.memory_space<semaphore_mem>>) {add = true}
      %add3A_464 = arith.constant 8 : i32
      %add3A_465 = arith.addi %mul3A_83, %add3A_464 : i32
      %dma_start3A_466 = arith.constant 0 : i32
      %dma_start3A_467 = tpu.memref_slice %arg9[%add3A_465, %dma_start3A_466] : memref<80x125xi32, #tpu.memory_space<vmem>> -> memref<1x125xi32, #tpu.memory_space<vmem>>
      %dma_start3A_468 = tpu.memref_squeeze %dma_start3A_467 : memref<1x125xi32, #tpu.memory_space<vmem>> -> memref<125xi32, #tpu.memory_space<vmem>>
      %dma_start3A_469 = arith.constant 0 : i32
      %dma_start3A_470 = arith.constant 0 : i32
      %dma_start3A_471 = tpu.memref_slice %arg16[%dma_start3A_469, %dma_start3A_470] : memref<10048x32xbf16, #tpu.memory_space<vmem_shared>> -> memref<10048x32xbf16, #tpu.memory_space<vmem_shared>>
      tpu.enqueue_indirect_dma source(%arg12 : memref<125x32xbf16, #tpu.memory_space<vmem>>) target(%dma_start3A_471 : memref<10048x32xbf16, #tpu.memory_space<vmem_shared>>) offsets(%dma_start3A_468 : memref<125xi32, #tpu.memory_space<vmem>>) semaphore(%arg19 : memref<!tpu.dma_semaphore, #tpu.memory_space<semaphore_mem>>) {add = true}
      %dma_wait3A_472 = arith.constant 0 : i32
      %dma_wait3A_473 = tpu.memref_slice %arg9[%add3A_457, %dma_wait3A_472] : memref<80x125xi32, #tpu.memory_space<vmem>> -> memref<1x125xi32, #tpu.memory_space<vmem>>
      %dma_wait3A_474 = tpu.memref_squeeze %dma_wait3A_473 : memref<1x125xi32, #tpu.memory_space<vmem>> -> memref<125xi32, #tpu.memory_space<vmem>>
      %dma_wait3A_475 = arith.constant 0 : i32
      %dma_wait3A_476 = arith.constant 0 : i32
      %dma_wait3A_477 = tpu.memref_slice %arg15[%dma_wait3A_475, %dma_wait3A_476] : memref<10048x128xbf16, #tpu.memory_space<vmem_shared>> -> memref<10048x128xbf16, #tpu.memory_space<vmem_shared>>
      tpu.wait_indirect_dma semaphore(%arg19 : memref<!tpu.dma_semaphore, #tpu.memory_space<semaphore_mem>>) src(%arg10 : memref<125x128xbf16, #tpu.memory_space<vmem>>) dst(%dma_wait3A_477 : memref<10048x128xbf16, #tpu.memory_space<vmem_shared>>)
      %dma_wait3A_478 = arith.constant 0 : i32
      %dma_wait3A_479 = tpu.memref_slice %arg9[%add3A_465, %dma_wait3A_478] : memref<80x125xi32, #tpu.memory_space<vmem>> -> memref<1x125xi32, #tpu.memory_space<vmem>>
      %dma_wait3A_480 = tpu.memref_squeeze %dma_wait3A_479 : memref<1x125xi32, #tpu.memory_space<vmem>> -> memref<125xi32, #tpu.memory_space<vmem>>
      %dma_wait3A_481 = arith.constant 0 : i32
      %dma_wait3A_482 = arith.constant 0 : i32
      %dma_wait3A_483 = tpu.memref_slice %arg16[%dma_wait3A_481, %dma_wait3A_482] : memref<10048x32xbf16, #tpu.memory_space<vmem_shared>> -> memref<10048x32xbf16, #tpu.memory_space<vmem_shared>>
      tpu.wait_indirect_dma semaphore(%arg19 : memref<!tpu.dma_semaphore, #tpu.memory_space<semaphore_mem>>) src(%arg12 : memref<125x32xbf16, #tpu.memory_space<vmem>>) dst(%dma_wait3A_483 : memref<10048x32xbf16, #tpu.memory_space<vmem_shared>>)
      %add3A_484 = arith.constant 9 : i32
      %add3A_485 = arith.addi %mul3A_83, %add3A_484 : i32
      %add3A_486 = arith.constant 1 : i32
      %add3A_487 = arith.addi %add3A_485, %add3A_486 : i32
      %dma_start3A_488 = arith.constant 0 : i32
      %dma_start3A_489 = tpu.memref_slice %arg8[%add3A_487, %dma_start3A_488] : memref<80x125xi32, #tpu.memory_space<vmem>> -> memref<1x125xi32, #tpu.memory_space<vmem>>
      %dma_start3A_490 = tpu.memref_squeeze %dma_start3A_489 : memref<1x125xi32, #tpu.memory_space<vmem>> -> memref<125xi32, #tpu.memory_space<vmem>>
      %dma_start3A_491 = arith.constant 0 : i32
      %dma_start3A_492 = arith.constant 0 : i32
      %dma_start3A_493 = tpu.memref_slice %arg14[%dma_start3A_491, %dma_start3A_492] : memref<10048x128xbf16, #tpu.memory_space<vmem_shared>> -> memref<10048x128xbf16, #tpu.memory_space<vmem_shared>>
      tpu.enqueue_indirect_dma source(%dma_start3A_493 : memref<10048x128xbf16, #tpu.memory_space<vmem_shared>>) target(%arg10 : memref<125x128xbf16, #tpu.memory_space<vmem>>) offsets(%dma_start3A_490 : memref<125xi32, #tpu.memory_space<vmem>>) semaphore(%arg17 : memref<!tpu.dma_semaphore, #tpu.memory_space<semaphore_mem>>)
      %dma_wait3A_494 = arith.constant 0 : i32
      %dma_wait3A_495 = tpu.memref_slice %arg8[%add3A_443, %dma_wait3A_494] : memref<80x125xi32, #tpu.memory_space<vmem>> -> memref<1x125xi32, #tpu.memory_space<vmem>>
      %dma_wait3A_496 = tpu.memref_squeeze %dma_wait3A_495 : memref<1x125xi32, #tpu.memory_space<vmem>> -> memref<125xi32, #tpu.memory_space<vmem>>
      %dma_wait3A_497 = arith.constant 0 : i32
      %dma_wait3A_498 = arith.constant 0 : i32
      %dma_wait3A_499 = tpu.memref_slice %arg14[%dma_wait3A_497, %dma_wait3A_498] : memref<10048x128xbf16, #tpu.memory_space<vmem_shared>> -> memref<10048x128xbf16, #tpu.memory_space<vmem_shared>>
      tpu.wait_indirect_dma semaphore(%arg18 : memref<!tpu.dma_semaphore, #tpu.memory_space<semaphore_mem>>) src(%dma_wait3A_499 : memref<10048x128xbf16, #tpu.memory_space<vmem_shared>>) dst(%arg11 : memref<125x128xbf16, #tpu.memory_space<vmem>>)
      %add3A_500 = arith.constant 9 : i32
      %add3A_501 = arith.addi %mul3A_83, %add3A_500 : i32
      %dma_start3A_502 = arith.constant 0 : i32
      %dma_start3A_503 = tpu.memref_slice %arg9[%add3A_501, %dma_start3A_502] : memref<80x125xi32, #tpu.memory_space<vmem>> -> memref<1x125xi32, #tpu.memory_space<vmem>>
      %dma_start3A_504 = tpu.memref_squeeze %dma_start3A_503 : memref<1x125xi32, #tpu.memory_space<vmem>> -> memref<125xi32, #tpu.memory_space<vmem>>
      %dma_start3A_505 = arith.constant 0 : i32
      %dma_start3A_506 = arith.constant 0 : i32
      %dma_start3A_507 = tpu.memref_slice %arg15[%dma_start3A_505, %dma_start3A_506] : memref<10048x128xbf16, #tpu.memory_space<vmem_shared>> -> memref<10048x128xbf16, #tpu.memory_space<vmem_shared>>
      tpu.enqueue_indirect_dma source(%arg11 : memref<125x128xbf16, #tpu.memory_space<vmem>>) target(%dma_start3A_507 : memref<10048x128xbf16, #tpu.memory_space<vmem_shared>>) offsets(%dma_start3A_504 : memref<125xi32, #tpu.memory_space<vmem>>) semaphore(%arg20 : memref<!tpu.dma_semaphore, #tpu.memory_space<semaphore_mem>>) {add = true}
      %add3A_508 = arith.constant 9 : i32
      %add3A_509 = arith.addi %mul3A_83, %add3A_508 : i32
      %dma_start3A_510 = arith.constant 0 : i32
      %dma_start3A_511 = tpu.memref_slice %arg9[%add3A_509, %dma_start3A_510] : memref<80x125xi32, #tpu.memory_space<vmem>> -> memref<1x125xi32, #tpu.memory_space<vmem>>
      %dma_start3A_512 = tpu.memref_squeeze %dma_start3A_511 : memref<1x125xi32, #tpu.memory_space<vmem>> -> memref<125xi32, #tpu.memory_space<vmem>>
      %dma_start3A_513 = arith.constant 0 : i32
      %dma_start3A_514 = arith.constant 0 : i32
      %dma_start3A_515 = tpu.memref_slice %arg16[%dma_start3A_513, %dma_start3A_514] : memref<10048x32xbf16, #tpu.memory_space<vmem_shared>> -> memref<10048x32xbf16, #tpu.memory_space<vmem_shared>>
      tpu.enqueue_indirect_dma source(%arg12 : memref<125x32xbf16, #tpu.memory_space<vmem>>) target(%dma_start3A_515 : memref<10048x32xbf16, #tpu.memory_space<vmem_shared>>) offsets(%dma_start3A_512 : memref<125xi32, #tpu.memory_space<vmem>>) semaphore(%arg20 : memref<!tpu.dma_semaphore, #tpu.memory_space<semaphore_mem>>) {add = true}
      %dma_wait3A_516 = arith.constant 0 : i32
      %dma_wait3A_517 = tpu.memref_slice %arg9[%add3A_501, %dma_wait3A_516] : memref<80x125xi32, #tpu.memory_space<vmem>> -> memref<1x125xi32, #tpu.memory_space<vmem>>
      %dma_wait3A_518 = tpu.memref_squeeze %dma_wait3A_517 : memref<1x125xi32, #tpu.memory_space<vmem>> -> memref<125xi32, #tpu.memory_space<vmem>>
      %dma_wait3A_519 = arith.constant 0 : i32
      %dma_wait3A_520 = arith.constant 0 : i32
      %dma_wait3A_521 = tpu.memref_slice %arg15[%dma_wait3A_519, %dma_wait3A_520] : memref<10048x128xbf16, #tpu.memory_space<vmem_shared>> -> memref<10048x128xbf16, #tpu.memory_space<vmem_shared>>
      tpu.wait_indirect_dma semaphore(%arg20 : memref<!tpu.dma_semaphore, #tpu.memory_space<semaphore_mem>>) src(%arg11 : memref<125x128xbf16, #tpu.memory_space<vmem>>) dst(%dma_wait3A_521 : memref<10048x128xbf16, #tpu.memory_space<vmem_shared>>)
      %dma_wait3A_522 = arith.constant 0 : i32
      %dma_wait3A_523 = tpu.memref_slice %arg9[%add3A_509, %dma_wait3A_522] : memref<80x125xi32, #tpu.memory_space<vmem>> -> memref<1x125xi32, #tpu.memory_space<vmem>>
      %dma_wait3A_524 = tpu.memref_squeeze %dma_wait3A_523 : memref<1x125xi32, #tpu.memory_space<vmem>> -> memref<125xi32, #tpu.memory_space<vmem>>
      %dma_wait3A_525 = arith.constant 0 : i32
      %dma_wait3A_526 = arith.constant 0 : i32
      %dma_wait3A_527 = tpu.memref_slice %arg16[%dma_wait3A_525, %dma_wait3A_526] : memref<10048x32xbf16, #tpu.memory_space<vmem_shared>> -> memref<10048x32xbf16, #tpu.memory_space<vmem_shared>>
      tpu.wait_indirect_dma semaphore(%arg20 : memref<!tpu.dma_semaphore, #tpu.memory_space<semaphore_mem>>) src(%arg12 : memref<125x32xbf16, #tpu.memory_space<vmem>>) dst(%dma_wait3A_527 : memref<10048x32xbf16, #tpu.memory_space<vmem_shared>>)
      %add3A_528 = arith.constant 10 : i32
      %add3A_529 = arith.addi %mul3A_83, %add3A_528 : i32
      %add3A_530 = arith.constant 1 : i32
      %add3A_531 = arith.addi %add3A_529, %add3A_530 : i32
      %dma_start3A_532 = arith.constant 0 : i32
      %dma_start3A_533 = tpu.memref_slice %arg8[%add3A_531, %dma_start3A_532] : memref<80x125xi32, #tpu.memory_space<vmem>> -> memref<1x125xi32, #tpu.memory_space<vmem>>
      %dma_start3A_534 = tpu.memref_squeeze %dma_start3A_533 : memref<1x125xi32, #tpu.memory_space<vmem>> -> memref<125xi32, #tpu.memory_space<vmem>>
      %dma_start3A_535 = arith.constant 0 : i32
      %dma_start3A_536 = arith.constant 0 : i32
      %dma_start3A_537 = tpu.memref_slice %arg14[%dma_start3A_535, %dma_start3A_536] : memref<10048x128xbf16, #tpu.memory_space<vmem_shared>> -> memref<10048x128xbf16, #tpu.memory_space<vmem_shared>>
      tpu.enqueue_indirect_dma source(%dma_start3A_537 : memref<10048x128xbf16, #tpu.memory_space<vmem_shared>>) target(%arg11 : memref<125x128xbf16, #tpu.memory_space<vmem>>) offsets(%dma_start3A_534 : memref<125xi32, #tpu.memory_space<vmem>>) semaphore(%arg18 : memref<!tpu.dma_semaphore, #tpu.memory_space<semaphore_mem>>)
      %dma_wait3A_538 = arith.constant 0 : i32
      %dma_wait3A_539 = tpu.memref_slice %arg8[%add3A_487, %dma_wait3A_538] : memref<80x125xi32, #tpu.memory_space<vmem>> -> memref<1x125xi32, #tpu.memory_space<vmem>>
      %dma_wait3A_540 = tpu.memref_squeeze %dma_wait3A_539 : memref<1x125xi32, #tpu.memory_space<vmem>> -> memref<125xi32, #tpu.memory_space<vmem>>
      %dma_wait3A_541 = arith.constant 0 : i32
      %dma_wait3A_542 = arith.constant 0 : i32
      %dma_wait3A_543 = tpu.memref_slice %arg14[%dma_wait3A_541, %dma_wait3A_542] : memref<10048x128xbf16, #tpu.memory_space<vmem_shared>> -> memref<10048x128xbf16, #tpu.memory_space<vmem_shared>>
      tpu.wait_indirect_dma semaphore(%arg17 : memref<!tpu.dma_semaphore, #tpu.memory_space<semaphore_mem>>) src(%dma_wait3A_543 : memref<10048x128xbf16, #tpu.memory_space<vmem_shared>>) dst(%arg10 : memref<125x128xbf16, #tpu.memory_space<vmem>>)
      %add3A_544 = arith.constant 10 : i32
      %add3A_545 = arith.addi %mul3A_83, %add3A_544 : i32
      %dma_start3A_546 = arith.constant 0 : i32
      %dma_start3A_547 = tpu.memref_slice %arg9[%add3A_545, %dma_start3A_546] : memref<80x125xi32, #tpu.memory_space<vmem>> -> memref<1x125xi32, #tpu.memory_space<vmem>>
      %dma_start3A_548 = tpu.memref_squeeze %dma_start3A_547 : memref<1x125xi32, #tpu.memory_space<vmem>> -> memref<125xi32, #tpu.memory_space<vmem>>
      %dma_start3A_549 = arith.constant 0 : i32
      %dma_start3A_550 = arith.constant 0 : i32
      %dma_start3A_551 = tpu.memref_slice %arg15[%dma_start3A_549, %dma_start3A_550] : memref<10048x128xbf16, #tpu.memory_space<vmem_shared>> -> memref<10048x128xbf16, #tpu.memory_space<vmem_shared>>
      tpu.enqueue_indirect_dma source(%arg10 : memref<125x128xbf16, #tpu.memory_space<vmem>>) target(%dma_start3A_551 : memref<10048x128xbf16, #tpu.memory_space<vmem_shared>>) offsets(%dma_start3A_548 : memref<125xi32, #tpu.memory_space<vmem>>) semaphore(%arg19 : memref<!tpu.dma_semaphore, #tpu.memory_space<semaphore_mem>>) {add = true}
      %add3A_552 = arith.constant 10 : i32
      %add3A_553 = arith.addi %mul3A_83, %add3A_552 : i32
      %dma_start3A_554 = arith.constant 0 : i32
      %dma_start3A_555 = tpu.memref_slice %arg9[%add3A_553, %dma_start3A_554] : memref<80x125xi32, #tpu.memory_space<vmem>> -> memref<1x125xi32, #tpu.memory_space<vmem>>
      %dma_start3A_556 = tpu.memref_squeeze %dma_start3A_555 : memref<1x125xi32, #tpu.memory_space<vmem>> -> memref<125xi32, #tpu.memory_space<vmem>>
      %dma_start3A_557 = arith.constant 0 : i32
      %dma_start3A_558 = arith.constant 0 : i32
      %dma_start3A_559 = tpu.memref_slice %arg16[%dma_start3A_557, %dma_start3A_558] : memref<10048x32xbf16, #tpu.memory_space<vmem_shared>> -> memref<10048x32xbf16, #tpu.memory_space<vmem_shared>>
      tpu.enqueue_indirect_dma source(%arg12 : memref<125x32xbf16, #tpu.memory_space<vmem>>) target(%dma_start3A_559 : memref<10048x32xbf16, #tpu.memory_space<vmem_shared>>) offsets(%dma_start3A_556 : memref<125xi32, #tpu.memory_space<vmem>>) semaphore(%arg19 : memref<!tpu.dma_semaphore, #tpu.memory_space<semaphore_mem>>) {add = true}
      %dma_wait3A_560 = arith.constant 0 : i32
      %dma_wait3A_561 = tpu.memref_slice %arg9[%add3A_545, %dma_wait3A_560] : memref<80x125xi32, #tpu.memory_space<vmem>> -> memref<1x125xi32, #tpu.memory_space<vmem>>
      %dma_wait3A_562 = tpu.memref_squeeze %dma_wait3A_561 : memref<1x125xi32, #tpu.memory_space<vmem>> -> memref<125xi32, #tpu.memory_space<vmem>>
      %dma_wait3A_563 = arith.constant 0 : i32
      %dma_wait3A_564 = arith.constant 0 : i32
      %dma_wait3A_565 = tpu.memref_slice %arg15[%dma_wait3A_563, %dma_wait3A_564] : memref<10048x128xbf16, #tpu.memory_space<vmem_shared>> -> memref<10048x128xbf16, #tpu.memory_space<vmem_shared>>
      tpu.wait_indirect_dma semaphore(%arg19 : memref<!tpu.dma_semaphore, #tpu.memory_space<semaphore_mem>>) src(%arg10 : memref<125x128xbf16, #tpu.memory_space<vmem>>) dst(%dma_wait3A_565 : memref<10048x128xbf16, #tpu.memory_space<vmem_shared>>)
      %dma_wait3A_566 = arith.constant 0 : i32
      %dma_wait3A_567 = tpu.memref_slice %arg9[%add3A_553, %dma_wait3A_566] : memref<80x125xi32, #tpu.memory_space<vmem>> -> memref<1x125xi32, #tpu.memory_space<vmem>>
      %dma_wait3A_568 = tpu.memref_squeeze %dma_wait3A_567 : memref<1x125xi32, #tpu.memory_space<vmem>> -> memref<125xi32, #tpu.memory_space<vmem>>
      %dma_wait3A_569 = arith.constant 0 : i32
      %dma_wait3A_570 = arith.constant 0 : i32
      %dma_wait3A_571 = tpu.memref_slice %arg16[%dma_wait3A_569, %dma_wait3A_570] : memref<10048x32xbf16, #tpu.memory_space<vmem_shared>> -> memref<10048x32xbf16, #tpu.memory_space<vmem_shared>>
      tpu.wait_indirect_dma semaphore(%arg19 : memref<!tpu.dma_semaphore, #tpu.memory_space<semaphore_mem>>) src(%arg12 : memref<125x32xbf16, #tpu.memory_space<vmem>>) dst(%dma_wait3A_571 : memref<10048x32xbf16, #tpu.memory_space<vmem_shared>>)
      %add3A_572 = arith.constant 11 : i32
      %add3A_573 = arith.addi %mul3A_83, %add3A_572 : i32
      %add3A_574 = arith.constant 1 : i32
      %add3A_575 = arith.addi %add3A_573, %add3A_574 : i32
      %dma_start3A_576 = arith.constant 0 : i32
      %dma_start3A_577 = tpu.memref_slice %arg8[%add3A_575, %dma_start3A_576] : memref<80x125xi32, #tpu.memory_space<vmem>> -> memref<1x125xi32, #tpu.memory_space<vmem>>
      %dma_start3A_578 = tpu.memref_squeeze %dma_start3A_577 : memref<1x125xi32, #tpu.memory_space<vmem>> -> memref<125xi32, #tpu.memory_space<vmem>>
      %dma_start3A_579 = arith.constant 0 : i32
      %dma_start3A_580 = arith.constant 0 : i32
      %dma_start3A_581 = tpu.memref_slice %arg14[%dma_start3A_579, %dma_start3A_580] : memref<10048x128xbf16, #tpu.memory_space<vmem_shared>> -> memref<10048x128xbf16, #tpu.memory_space<vmem_shared>>
      tpu.enqueue_indirect_dma source(%dma_start3A_581 : memref<10048x128xbf16, #tpu.memory_space<vmem_shared>>) target(%arg10 : memref<125x128xbf16, #tpu.memory_space<vmem>>) offsets(%dma_start3A_578 : memref<125xi32, #tpu.memory_space<vmem>>) semaphore(%arg17 : memref<!tpu.dma_semaphore, #tpu.memory_space<semaphore_mem>>)
      %dma_wait3A_582 = arith.constant 0 : i32
      %dma_wait3A_583 = tpu.memref_slice %arg8[%add3A_531, %dma_wait3A_582] : memref<80x125xi32, #tpu.memory_space<vmem>> -> memref<1x125xi32, #tpu.memory_space<vmem>>
      %dma_wait3A_584 = tpu.memref_squeeze %dma_wait3A_583 : memref<1x125xi32, #tpu.memory_space<vmem>> -> memref<125xi32, #tpu.memory_space<vmem>>
      %dma_wait3A_585 = arith.constant 0 : i32
      %dma_wait3A_586 = arith.constant 0 : i32
      %dma_wait3A_587 = tpu.memref_slice %arg14[%dma_wait3A_585, %dma_wait3A_586] : memref<10048x128xbf16, #tpu.memory_space<vmem_shared>> -> memref<10048x128xbf16, #tpu.memory_space<vmem_shared>>
      tpu.wait_indirect_dma semaphore(%arg18 : memref<!tpu.dma_semaphore, #tpu.memory_space<semaphore_mem>>) src(%dma_wait3A_587 : memref<10048x128xbf16, #tpu.memory_space<vmem_shared>>) dst(%arg11 : memref<125x128xbf16, #tpu.memory_space<vmem>>)
      %add3A_588 = arith.constant 11 : i32
      %add3A_589 = arith.addi %mul3A_83, %add3A_588 : i32
      %dma_start3A_590 = arith.constant 0 : i32
      %dma_start3A_591 = tpu.memref_slice %arg9[%add3A_589, %dma_start3A_590] : memref<80x125xi32, #tpu.memory_space<vmem>> -> memref<1x125xi32, #tpu.memory_space<vmem>>
      %dma_start3A_592 = tpu.memref_squeeze %dma_start3A_591 : memref<1x125xi32, #tpu.memory_space<vmem>> -> memref<125xi32, #tpu.memory_space<vmem>>
      %dma_start3A_593 = arith.constant 0 : i32
      %dma_start3A_594 = arith.constant 0 : i32
      %dma_start3A_595 = tpu.memref_slice %arg15[%dma_start3A_593, %dma_start3A_594] : memref<10048x128xbf16, #tpu.memory_space<vmem_shared>> -> memref<10048x128xbf16, #tpu.memory_space<vmem_shared>>
      tpu.enqueue_indirect_dma source(%arg11 : memref<125x128xbf16, #tpu.memory_space<vmem>>) target(%dma_start3A_595 : memref<10048x128xbf16, #tpu.memory_space<vmem_shared>>) offsets(%dma_start3A_592 : memref<125xi32, #tpu.memory_space<vmem>>) semaphore(%arg20 : memref<!tpu.dma_semaphore, #tpu.memory_space<semaphore_mem>>) {add = true}
      %add3A_596 = arith.constant 11 : i32
      %add3A_597 = arith.addi %mul3A_83, %add3A_596 : i32
      %dma_start3A_598 = arith.constant 0 : i32
      %dma_start3A_599 = tpu.memref_slice %arg9[%add3A_597, %dma_start3A_598] : memref<80x125xi32, #tpu.memory_space<vmem>> -> memref<1x125xi32, #tpu.memory_space<vmem>>
      %dma_start3A_600 = tpu.memref_squeeze %dma_start3A_599 : memref<1x125xi32, #tpu.memory_space<vmem>> -> memref<125xi32, #tpu.memory_space<vmem>>
      %dma_start3A_601 = arith.constant 0 : i32
      %dma_start3A_602 = arith.constant 0 : i32
      %dma_start3A_603 = tpu.memref_slice %arg16[%dma_start3A_601, %dma_start3A_602] : memref<10048x32xbf16, #tpu.memory_space<vmem_shared>> -> memref<10048x32xbf16, #tpu.memory_space<vmem_shared>>
      tpu.enqueue_indirect_dma source(%arg12 : memref<125x32xbf16, #tpu.memory_space<vmem>>) target(%dma_start3A_603 : memref<10048x32xbf16, #tpu.memory_space<vmem_shared>>) offsets(%dma_start3A_600 : memref<125xi32, #tpu.memory_space<vmem>>) semaphore(%arg20 : memref<!tpu.dma_semaphore, #tpu.memory_space<semaphore_mem>>) {add = true}
      %dma_wait3A_604 = arith.constant 0 : i32
      %dma_wait3A_605 = tpu.memref_slice %arg9[%add3A_589, %dma_wait3A_604] : memref<80x125xi32, #tpu.memory_space<vmem>> -> memref<1x125xi32, #tpu.memory_space<vmem>>
      %dma_wait3A_606 = tpu.memref_squeeze %dma_wait3A_605 : memref<1x125xi32, #tpu.memory_space<vmem>> -> memref<125xi32, #tpu.memory_space<vmem>>
      %dma_wait3A_607 = arith.constant 0 : i32
      %dma_wait3A_608 = arith.constant 0 : i32
      %dma_wait3A_609 = tpu.memref_slice %arg15[%dma_wait3A_607, %dma_wait3A_608] : memref<10048x128xbf16, #tpu.memory_space<vmem_shared>> -> memref<10048x128xbf16, #tpu.memory_space<vmem_shared>>
      tpu.wait_indirect_dma semaphore(%arg20 : memref<!tpu.dma_semaphore, #tpu.memory_space<semaphore_mem>>) src(%arg11 : memref<125x128xbf16, #tpu.memory_space<vmem>>) dst(%dma_wait3A_609 : memref<10048x128xbf16, #tpu.memory_space<vmem_shared>>)
      %dma_wait3A_610 = arith.constant 0 : i32
      %dma_wait3A_611 = tpu.memref_slice %arg9[%add3A_597, %dma_wait3A_610] : memref<80x125xi32, #tpu.memory_space<vmem>> -> memref<1x125xi32, #tpu.memory_space<vmem>>
      %dma_wait3A_612 = tpu.memref_squeeze %dma_wait3A_611 : memref<1x125xi32, #tpu.memory_space<vmem>> -> memref<125xi32, #tpu.memory_space<vmem>>
      %dma_wait3A_613 = arith.constant 0 : i32
      %dma_wait3A_614 = arith.constant 0 : i32
      %dma_wait3A_615 = tpu.memref_slice %arg16[%dma_wait3A_613, %dma_wait3A_614] : memref<10048x32xbf16, #tpu.memory_space<vmem_shared>> -> memref<10048x32xbf16, #tpu.memory_space<vmem_shared>>
      tpu.wait_indirect_dma semaphore(%arg20 : memref<!tpu.dma_semaphore, #tpu.memory_space<semaphore_mem>>) src(%arg12 : memref<125x32xbf16, #tpu.memory_space<vmem>>) dst(%dma_wait3A_615 : memref<10048x32xbf16, #tpu.memory_space<vmem_shared>>)
      %add3A_616 = arith.constant 12 : i32
      %add3A_617 = arith.addi %mul3A_83, %add3A_616 : i32
      %add3A_618 = arith.constant 1 : i32
      %add3A_619 = arith.addi %add3A_617, %add3A_618 : i32
      %dma_start3A_620 = arith.constant 0 : i32
      %dma_start3A_621 = tpu.memref_slice %arg8[%add3A_619, %dma_start3A_620] : memref<80x125xi32, #tpu.memory_space<vmem>> -> memref<1x125xi32, #tpu.memory_space<vmem>>
      %dma_start3A_622 = tpu.memref_squeeze %dma_start3A_621 : memref<1x125xi32, #tpu.memory_space<vmem>> -> memref<125xi32, #tpu.memory_space<vmem>>
      %dma_start3A_623 = arith.constant 0 : i32
      %dma_start3A_624 = arith.constant 0 : i32
      %dma_start3A_625 = tpu.memref_slice %arg14[%dma_start3A_623, %dma_start3A_624] : memref<10048x128xbf16, #tpu.memory_space<vmem_shared>> -> memref<10048x128xbf16, #tpu.memory_space<vmem_shared>>
      tpu.enqueue_indirect_dma source(%dma_start3A_625 : memref<10048x128xbf16, #tpu.memory_space<vmem_shared>>) target(%arg11 : memref<125x128xbf16, #tpu.memory_space<vmem>>) offsets(%dma_start3A_622 : memref<125xi32, #tpu.memory_space<vmem>>) semaphore(%arg18 : memref<!tpu.dma_semaphore, #tpu.memory_space<semaphore_mem>>)
      %dma_wait3A_626 = arith.constant 0 : i32
      %dma_wait3A_627 = tpu.memref_slice %arg8[%add3A_575, %dma_wait3A_626] : memref<80x125xi32, #tpu.memory_space<vmem>> -> memref<1x125xi32, #tpu.memory_space<vmem>>
      %dma_wait3A_628 = tpu.memref_squeeze %dma_wait3A_627 : memref<1x125xi32, #tpu.memory_space<vmem>> -> memref<125xi32, #tpu.memory_space<vmem>>
      %dma_wait3A_629 = arith.constant 0 : i32
      %dma_wait3A_630 = arith.constant 0 : i32
      %dma_wait3A_631 = tpu.memref_slice %arg14[%dma_wait3A_629, %dma_wait3A_630] : memref<10048x128xbf16, #tpu.memory_space<vmem_shared>> -> memref<10048x128xbf16, #tpu.memory_space<vmem_shared>>
      tpu.wait_indirect_dma semaphore(%arg17 : memref<!tpu.dma_semaphore, #tpu.memory_space<semaphore_mem>>) src(%dma_wait3A_631 : memref<10048x128xbf16, #tpu.memory_space<vmem_shared>>) dst(%arg10 : memref<125x128xbf16, #tpu.memory_space<vmem>>)
      %add3A_632 = arith.constant 12 : i32
      %add3A_633 = arith.addi %mul3A_83, %add3A_632 : i32
      %dma_start3A_634 = arith.constant 0 : i32
      %dma_start3A_635 = tpu.memref_slice %arg9[%add3A_633, %dma_start3A_634] : memref<80x125xi32, #tpu.memory_space<vmem>> -> memref<1x125xi32, #tpu.memory_space<vmem>>
      %dma_start3A_636 = tpu.memref_squeeze %dma_start3A_635 : memref<1x125xi32, #tpu.memory_space<vmem>> -> memref<125xi32, #tpu.memory_space<vmem>>
      %dma_start3A_637 = arith.constant 0 : i32
      %dma_start3A_638 = arith.constant 0 : i32
      %dma_start3A_639 = tpu.memref_slice %arg15[%dma_start3A_637, %dma_start3A_638] : memref<10048x128xbf16, #tpu.memory_space<vmem_shared>> -> memref<10048x128xbf16, #tpu.memory_space<vmem_shared>>
      tpu.enqueue_indirect_dma source(%arg10 : memref<125x128xbf16, #tpu.memory_space<vmem>>) target(%dma_start3A_639 : memref<10048x128xbf16, #tpu.memory_space<vmem_shared>>) offsets(%dma_start3A_636 : memref<125xi32, #tpu.memory_space<vmem>>) semaphore(%arg19 : memref<!tpu.dma_semaphore, #tpu.memory_space<semaphore_mem>>) {add = true}
      %add3A_640 = arith.constant 12 : i32
      %add3A_641 = arith.addi %mul3A_83, %add3A_640 : i32
      %dma_start3A_642 = arith.constant 0 : i32
      %dma_start3A_643 = tpu.memref_slice %arg9[%add3A_641, %dma_start3A_642] : memref<80x125xi32, #tpu.memory_space<vmem>> -> memref<1x125xi32, #tpu.memory_space<vmem>>
      %dma_start3A_644 = tpu.memref_squeeze %dma_start3A_643 : memref<1x125xi32, #tpu.memory_space<vmem>> -> memref<125xi32, #tpu.memory_space<vmem>>
      %dma_start3A_645 = arith.constant 0 : i32
      %dma_start3A_646 = arith.constant 0 : i32
      %dma_start3A_647 = tpu.memref_slice %arg16[%dma_start3A_645, %dma_start3A_646] : memref<10048x32xbf16, #tpu.memory_space<vmem_shared>> -> memref<10048x32xbf16, #tpu.memory_space<vmem_shared>>
      tpu.enqueue_indirect_dma source(%arg12 : memref<125x32xbf16, #tpu.memory_space<vmem>>) target(%dma_start3A_647 : memref<10048x32xbf16, #tpu.memory_space<vmem_shared>>) offsets(%dma_start3A_644 : memref<125xi32, #tpu.memory_space<vmem>>) semaphore(%arg19 : memref<!tpu.dma_semaphore, #tpu.memory_space<semaphore_mem>>) {add = true}
      %dma_wait3A_648 = arith.constant 0 : i32
      %dma_wait3A_649 = tpu.memref_slice %arg9[%add3A_633, %dma_wait3A_648] : memref<80x125xi32, #tpu.memory_space<vmem>> -> memref<1x125xi32, #tpu.memory_space<vmem>>
      %dma_wait3A_650 = tpu.memref_squeeze %dma_wait3A_649 : memref<1x125xi32, #tpu.memory_space<vmem>> -> memref<125xi32, #tpu.memory_space<vmem>>
      %dma_wait3A_651 = arith.constant 0 : i32
      %dma_wait3A_652 = arith.constant 0 : i32
      %dma_wait3A_653 = tpu.memref_slice %arg15[%dma_wait3A_651, %dma_wait3A_652] : memref<10048x128xbf16, #tpu.memory_space<vmem_shared>> -> memref<10048x128xbf16, #tpu.memory_space<vmem_shared>>
      tpu.wait_indirect_dma semaphore(%arg19 : memref<!tpu.dma_semaphore, #tpu.memory_space<semaphore_mem>>) src(%arg10 : memref<125x128xbf16, #tpu.memory_space<vmem>>) dst(%dma_wait3A_653 : memref<10048x128xbf16, #tpu.memory_space<vmem_shared>>)
      %dma_wait3A_654 = arith.constant 0 : i32
      %dma_wait3A_655 = tpu.memref_slice %arg9[%add3A_641, %dma_wait3A_654] : memref<80x125xi32, #tpu.memory_space<vmem>> -> memref<1x125xi32, #tpu.memory_space<vmem>>
      %dma_wait3A_656 = tpu.memref_squeeze %dma_wait3A_655 : memref<1x125xi32, #tpu.memory_space<vmem>> -> memref<125xi32, #tpu.memory_space<vmem>>
      %dma_wait3A_657 = arith.constant 0 : i32
      %dma_wait3A_658 = arith.constant 0 : i32
      %dma_wait3A_659 = tpu.memref_slice %arg16[%dma_wait3A_657, %dma_wait3A_658] : memref<10048x32xbf16, #tpu.memory_space<vmem_shared>> -> memref<10048x32xbf16, #tpu.memory_space<vmem_shared>>
      tpu.wait_indirect_dma semaphore(%arg19 : memref<!tpu.dma_semaphore, #tpu.memory_space<semaphore_mem>>) src(%arg12 : memref<125x32xbf16, #tpu.memory_space<vmem>>) dst(%dma_wait3A_659 : memref<10048x32xbf16, #tpu.memory_space<vmem_shared>>)
      %add3A_660 = arith.constant 13 : i32
      %add3A_661 = arith.addi %mul3A_83, %add3A_660 : i32
      %add3A_662 = arith.constant 1 : i32
      %add3A_663 = arith.addi %add3A_661, %add3A_662 : i32
      %dma_start3A_664 = arith.constant 0 : i32
      %dma_start3A_665 = tpu.memref_slice %arg8[%add3A_663, %dma_start3A_664] : memref<80x125xi32, #tpu.memory_space<vmem>> -> memref<1x125xi32, #tpu.memory_space<vmem>>
      %dma_start3A_666 = tpu.memref_squeeze %dma_start3A_665 : memref<1x125xi32, #tpu.memory_space<vmem>> -> memref<125xi32, #tpu.memory_space<vmem>>
      %dma_start3A_667 = arith.constant 0 : i32
      %dma_start3A_668 = arith.constant 0 : i32
      %dma_start3A_669 = tpu.memref_slice %arg14[%dma_start3A_667, %dma_start3A_668] : memref<10048x128xbf16, #tpu.memory_space<vmem_shared>> -> memref<10048x128xbf16, #tpu.memory_space<vmem_shared>>
      tpu.enqueue_indirect_dma source(%dma_start3A_669 : memref<10048x128xbf16, #tpu.memory_space<vmem_shared>>) target(%arg10 : memref<125x128xbf16, #tpu.memory_space<vmem>>) offsets(%dma_start3A_666 : memref<125xi32, #tpu.memory_space<vmem>>) semaphore(%arg17 : memref<!tpu.dma_semaphore, #tpu.memory_space<semaphore_mem>>)
      %dma_wait3A_670 = arith.constant 0 : i32
      %dma_wait3A_671 = tpu.memref_slice %arg8[%add3A_619, %dma_wait3A_670] : memref<80x125xi32, #tpu.memory_space<vmem>> -> memref<1x125xi32, #tpu.memory_space<vmem>>
      %dma_wait3A_672 = tpu.memref_squeeze %dma_wait3A_671 : memref<1x125xi32, #tpu.memory_space<vmem>> -> memref<125xi32, #tpu.memory_space<vmem>>
      %dma_wait3A_673 = arith.constant 0 : i32
      %dma_wait3A_674 = arith.constant 0 : i32
      %dma_wait3A_675 = tpu.memref_slice %arg14[%dma_wait3A_673, %dma_wait3A_674] : memref<10048x128xbf16, #tpu.memory_space<vmem_shared>> -> memref<10048x128xbf16, #tpu.memory_space<vmem_shared>>
      tpu.wait_indirect_dma semaphore(%arg18 : memref<!tpu.dma_semaphore, #tpu.memory_space<semaphore_mem>>) src(%dma_wait3A_675 : memref<10048x128xbf16, #tpu.memory_space<vmem_shared>>) dst(%arg11 : memref<125x128xbf16, #tpu.memory_space<vmem>>)
      %add3A_676 = arith.constant 13 : i32
      %add3A_677 = arith.addi %mul3A_83, %add3A_676 : i32
      %dma_start3A_678 = arith.constant 0 : i32
      %dma_start3A_679 = tpu.memref_slice %arg9[%add3A_677, %dma_start3A_678] : memref<80x125xi32, #tpu.memory_space<vmem>> -> memref<1x125xi32, #tpu.memory_space<vmem>>
      %dma_start3A_680 = tpu.memref_squeeze %dma_start3A_679 : memref<1x125xi32, #tpu.memory_space<vmem>> -> memref<125xi32, #tpu.memory_space<vmem>>
      %dma_start3A_681 = arith.constant 0 : i32
      %dma_start3A_682 = arith.constant 0 : i32
      %dma_start3A_683 = tpu.memref_slice %arg15[%dma_start3A_681, %dma_start3A_682] : memref<10048x128xbf16, #tpu.memory_space<vmem_shared>> -> memref<10048x128xbf16, #tpu.memory_space<vmem_shared>>
      tpu.enqueue_indirect_dma source(%arg11 : memref<125x128xbf16, #tpu.memory_space<vmem>>) target(%dma_start3A_683 : memref<10048x128xbf16, #tpu.memory_space<vmem_shared>>) offsets(%dma_start3A_680 : memref<125xi32, #tpu.memory_space<vmem>>) semaphore(%arg20 : memref<!tpu.dma_semaphore, #tpu.memory_space<semaphore_mem>>) {add = true}
      %add3A_684 = arith.constant 13 : i32
      %add3A_685 = arith.addi %mul3A_83, %add3A_684 : i32
      %dma_start3A_686 = arith.constant 0 : i32
      %dma_start3A_687 = tpu.memref_slice %arg9[%add3A_685, %dma_start3A_686] : memref<80x125xi32, #tpu.memory_space<vmem>> -> memref<1x125xi32, #tpu.memory_space<vmem>>
      %dma_start3A_688 = tpu.memref_squeeze %dma_start3A_687 : memref<1x125xi32, #tpu.memory_space<vmem>> -> memref<125xi32, #tpu.memory_space<vmem>>
      %dma_start3A_689 = arith.constant 0 : i32
      %dma_start3A_690 = arith.constant 0 : i32
      %dma_start3A_691 = tpu.memref_slice %arg16[%dma_start3A_689, %dma_start3A_690] : memref<10048x32xbf16, #tpu.memory_space<vmem_shared>> -> memref<10048x32xbf16, #tpu.memory_space<vmem_shared>>
      tpu.enqueue_indirect_dma source(%arg12 : memref<125x32xbf16, #tpu.memory_space<vmem>>) target(%dma_start3A_691 : memref<10048x32xbf16, #tpu.memory_space<vmem_shared>>) offsets(%dma_start3A_688 : memref<125xi32, #tpu.memory_space<vmem>>) semaphore(%arg20 : memref<!tpu.dma_semaphore, #tpu.memory_space<semaphore_mem>>) {add = true}
      %dma_wait3A_692 = arith.constant 0 : i32
      %dma_wait3A_693 = tpu.memref_slice %arg9[%add3A_677, %dma_wait3A_692] : memref<80x125xi32, #tpu.memory_space<vmem>> -> memref<1x125xi32, #tpu.memory_space<vmem>>
      %dma_wait3A_694 = tpu.memref_squeeze %dma_wait3A_693 : memref<1x125xi32, #tpu.memory_space<vmem>> -> memref<125xi32, #tpu.memory_space<vmem>>
      %dma_wait3A_695 = arith.constant 0 : i32
      %dma_wait3A_696 = arith.constant 0 : i32
      %dma_wait3A_697 = tpu.memref_slice %arg15[%dma_wait3A_695, %dma_wait3A_696] : memref<10048x128xbf16, #tpu.memory_space<vmem_shared>> -> memref<10048x128xbf16, #tpu.memory_space<vmem_shared>>
      tpu.wait_indirect_dma semaphore(%arg20 : memref<!tpu.dma_semaphore, #tpu.memory_space<semaphore_mem>>) src(%arg11 : memref<125x128xbf16, #tpu.memory_space<vmem>>) dst(%dma_wait3A_697 : memref<10048x128xbf16, #tpu.memory_space<vmem_shared>>)
      %dma_wait3A_698 = arith.constant 0 : i32
      %dma_wait3A_699 = tpu.memref_slice %arg9[%add3A_685, %dma_wait3A_698] : memref<80x125xi32, #tpu.memory_space<vmem>> -> memref<1x125xi32, #tpu.memory_space<vmem>>
      %dma_wait3A_700 = tpu.memref_squeeze %dma_wait3A_699 : memref<1x125xi32, #tpu.memory_space<vmem>> -> memref<125xi32, #tpu.memory_space<vmem>>
      %dma_wait3A_701 = arith.constant 0 : i32
      %dma_wait3A_702 = arith.constant 0 : i32
      %dma_wait3A_703 = tpu.memref_slice %arg16[%dma_wait3A_701, %dma_wait3A_702] : memref<10048x32xbf16, #tpu.memory_space<vmem_shared>> -> memref<10048x32xbf16, #tpu.memory_space<vmem_shared>>
      tpu.wait_indirect_dma semaphore(%arg20 : memref<!tpu.dma_semaphore, #tpu.memory_space<semaphore_mem>>) src(%arg12 : memref<125x32xbf16, #tpu.memory_space<vmem>>) dst(%dma_wait3A_703 : memref<10048x32xbf16, #tpu.memory_space<vmem_shared>>)
      %add3A_704 = arith.constant 14 : i32
      %add3A_705 = arith.addi %mul3A_83, %add3A_704 : i32
      %add3A_706 = arith.constant 1 : i32
      %add3A_707 = arith.addi %add3A_705, %add3A_706 : i32
      %dma_start3A_708 = arith.constant 0 : i32
      %dma_start3A_709 = tpu.memref_slice %arg8[%add3A_707, %dma_start3A_708] : memref<80x125xi32, #tpu.memory_space<vmem>> -> memref<1x125xi32, #tpu.memory_space<vmem>>
      %dma_start3A_710 = tpu.memref_squeeze %dma_start3A_709 : memref<1x125xi32, #tpu.memory_space<vmem>> -> memref<125xi32, #tpu.memory_space<vmem>>
      %dma_start3A_711 = arith.constant 0 : i32
      %dma_start3A_712 = arith.constant 0 : i32
      %dma_start3A_713 = tpu.memref_slice %arg14[%dma_start3A_711, %dma_start3A_712] : memref<10048x128xbf16, #tpu.memory_space<vmem_shared>> -> memref<10048x128xbf16, #tpu.memory_space<vmem_shared>>
      tpu.enqueue_indirect_dma source(%dma_start3A_713 : memref<10048x128xbf16, #tpu.memory_space<vmem_shared>>) target(%arg11 : memref<125x128xbf16, #tpu.memory_space<vmem>>) offsets(%dma_start3A_710 : memref<125xi32, #tpu.memory_space<vmem>>) semaphore(%arg18 : memref<!tpu.dma_semaphore, #tpu.memory_space<semaphore_mem>>)
      %dma_wait3A_714 = arith.constant 0 : i32
      %dma_wait3A_715 = tpu.memref_slice %arg8[%add3A_663, %dma_wait3A_714] : memref<80x125xi32, #tpu.memory_space<vmem>> -> memref<1x125xi32, #tpu.memory_space<vmem>>
      %dma_wait3A_716 = tpu.memref_squeeze %dma_wait3A_715 : memref<1x125xi32, #tpu.memory_space<vmem>> -> memref<125xi32, #tpu.memory_space<vmem>>
      %dma_wait3A_717 = arith.constant 0 : i32
      %dma_wait3A_718 = arith.constant 0 : i32
      %dma_wait3A_719 = tpu.memref_slice %arg14[%dma_wait3A_717, %dma_wait3A_718] : memref<10048x128xbf16, #tpu.memory_space<vmem_shared>> -> memref<10048x128xbf16, #tpu.memory_space<vmem_shared>>
      tpu.wait_indirect_dma semaphore(%arg17 : memref<!tpu.dma_semaphore, #tpu.memory_space<semaphore_mem>>) src(%dma_wait3A_719 : memref<10048x128xbf16, #tpu.memory_space<vmem_shared>>) dst(%arg10 : memref<125x128xbf16, #tpu.memory_space<vmem>>)
      %add3A_720 = arith.constant 14 : i32
      %add3A_721 = arith.addi %mul3A_83, %add3A_720 : i32
      %dma_start3A_722 = arith.constant 0 : i32
      %dma_start3A_723 = tpu.memref_slice %arg9[%add3A_721, %dma_start3A_722] : memref<80x125xi32, #tpu.memory_space<vmem>> -> memref<1x125xi32, #tpu.memory_space<vmem>>
      %dma_start3A_724 = tpu.memref_squeeze %dma_start3A_723 : memref<1x125xi32, #tpu.memory_space<vmem>> -> memref<125xi32, #tpu.memory_space<vmem>>
      %dma_start3A_725 = arith.constant 0 : i32
      %dma_start3A_726 = arith.constant 0 : i32
      %dma_start3A_727 = tpu.memref_slice %arg15[%dma_start3A_725, %dma_start3A_726] : memref<10048x128xbf16, #tpu.memory_space<vmem_shared>> -> memref<10048x128xbf16, #tpu.memory_space<vmem_shared>>
      tpu.enqueue_indirect_dma source(%arg10 : memref<125x128xbf16, #tpu.memory_space<vmem>>) target(%dma_start3A_727 : memref<10048x128xbf16, #tpu.memory_space<vmem_shared>>) offsets(%dma_start3A_724 : memref<125xi32, #tpu.memory_space<vmem>>) semaphore(%arg19 : memref<!tpu.dma_semaphore, #tpu.memory_space<semaphore_mem>>) {add = true}
      %add3A_728 = arith.constant 14 : i32
      %add3A_729 = arith.addi %mul3A_83, %add3A_728 : i32
      %dma_start3A_730 = arith.constant 0 : i32
      %dma_start3A_731 = tpu.memref_slice %arg9[%add3A_729, %dma_start3A_730] : memref<80x125xi32, #tpu.memory_space<vmem>> -> memref<1x125xi32, #tpu.memory_space<vmem>>
      %dma_start3A_732 = tpu.memref_squeeze %dma_start3A_731 : memref<1x125xi32, #tpu.memory_space<vmem>> -> memref<125xi32, #tpu.memory_space<vmem>>
      %dma_start3A_733 = arith.constant 0 : i32
      %dma_start3A_734 = arith.constant 0 : i32
      %dma_start3A_735 = tpu.memref_slice %arg16[%dma_start3A_733, %dma_start3A_734] : memref<10048x32xbf16, #tpu.memory_space<vmem_shared>> -> memref<10048x32xbf16, #tpu.memory_space<vmem_shared>>
      tpu.enqueue_indirect_dma source(%arg12 : memref<125x32xbf16, #tpu.memory_space<vmem>>) target(%dma_start3A_735 : memref<10048x32xbf16, #tpu.memory_space<vmem_shared>>) offsets(%dma_start3A_732 : memref<125xi32, #tpu.memory_space<vmem>>) semaphore(%arg19 : memref<!tpu.dma_semaphore, #tpu.memory_space<semaphore_mem>>) {add = true}
      %dma_wait3A_736 = arith.constant 0 : i32
      %dma_wait3A_737 = tpu.memref_slice %arg8[%add3A_707, %dma_wait3A_736] : memref<80x125xi32, #tpu.memory_space<vmem>> -> memref<1x125xi32, #tpu.memory_space<vmem>>
      %dma_wait3A_738 = tpu.memref_squeeze %dma_wait3A_737 : memref<1x125xi32, #tpu.memory_space<vmem>> -> memref<125xi32, #tpu.memory_space<vmem>>
      %dma_wait3A_739 = arith.constant 0 : i32
      %dma_wait3A_740 = arith.constant 0 : i32
      %dma_wait3A_741 = tpu.memref_slice %arg14[%dma_wait3A_739, %dma_wait3A_740] : memref<10048x128xbf16, #tpu.memory_space<vmem_shared>> -> memref<10048x128xbf16, #tpu.memory_space<vmem_shared>>
      tpu.wait_indirect_dma semaphore(%arg18 : memref<!tpu.dma_semaphore, #tpu.memory_space<semaphore_mem>>) src(%dma_wait3A_741 : memref<10048x128xbf16, #tpu.memory_space<vmem_shared>>) dst(%arg11 : memref<125x128xbf16, #tpu.memory_space<vmem>>)
      %add3A_742 = arith.constant 15 : i32
      %add3A_743 = arith.addi %mul3A_83, %add3A_742 : i32
      %dma_start3A_744 = arith.constant 0 : i32
      %dma_start3A_745 = tpu.memref_slice %arg9[%add3A_743, %dma_start3A_744] : memref<80x125xi32, #tpu.memory_space<vmem>> -> memref<1x125xi32, #tpu.memory_space<vmem>>
      %dma_start3A_746 = tpu.memref_squeeze %dma_start3A_745 : memref<1x125xi32, #tpu.memory_space<vmem>> -> memref<125xi32, #tpu.memory_space<vmem>>
      %dma_start3A_747 = arith.constant 0 : i32
      %dma_start3A_748 = arith.constant 0 : i32
      %dma_start3A_749 = tpu.memref_slice %arg15[%dma_start3A_747, %dma_start3A_748] : memref<10048x128xbf16, #tpu.memory_space<vmem_shared>> -> memref<10048x128xbf16, #tpu.memory_space<vmem_shared>>
      tpu.enqueue_indirect_dma source(%arg11 : memref<125x128xbf16, #tpu.memory_space<vmem>>) target(%dma_start3A_749 : memref<10048x128xbf16, #tpu.memory_space<vmem_shared>>) offsets(%dma_start3A_746 : memref<125xi32, #tpu.memory_space<vmem>>) semaphore(%arg20 : memref<!tpu.dma_semaphore, #tpu.memory_space<semaphore_mem>>) {add = true}
      %add3A_750 = arith.constant 15 : i32
      %add3A_751 = arith.addi %mul3A_83, %add3A_750 : i32
      %dma_start3A_752 = arith.constant 0 : i32
      %dma_start3A_753 = tpu.memref_slice %arg9[%add3A_751, %dma_start3A_752] : memref<80x125xi32, #tpu.memory_space<vmem>> -> memref<1x125xi32, #tpu.memory_space<vmem>>
      %dma_start3A_754 = tpu.memref_squeeze %dma_start3A_753 : memref<1x125xi32, #tpu.memory_space<vmem>> -> memref<125xi32, #tpu.memory_space<vmem>>
      %dma_start3A_755 = arith.constant 0 : i32
      %dma_start3A_756 = arith.constant 0 : i32
      %dma_start3A_757 = tpu.memref_slice %arg16[%dma_start3A_755, %dma_start3A_756] : memref<10048x32xbf16, #tpu.memory_space<vmem_shared>> -> memref<10048x32xbf16, #tpu.memory_space<vmem_shared>>
      tpu.enqueue_indirect_dma source(%arg12 : memref<125x32xbf16, #tpu.memory_space<vmem>>) target(%dma_start3A_757 : memref<10048x32xbf16, #tpu.memory_space<vmem_shared>>) offsets(%dma_start3A_754 : memref<125xi32, #tpu.memory_space<vmem>>) semaphore(%arg20 : memref<!tpu.dma_semaphore, #tpu.memory_space<semaphore_mem>>) {add = true}
      %dma_wait3A_758 = arith.constant 0 : i32
      %dma_wait3A_759 = tpu.memref_slice %arg9[%add3A_721, %dma_wait3A_758] : memref<80x125xi32, #tpu.memory_space<vmem>> -> memref<1x125xi32, #tpu.memory_space<vmem>>
      %dma_wait3A_760 = tpu.memref_squeeze %dma_wait3A_759 : memref<1x125xi32, #tpu.memory_space<vmem>> -> memref<125xi32, #tpu.memory_space<vmem>>
      %dma_wait3A_761 = arith.constant 0 : i32
      %dma_wait3A_762 = arith.constant 0 : i32
      %dma_wait3A_763 = tpu.memref_slice %arg15[%dma_wait3A_761, %dma_wait3A_762] : memref<10048x128xbf16, #tpu.memory_space<vmem_shared>> -> memref<10048x128xbf16, #tpu.memory_space<vmem_shared>>
      tpu.wait_indirect_dma semaphore(%arg19 : memref<!tpu.dma_semaphore, #tpu.memory_space<semaphore_mem>>) src(%arg10 : memref<125x128xbf16, #tpu.memory_space<vmem>>) dst(%dma_wait3A_763 : memref<10048x128xbf16, #tpu.memory_space<vmem_shared>>)
      %dma_wait3A_764 = arith.constant 0 : i32
      %dma_wait3A_765 = tpu.memref_slice %arg9[%add3A_729, %dma_wait3A_764] : memref<80x125xi32, #tpu.memory_space<vmem>> -> memref<1x125xi32, #tpu.memory_space<vmem>>
      %dma_wait3A_766 = tpu.memref_squeeze %dma_wait3A_765 : memref<1x125xi32, #tpu.memory_space<vmem>> -> memref<125xi32, #tpu.memory_space<vmem>>
      %dma_wait3A_767 = arith.constant 0 : i32
      %dma_wait3A_768 = arith.constant 0 : i32
      %dma_wait3A_769 = tpu.memref_slice %arg16[%dma_wait3A_767, %dma_wait3A_768] : memref<10048x32xbf16, #tpu.memory_space<vmem_shared>> -> memref<10048x32xbf16, #tpu.memory_space<vmem_shared>>
      tpu.wait_indirect_dma semaphore(%arg19 : memref<!tpu.dma_semaphore, #tpu.memory_space<semaphore_mem>>) src(%arg12 : memref<125x32xbf16, #tpu.memory_space<vmem>>) dst(%dma_wait3A_769 : memref<10048x32xbf16, #tpu.memory_space<vmem_shared>>)
      %dma_wait3A_770 = arith.constant 0 : i32
      %dma_wait3A_771 = tpu.memref_slice %arg9[%add3A_743, %dma_wait3A_770] : memref<80x125xi32, #tpu.memory_space<vmem>> -> memref<1x125xi32, #tpu.memory_space<vmem>>
      %dma_wait3A_772 = tpu.memref_squeeze %dma_wait3A_771 : memref<1x125xi32, #tpu.memory_space<vmem>> -> memref<125xi32, #tpu.memory_space<vmem>>
      %dma_wait3A_773 = arith.constant 0 : i32
      %dma_wait3A_774 = arith.constant 0 : i32
      %dma_wait3A_775 = tpu.memref_slice %arg15[%dma_wait3A_773, %dma_wait3A_774] : memref<10048x128xbf16, #tpu.memory_space<vmem_shared>> -> memref<10048x128xbf16, #tpu.memory_space<vmem_shared>>
      tpu.wait_indirect_dma semaphore(%arg20 : memref<!tpu.dma_semaphore, #tpu.memory_space<semaphore_mem>>) src(%arg11 : memref<125x128xbf16, #tpu.memory_space<vmem>>) dst(%dma_wait3A_775 : memref<10048x128xbf16, #tpu.memory_space<vmem_shared>>)
      %dma_wait3A_776 = arith.constant 0 : i32
      %dma_wait3A_777 = tpu.memref_slice %arg9[%add3A_751, %dma_wait3A_776] : memref<80x125xi32, #tpu.memory_space<vmem>> -> memref<1x125xi32, #tpu.memory_space<vmem>>
      %dma_wait3A_778 = tpu.memref_squeeze %dma_wait3A_777 : memref<1x125xi32, #tpu.memory_space<vmem>> -> memref<125xi32, #tpu.memory_space<vmem>>
      %dma_wait3A_779 = arith.constant 0 : i32
      %dma_wait3A_780 = arith.constant 0 : i32
      %dma_wait3A_781 = tpu.memref_slice %arg16[%dma_wait3A_779, %dma_wait3A_780] : memref<10048x32xbf16, #tpu.memory_space<vmem_shared>> -> memref<10048x32xbf16, #tpu.memory_space<vmem_shared>>
      tpu.wait_indirect_dma semaphore(%arg20 : memref<!tpu.dma_semaphore, #tpu.memory_space<semaphore_mem>>) src(%arg12 : memref<125x32xbf16, #tpu.memory_space<vmem>>) dst(%dma_wait3A_781 : memref<10048x32xbf16, #tpu.memory_space<vmem_shared>>)
      %scan3A_782 = arith.constant 0 : i32
      scf.yield %scan3A_782 : i32
    }
    %scan3A_69 = arith.constant 5 : i32
    %barrier3A_70 = arith.constant 0 : index
    tpu.barrier barrier_id(%barrier3A_70)
    %eq3A = arith.constant 0 : i32
    %eq3A_71 = arith.cmpi eq, %arg0, %eq3A : i32
    %convert_element_type3A_72 = arith.extui %eq3A_71 : i1 to i32
    %cond3A_73 = arith.constant 0 : i32
    %cond3A_74 = arith.cmpi ne, %convert_element_type3A_72, %cond3A_73 : i32
    scf.if %cond3A_74 {
      "tpu.region"() ({
        %run_scoped3A_80 = tpu.sem_alloc : memref<!tpu.dma_semaphore, #tpu.memory_space<semaphore_mem>>
        %dma_start3A = arith.constant 0 : i32
        %dma_start3A_81 = tpu.memref_slice %arg4[%mul3A_25, %dma_start3A] : memref<10048x128xbf16, #tpu.memory_space<hbm>> -> memref<628x128xbf16, #tpu.memory_space<hbm>>
        %dma_start3A_82 = arith.constant 0 : i32
        %dma_start3A_83 = tpu.memref_slice %arg15[%mul3A_25, %dma_start3A_82] : memref<10048x128xbf16, #tpu.memory_space<vmem_shared>> -> memref<628x128xbf16, #tpu.memory_space<vmem_shared>>
        tpu.enqueue_dma source(%dma_start3A_83 : memref<628x128xbf16, #tpu.memory_space<vmem_shared>>) target(%dma_start3A_81 : memref<628x128xbf16, #tpu.memory_space<hbm>>) target_semaphore(%run_scoped3A_80 : memref<!tpu.dma_semaphore, #tpu.memory_space<semaphore_mem>>)
        %dma_wait3A = arith.constant 0 : i32
        %dma_wait3A_84 = tpu.memref_slice %arg4[%mul3A_25, %dma_wait3A] : memref<10048x128xbf16, #tpu.memory_space<hbm>> -> memref<628x128xbf16, #tpu.memory_space<hbm>>
        %dma_wait3A_85 = arith.constant 0 : i32
        %dma_wait3A_86 = tpu.memref_slice %arg15[%mul3A_25, %dma_wait3A_85] : memref<10048x128xbf16, #tpu.memory_space<vmem_shared>> -> memref<628x128xbf16, #tpu.memory_space<vmem_shared>>
        tpu.wait_dma2 semaphore(%run_scoped3A_80 : memref<!tpu.dma_semaphore, #tpu.memory_space<semaphore_mem>>) src(%dma_wait3A_86 : memref<628x128xbf16, #tpu.memory_space<vmem_shared>>) dst(%dma_wait3A_84 : memref<628x128xbf16, #tpu.memory_space<hbm>>)
        tpu.yield
      }) : () -> ()
      "tpu.region"() ({
        %run_scoped3A_80 = tpu.sem_alloc : memref<!tpu.dma_semaphore, #tpu.memory_space<semaphore_mem>>
        %dma_start3A = arith.constant 0 : i32
        %dma_start3A_81 = tpu.memref_slice %arg6[%mul3A_25, %dma_start3A] : memref<10048x32xbf16, #tpu.memory_space<hbm>> -> memref<628x32xbf16, #tpu.memory_space<hbm>>
        %dma_start3A_82 = arith.constant 0 : i32
        %dma_start3A_83 = tpu.memref_slice %arg16[%mul3A_25, %dma_start3A_82] : memref<10048x32xbf16, #tpu.memory_space<vmem_shared>> -> memref<628x32xbf16, #tpu.memory_space<vmem_shared>>
        tpu.enqueue_dma source(%dma_start3A_83 : memref<628x32xbf16, #tpu.memory_space<vmem_shared>>) target(%dma_start3A_81 : memref<628x32xbf16, #tpu.memory_space<hbm>>) target_semaphore(%run_scoped3A_80 : memref<!tpu.dma_semaphore, #tpu.memory_space<semaphore_mem>>)
        %dma_wait3A = arith.constant 0 : i32
        %dma_wait3A_84 = tpu.memref_slice %arg6[%mul3A_25, %dma_wait3A] : memref<10048x32xbf16, #tpu.memory_space<hbm>> -> memref<628x32xbf16, #tpu.memory_space<hbm>>
        %dma_wait3A_85 = arith.constant 0 : i32
        %dma_wait3A_86 = tpu.memref_slice %arg16[%mul3A_25, %dma_wait3A_85] : memref<10048x32xbf16, #tpu.memory_space<vmem_shared>> -> memref<628x32xbf16, #tpu.memory_space<vmem_shared>>
        tpu.wait_dma2 semaphore(%run_scoped3A_80 : memref<!tpu.dma_semaphore, #tpu.memory_space<semaphore_mem>>) src(%dma_wait3A_86 : memref<628x32xbf16, #tpu.memory_space<vmem_shared>>) dst(%dma_wait3A_84 : memref<628x32xbf16, #tpu.memory_space<hbm>>)
        tpu.yield
      }) : () -> ()
    } else {
    }
    %eq3A_75 = arith.constant 1 : i32
    %eq3A_76 = arith.cmpi eq, %arg0, %eq3A_75 : i32
    %convert_element_type3A_77 = arith.extui %eq3A_76 : i1 to i32
    %cond3A_78 = arith.constant 0 : i32
    %cond3A_79 = arith.cmpi ne, %convert_element_type3A_77, %cond3A_78 : i32
    scf.if %cond3A_79 {
      "tpu.region"() ({
        %run_scoped3A_80 = tpu.sem_alloc : memref<!tpu.dma_semaphore, #tpu.memory_space<semaphore_mem>>
        %dma_start3A = arith.constant 0 : i32
        %dma_start3A_81 = tpu.memref_slice %arg5[%mul3A_25, %dma_start3A] : memref<10048x128xbf16, #tpu.memory_space<hbm>> -> memref<628x128xbf16, #tpu.memory_space<hbm>>
        %dma_start3A_82 = arith.constant 0 : i32
        %dma_start3A_83 = tpu.memref_slice %arg15[%mul3A_25, %dma_start3A_82] : memref<10048x128xbf16, #tpu.memory_space<vmem_shared>> -> memref<628x128xbf16, #tpu.memory_space<vmem_shared>>
        tpu.enqueue_dma source(%dma_start3A_83 : memref<628x128xbf16, #tpu.memory_space<vmem_shared>>) target(%dma_start3A_81 : memref<628x128xbf16, #tpu.memory_space<hbm>>) target_semaphore(%run_scoped3A_80 : memref<!tpu.dma_semaphore, #tpu.memory_space<semaphore_mem>>)
        %dma_wait3A = arith.constant 0 : i32
        %dma_wait3A_84 = tpu.memref_slice %arg5[%mul3A_25, %dma_wait3A] : memref<10048x128xbf16, #tpu.memory_space<hbm>> -> memref<628x128xbf16, #tpu.memory_space<hbm>>
        %dma_wait3A_85 = arith.constant 0 : i32
        %dma_wait3A_86 = tpu.memref_slice %arg15[%mul3A_25, %dma_wait3A_85] : memref<10048x128xbf16, #tpu.memory_space<vmem_shared>> -> memref<628x128xbf16, #tpu.memory_space<vmem_shared>>
        tpu.wait_dma2 semaphore(%run_scoped3A_80 : memref<!tpu.dma_semaphore, #tpu.memory_space<semaphore_mem>>) src(%dma_wait3A_86 : memref<628x128xbf16, #tpu.memory_space<vmem_shared>>) dst(%dma_wait3A_84 : memref<628x128xbf16, #tpu.memory_space<hbm>>)
        tpu.yield
      }) : () -> ()
      "tpu.region"() ({
        %run_scoped3A_80 = tpu.sem_alloc : memref<!tpu.dma_semaphore, #tpu.memory_space<semaphore_mem>>
        %dma_start3A = arith.constant 0 : i32
        %dma_start3A_81 = tpu.memref_slice %arg7[%mul3A_25, %dma_start3A] : memref<10048x32xbf16, #tpu.memory_space<hbm>> -> memref<628x32xbf16, #tpu.memory_space<hbm>>
        %dma_start3A_82 = arith.constant 0 : i32
        %dma_start3A_83 = tpu.memref_slice %arg16[%mul3A_25, %dma_start3A_82] : memref<10048x32xbf16, #tpu.memory_space<vmem_shared>> -> memref<628x32xbf16, #tpu.memory_space<vmem_shared>>
        tpu.enqueue_dma source(%dma_start3A_83 : memref<628x32xbf16, #tpu.memory_space<vmem_shared>>) target(%dma_start3A_81 : memref<628x32xbf16, #tpu.memory_space<hbm>>) target_semaphore(%run_scoped3A_80 : memref<!tpu.dma_semaphore, #tpu.memory_space<semaphore_mem>>)
        %dma_wait3A = arith.constant 0 : i32
        %dma_wait3A_84 = tpu.memref_slice %arg7[%mul3A_25, %dma_wait3A] : memref<10048x32xbf16, #tpu.memory_space<hbm>> -> memref<628x32xbf16, #tpu.memory_space<hbm>>
        %dma_wait3A_85 = arith.constant 0 : i32
        %dma_wait3A_86 = tpu.memref_slice %arg16[%mul3A_25, %dma_wait3A_85] : memref<10048x32xbf16, #tpu.memory_space<vmem_shared>> -> memref<628x32xbf16, #tpu.memory_space<vmem_shared>>
        tpu.wait_dma2 semaphore(%run_scoped3A_80 : memref<!tpu.dma_semaphore, #tpu.memory_space<semaphore_mem>>) src(%dma_wait3A_86 : memref<628x32xbf16, #tpu.memory_space<vmem_shared>>) dst(%dma_wait3A_84 : memref<628x32xbf16, #tpu.memory_space<hbm>>)
        tpu.yield
      }) : () -> ()
    } else {
    }
    return
  }
}

module attributes {stable_mosaic.version = 14 : i64} {
  func.func @_tc_body(%arg0: i32, %arg1: memref<2000x128xf32, #tpu.memory_space<vmem>>, %arg2: memref<2000x128xbf16, #tpu.memory_space<vmem>>, %arg3: memref<2000x128xbf16, #tpu.memory_space<vmem>>, %arg4: memref<2000x32xbf16, #tpu.memory_space<vmem>>, %arg5: memref<2000x32xbf16, #tpu.memory_space<vmem>>, %arg6: memref<128x128xf32, #tpu.memory_space<vmem>>, %arg7: memref<128x128xf32, #tpu.memory_space<vmem>>, %arg8: memref<1x128xf32, #tpu.memory_space<vmem>>, %arg9: memref<2000x128xf32, #tpu.memory_space<vmem>>) attributes {dimension_semantics = [#tpu.dimension_semantics<arbitrary>], iteration_bounds = array<i64: 5>, scalar_prefetch = 0 : i64, scratch_operands = 0 : i64, tpu.core_type = #tpu.core_type<tc>, window_params = [{transform_indices = @transform_0, window_bounds = array<i64: 2000, 128>}, {transform_indices = @transform_1, window_bounds = array<i64: 2000, 128>}, {transform_indices = @transform_2, window_bounds = array<i64: 2000, 128>}, {transform_indices = @transform_3, window_bounds = array<i64: 2000, 32>}, {transform_indices = @transform_4, window_bounds = array<i64: 2000, 32>}, {pipeline_mode = #tpu.pipeline_mode<synchronous>, transform_indices = @transform_5, window_bounds = array<i64: 128, 128>}, {pipeline_mode = #tpu.pipeline_mode<synchronous>, transform_indices = @transform_6, window_bounds = array<i64: 128, 128>}, {pipeline_mode = #tpu.pipeline_mode<synchronous>, transform_indices = @transform_7, window_bounds = array<i64: 1, 128>}, {transform_indices = @transform_8, window_bounds = array<i64: 2000, 128>}]} {
    %get3A = arith.constant 0 : index
    %get3A_0 = arith.constant 0 : index
    %get3A_1 = vector.load %arg2[%get3A, %get3A_0] : memref<2000x128xbf16, #tpu.memory_space<vmem>>, vector<2000x128xbf16>
    %convert_element_type3A = arith.extf %get3A_1 : vector<2000x128xbf16> to vector<2000x128xf32>
    %get3A_2 = arith.constant 0 : index
    %get3A_3 = arith.constant 0 : index
    %get3A_4 = vector.load %arg3[%get3A_2, %get3A_3] : memref<2000x128xbf16, #tpu.memory_space<vmem>>, vector<2000x128xbf16>
    %convert_element_type3A_5 = arith.extf %get3A_4 : vector<2000x128xbf16> to vector<2000x128xf32>
    %add3A = arith.addf %convert_element_type3A, %convert_element_type3A_5 : vector<2000x128xf32>
    %get3A_6 = arith.constant 0 : index
    %get3A_7 = arith.constant 0 : index
    %get3A_8 = vector.load %arg4[%get3A_6, %get3A_7] : memref<2000x32xbf16, #tpu.memory_space<vmem>>, vector<2000x1xbf16>
    %convert_element_type3A_9 = arith.extf %get3A_8 : vector<2000x1xbf16> to vector<2000x1xf32>
    %get3A_10 = arith.constant 0 : index
    %get3A_11 = arith.constant 0 : index
    %get3A_12 = vector.load %arg5[%get3A_10, %get3A_11] : memref<2000x32xbf16, #tpu.memory_space<vmem>>, vector<2000x1xbf16>
    %convert_element_type3A_13 = arith.extf %get3A_12 : vector<2000x1xbf16> to vector<2000x1xf32>
    %add3A_14 = arith.addf %convert_element_type3A_9, %convert_element_type3A_13 : vector<2000x1xf32>
    %max3A = arith.constant 1.000000e+00 : f32
    %max3A_15 = vector.broadcast %max3A : f32 to vector<2000x1xf32>
    %max3A_16 = arith.maximumf %add3A_14, %max3A_15 : vector<2000x1xf32>
    %div3A = vector.broadcast %max3A_16 : vector<2000x1xf32> to vector<2000x128xf32>
    %div3A_17 = arith.divf %add3A, %div3A : vector<2000x128xf32>
    %get3A_18 = arith.constant 0 : index
    %get3A_19 = arith.constant 0 : index
    %get3A_20 = vector.load %arg6[%get3A_18, %get3A_19] : memref<128x128xf32, #tpu.memory_space<vmem>>, vector<128x128xf32>
    %dot_general3A = arith.constant dense<0.000000e+00> : vector<2000x128xf32>
    %dot_general3A_21 = tpu.matmul %div3A_17, %get3A_20, %dot_general3A {dimension_numbers = #tpu.dot_dimension_numbers<[1], [0], [0], [1], [0, 0, 1, 1], [], []>, transpose_lhs_hint = false} : vector<2000x128xf32>, vector<128x128xf32>, vector<2000x128xf32> -> vector<2000x128xf32>
    %get3A_22 = arith.constant 0 : index
    %get3A_23 = arith.constant 0 : index
    %get3A_24 = vector.load %arg1[%get3A_22, %get3A_23] : memref<2000x128xf32, #tpu.memory_space<vmem>>, vector<2000x128xf32>
    %get3A_25 = arith.constant 0 : index
    %get3A_26 = arith.constant 0 : index
    %get3A_27 = vector.load %arg7[%get3A_25, %get3A_26] : memref<128x128xf32, #tpu.memory_space<vmem>>, vector<128x128xf32>
    %dot_general3A_28 = arith.constant dense<0.000000e+00> : vector<2000x128xf32>
    %dot_general3A_29 = tpu.matmul %get3A_24, %get3A_27, %dot_general3A_28 {dimension_numbers = #tpu.dot_dimension_numbers<[1], [0], [0], [1], [0, 0, 1, 1], [], []>, transpose_lhs_hint = false} : vector<2000x128xf32>, vector<128x128xf32>, vector<2000x128xf32> -> vector<2000x128xf32>
    %add3A_30 = arith.addf %dot_general3A_21, %dot_general3A_29 : vector<2000x128xf32>
    %get3A_31 = arith.constant 0 : index
    %get3A_32 = arith.constant 0 : index
    %get3A_33 = vector.load %arg8[%get3A_31, %get3A_32] : memref<1x128xf32, #tpu.memory_space<vmem>>, vector<1x128xf32>
    %add3A_34 = vector.broadcast %get3A_33 : vector<1x128xf32> to vector<2000x128xf32>
    %add3A_35 = arith.addf %add3A_30, %add3A_34 : vector<2000x128xf32>
    %swap3A = arith.constant 0 : index
    %swap3A_36 = arith.constant 0 : index
    %swap3A_37 = vector.load %arg9[%swap3A, %swap3A_36] : memref<2000x128xf32, #tpu.memory_space<vmem>>, vector<2000x128xf32>
    tpu.vector_store %arg9[%swap3A, %swap3A_36], %add3A_35 {strides = array<i32>} : memref<2000x128xf32, #tpu.memory_space<vmem>>, vector<2000x128xf32>,
    return
  }
  func.func @transform_0(%arg0: i32) -> (i32, i32) {
    %c0_i32 = arith.constant 0 : i32
    %c0_i32_0 = arith.constant 0 : i32
    return %arg0, %c0_i32 : i32, i32
  }
  func.func @transform_1(%arg0: i32) -> (i32, i32) {
    %c0_i32 = arith.constant 0 : i32
    %c0_i32_0 = arith.constant 0 : i32
    return %arg0, %c0_i32 : i32, i32
  }
  func.func @transform_2(%arg0: i32) -> (i32, i32) {
    %c0_i32 = arith.constant 0 : i32
    %c0_i32_0 = arith.constant 0 : i32
    return %arg0, %c0_i32 : i32, i32
  }
  func.func @transform_3(%arg0: i32) -> (i32, i32) {
    %c0_i32 = arith.constant 0 : i32
    %c0_i32_0 = arith.constant 0 : i32
    return %arg0, %c0_i32 : i32, i32
  }
  func.func @transform_4(%arg0: i32) -> (i32, i32) {
    %c0_i32 = arith.constant 0 : i32
    %c0_i32_0 = arith.constant 0 : i32
    return %arg0, %c0_i32 : i32, i32
  }
  func.func @transform_5(%arg0: i32) -> (i32, i32) {
    %c0_i32 = arith.constant 0 : i32
    %c0_i32_0 = arith.constant 0 : i32
    %c0_i32_1 = arith.constant 0 : i32
    return %c0_i32, %c0_i32_0 : i32, i32
  }
  func.func @transform_6(%arg0: i32) -> (i32, i32) {
    %c0_i32 = arith.constant 0 : i32
    %c0_i32_0 = arith.constant 0 : i32
    %c0_i32_1 = arith.constant 0 : i32
    return %c0_i32, %c0_i32_0 : i32, i32
  }
  func.func @transform_7(%arg0: i32) -> (i32, i32) {
    %c0_i32 = arith.constant 0 : i32
    %c0_i32_0 = arith.constant 0 : i32
    %c0_i32_1 = arith.constant 0 : i32
    return %c0_i32, %c0_i32_0 : i32, i32
  }
  func.func @transform_8(%arg0: i32) -> (i32, i32) {
    %c0_i32 = arith.constant 0 : i32
    %c0_i32_0 = arith.constant 0 : i32
    return %arg0, %c0_i32 : i32, i32
  }
}

</mosaic_0001>

<sc_bundles>
// kernel: kernel.4.cloned.1.call-start
scs
__scs_entry_jumppad:
0x0: {  	(pc) =	sbr.rel $0x88, $3  }
0x1: {  	(tag) =	ssettag $0x0;
	lr =	simm.s32 $0x1  }
0x2: {  	[smem:$0x3F9C] =	sst lr;
	_ =	strace $0xD0000000  }
0x3: {  	_ = 	snop  }
0x4: {  	_ = 	snop  }
0x5: {  	_ = 	snop  }
0x6: {  	_ = 	snop  }
0x7: {  	_ = 	snop  }
__scs_overlays_trampoline_lowered:
0x8: {  	[smem:$0x3FAB] =	sst s0  }
0x9: {  	[smem:$0x3FAC] =	sst s1  }
0xa: {  	[smem:$0x3FAD] =	sst s2  }
0xb: {  	[smem:$0x3FAE] =	sst s3  }
0xc: {  	[smem:$0x3FAF] =	sst s4  }
0xd: {  	[smem:$0x3FB0] =	sst s5  }
0xe: {  	[smem:$0x3FB1] =	sst s6  }
0xf: {  	[smem:$0x3FB2] =	sst s7  }
0x10: {  	[smem:$0x3FB3] =	sst s8  }
0x11: {  	[smem:$0x3FB4] =	sst s9;
	s0 =	simm.s32 @!p0 $0x0  }
0x12: {  	s1 =	sld [smem:$0x3F9A];
	s0 =	simm.s32 @p0 $0x1  }
0x13: {  	[smem:$0x3FB5] =	sst s0;
	s0 =	simm.s32 @!p1 $0x0  }
0x14: {  	s2 =	sld [smem:$0x3F99];
	s0 =	simm.s32 @p1 $0x1  }
0x15: {  	[smem:$0x3FB6] =	sst s0;
	s0 =	simm.s32 @!p2 $0x0  }
0x16: {  	s3 =	sld [smem:$0x3FDB];
	s0 =	simm.s32 @p2 $0x1  }
0x17: {  	s4 =	simm.s32 $0x1BF5;
	[smem:$0x3FB8] =	sst s0  }
0x18: {  	s0 =	sld [smem:$0x3F9B];
	_ =	swait.ge [sflag:s4], $0x0  }
0x19: {  	s7 =	sld [smem:$0x3F9C]  }
0x1a: {  	s8 =	sadd.s32 $0xFFFFE003, lr  }
0x1b: {  	s9 =	sadd.s32 $0xFFFFFEF7, lr;
	s5 =	simm.s32 $0xFFFFFFFF;
	p2 =	slt.u32 s8, $0xFFFFF086  }
0x1c: {  	p1 =	slt.u32 s9, $0xF7A;
	s5 =	simm.s32 @!p2 $0x0  }
0x1d: {  	s5 =	simm.s32 @p1 $0x1;
	p0 =	seq.s32 s7, s2  }
0x1e: {  	s7 =	smul.u32 @!p0 $0xF7A, s2;
	p2 =	seq.s32 @!p0 s5, $0x0  }
0x1f: {  	s9 =	smul.u32 $0xF7A, s1;
	s8 =	simm.s32 @!p0 $0x1BF5;
	p2 =	por !p2, p0  }
0x20: {  	[sflag:s8] =	ssyncset.s32 @!p0 $0xFFFFF086;
	s6 =	sadd.s32 @!p0 s3, s7;
	s7 =	simm.s32 @!p0 $0x108  }
0x21: {  	s3 =	sadd.s32 s3, s9;
	s6 =	sadd.s32 @!p0 $0x88, s6;
	s7 =	simm.s32 @p2 $0x1082  }
0x22: {  	[simem:s7], [sflag:s8] =	dma.local @!p0 [hbm:s6], $0xF7A  }
0x23: {  	s9 =	sor.u32 $0xD0000000, s2;
	s6 =	simm.s32 $0x108;
	_ =	swait.ge @!p0 [sflag:s8], $0x0  }
0x24: {  	s3 =	sadd.s32 $0x88, s3;
	s6 =	simm.s32 @!p1 $0x1082;
	[sflag:s4] =	ssyncset.s32 $0xFFFFF086  }
0x25: {  	[simem:s6], [sflag:s4] =	dma.local [hbm:s3], $0xF7A  }
0x26: {  	[smem:$0x3F9C] =	sst s1;
	(tag) =	ssettag s2;
	_ =	strace s9  }
0x27: {  	s1 =	sld [smem:$0x3FAC]  }
0x28: {  	s2 =	sld [smem:$0x3FAD]  }
0x29: {  	s4 =	sld [smem:$0x3FAF]  }
0x2a: {  	p0 =	seq.s32 s5, $0x0;
	s5 =	sld [smem:$0x3FB0]  }
0x2b: {  	s6 =	sld [smem:$0x3FB1]  }
0x2c: {  	s7 =	sld [smem:$0x3FB2]  }
0x2d: {  	s3 =	simm.s32 $0x108;
	s8 =	sld [smem:$0x3FB3]  }
0x2e: {  	s3 =	simm.s32 @!p0 $0x1082;
	s9 =	sld [smem:$0x3FB4]  }
0x2f: {  	lr =	sadd.s32 s0, s3;
	s0 =	sld [smem:$0x3FAB]  }
0x30: {  	s3 =	sld [smem:$0x3FAE]  }
0x31: {  	[smem:$0x3FB7] =	sst s10  }
0x32: {  	s10 =	sld [smem:$0x3FB5];
	_ =	sdelay $0x3  }
0x33: {  	p0 =	seq.s32 s10, $0x1;
	s10 =	sld [smem:$0x3FB7];
	_ =	sdelay $0x3  }
0x34: {  	[smem:$0x3FB7] =	sst s10  }
0x35: {  	s10 =	sld [smem:$0x3FB6];
	_ =	sdelay $0x3  }
0x36: {  	p1 =	seq.s32 s10, $0x1;
	s10 =	sld [smem:$0x3FB7];
	_ =	sdelay $0x3  }
0x37: {  	[smem:$0x3FB7] =	sst s10  }
0x38: {  	s10 =	sld [smem:$0x3FB8]  }
0x39: {  	_ = 	snop;
	(pc) =	sbr.ind lr, $3  }
0x3a: {  	_ = 	snop  }
0x3b: {  	_ = 	snop  }
0x3c: {  	p2 =	seq.s32 s10, $0x1;
	s10 =	sld [smem:$0x3FB7]  }
0x3d: {  	_ =	shalt  }
0x3e: {  	_ =	shalt  }
0x3f: {  	_ =	shalt  }
0x40: {  	_ =	shalt  }
0x41: {  	_ =	shalt  }
0x42: {  	_ =	shalt  }
0x43: {  	_ =	shalt  }
0x44: {  	_ =	shalt  }
0x45: {  	_ =	shalt  }
0x46: {  	_ =	shalt  }
0x47: {  	_ =	shalt  }
0x48: {  	_ =	shalt  }
0x49: {  	_ =	shalt  }
0x4a: {  	_ =	shalt  }
0x4b: {  	_ =	shalt  }
0x4c: {  	_ =	shalt  }
0x4d: {  	_ =	shalt  }
0x4e: {  	_ =	shalt  }
0x4f: {  	_ =	shalt  }
0x50: {  	_ =	shalt  }
0x51: {  	_ =	shalt  }
0x52: {  	_ =	shalt  }
0x53: {  	_ =	shalt  }
0x54: {  	_ =	shalt  }
0x55: {  	_ =	shalt  }
0x56: {  	_ =	shalt  }
0x57: {  	_ =	shalt  }
0x58: {  	_ =	shalt  }
0x59: {  	_ =	shalt  }
0x5a: {  	_ =	shalt  }
0x5b: {  	_ =	shalt  }
0x5c: {  	_ =	shalt  }
0x5d: {  	_ =	shalt  }
0x5e: {  	_ =	shalt  }
0x5f: {  	_ =	shalt  }
0x60: {  	_ =	shalt  }
0x61: {  	_ =	shalt  }
0x62: {  	_ =	shalt  }
0x63: {  	_ =	shalt  }
0x64: {  	_ =	shalt  }
0x65: {  	_ =	shalt  }
0x66: {  	_ =	shalt  }
0x67: {  	_ =	shalt  }
0x68: {  	_ =	shalt  }
0x69: {  	_ =	shalt  }
0x6a: {  	_ =	shalt  }
0x6b: {  	_ =	shalt  }
0x6c: {  	_ =	shalt  }
0x6d: {  	_ =	shalt  }
0x6e: {  	_ =	shalt  }
0x6f: {  	_ =	shalt  }
0x70: {  	_ =	shalt  }
0x71: {  	_ =	shalt  }
0x72: {  	_ =	shalt  }
0x73: {  	_ =	shalt  }
0x74: {  	_ =	shalt  }
0x75: {  	_ =	shalt  }
0x76: {  	_ =	shalt  }
0x77: {  	_ =	shalt  }
0x78: {  	_ =	shalt  }
0x79: {  	_ =	shalt  }
0x7a: {  	_ =	shalt  }
0x7b: {  	_ =	shalt  }
0x7c: {  	_ =	shalt  }
0x7d: {  	_ =	shalt  }
0x7e: {  	_ =	shalt  }
0x7f: {  	_ =	shalt  }
0x80: {  	_ =	shalt  }
0x81: {  	_ =	shalt  }
0x82: {  	_ =	shalt  }
0x83: {  	_ =	shalt  }
0x84: {  	_ =	shalt  }
0x85: {  	_ =	shalt  }
0x86: {  	_ =	shalt  }
0x87: {  	_ =	shalt  }
.Lfunc_end0:
.L_simem_size_0:
called_computation_lowered:
.L_overlay_start_0:
0x88: {  	s2 =	sld [smem:$0x3FD9]  }
0x89: {  	s3 =	sld [smem:$0x3FFE];
	_ =	sdelay $0x1  }
0x8a: {  	s1 =	srdreg.scid  }
0x8b: {  	s0 =	sand.u32 $0x1, s1  }
0x8c: {  	s17 =	sshll.u32 s0, $0xA;
	s2 =	sadd.s32 s3, s2  }
0x8d: {  	s2 =	sadd.s32 s2, s17  }
0x8e: {  	[smem:$0x3FC3] =	sst s2  }
0x8f: {  	_ = 	snop  }
0x90: {  	s2 =	sld [smem:$0x3FD0];
	(tm) =	ssettm $0x1  }
0x91: {  	s18 =	sld [smem:$0x3FFB];
	_ =	sdelay $0x3  }
0x92: {  	_ =	strace s18  }
0x93: {  	s3 =	sld [smem:$0x3FFC];
	_ =	sdelay $0x3  }
0x94: {  	_ =	strace s3  }
0x95: {  	s3 =	sld [smem:$0x3FFD];
	_ =	sdelay $0x3  }
0x96: {  	_ =	strace s3  }
0x97: {  	_ =	strace $0x8FFFFFFF  }
0x98: {  	s19 =	sld [smem:$0x3FDB];
	_ =	sdelay $0x1  }
0x99: {  	s4 =	simm.s32 $_scs_section_size  }
0x9a: {  	s5 =	simm.s32 $_size__tile_overlayer_lowered;
	s6 =	simm.s32 $_tile_overlayer_lowered  }
0x9b: {  	s22 =	simm.s32 $0x1BFF;
	s21 =	sshll.u32 s6, $0x1;
	s3 =	sadd.s32 s4, s19  }
0x9c: {  	s7 =	simm.s32 $0x0;
	s20 =	sshll.u32 s5, $0x1;
	s5 =	sadd.s32 s21, s3  }
0x9d: {  	[timem:s7], [sflag:s22] =	dma.local [hbm:s5], s20  }
0x9e: {  	_ =	swait.ge [sflag:s22], s20  }
0x9f: {  	s4 =	ssub.s32 $0x0, s20;
	[sflag:s22] =	ssyncset.done $0x0  }
0xa0: {  	[sflag:s22] =	ssyncadd.s32 s4;
	_ =	sdelay $0x1  }
0xa1: {  	s23 =	simm.s32 $0x1B8B  }
0xa2: {  	_ =	swait.ge [sflag:s23], $0x1  }
0xa3: {  	[sflag:s23] =	ssyncset.done $0x0  }
0xa4: {  	s25 =	simm.s32 $0x1B8E;
	s24 =	sld [smem:$0x3FFE];
	[sflag:s23] =	ssyncadd.s32 $0xFFFFFFFF  }
0xa5: {  	s26 =	simm.s32 $execute0_lowered;
	[smem:$0x3FD2] =	sst s25  }
0xa6: {  	s5 =	sshll.u32 s26, $0x1;
	_ =	strace $0x80000046;
	[dreg:$0x1] =	wrdreg $0xFFFFFFFF  }
0xa7: {  	s28 =	simm.s32 $_size_execute0_lowered;
	s3 =	sadd.s32 s3, s5;
	[dreg:$0x0] =	wrdreg $0x0  }
0xa8: {  	s5 =	sshll.u32 s28, $0x1;
	[dreg:$0x2] =	wrdreg s3  }
0xa9: {  	[dreg:$0x3] =	wrdreg s5  }
0xaa: {  	[dreg:$0x4] =	wrdreg $0xC0  }
0xab: {  	_ =	task [dreg:s7], $0x5FFFF  }
0xac: {  	[dreg:$0x1] =	wrdreg $0xFFFFFFFF  }
0xad: {  	[dreg:$0x0] =	wrdreg $0x60  }
0xae: {  	[dreg:$0x2] =	wrdreg s2  }
0xaf: {  	[dreg:$0x3] =	wrdreg s24  }
0xb0: {  	[dreg:$0x4] =	wrdreg $0x9E200  }
0xb1: {  	[dreg:$0x5] =	wrdreg $0x13B200  }
0xb2: {  	[dreg:$0x6] =	wrdreg $0x1D8200  }
0xb3: {  	[dreg:$0x7] =	wrdreg $0x9  }
0xb4: {  	_ =	task.clear_ibuf [dreg:s7], $0x8FFFF;
	_ =	strace $0x90000046  }
0xb5: {  	s29 =	simm.s32 $0x9;
	_ =	strace $0x80000048  }
0xb6: {  	_ =	swait.ge [sflag:s29], $0x1  }
0xb7: {  	[sflag:s29] =	ssyncadd.s32 $0xFFFFFFFF  }
0xb8: {  	_ =	strace $0x90000048  }
0xb9: {  	_ =	sfence  }
0xba: {  	s30 =	sld [smem:$0x0];
	_ =	sdelay $0x2  }
0xbb: {  	s31 =	sshll.u32 s1, $0xD;
	s1 =	sshrl.u32 s1, $0x2  }
0xbc: {  	s3 =	sand.u32 $0x4000, s31;
	s1 =	sadd.s32 s1, s30  }
0xbd: {  	s0 =	sor.u32 s3, s0;
	s1 =	sshll.u32 s1, $0x11  }
0xbe: {  	s0 =	sor.u32 s1, s0  }
0xbf: {  	s0 =	sadd.s32 $0x8F2B, s0  }
0xc0: {  	[sflag:s0] =	ssyncadd.remote.s32 $0x1  }
0xc1: {  	_ =	sfence.sel $0xFFFF  }
0xc2: {  	[dreg:$0x0] =	wrdreg $0xFFFFFFFF;
	(pc) =	sbr.abs _section_cstart, $3  }
0xc3: {  	[dreg:$0x1] =	wrdreg $0xFFFFFFFF  }
0xc4: {  	_ =	task.clear_ibuf [dreg:s7], $0x2FFFF;
	_ =	strace $0x9FFFFFFF  }
0xc5: {  	(tm) =	ssettm $0x7FFFFFFF  }
tec
execute0_lowered:
.L_overlay_start_1:
0x0: {  	(tag) =	ssettag $0x1  }
0x1: {  	s1 =	rddreg [dreg:$0x0]  }
0x2: {  	s5 =	rddreg [dreg:$0x1]  }
0x3: {  	s2 =	rddreg [dreg:$0x2]  }
0x4: {  	s3 =	rddreg [dreg:$0x3]  }
0x5: {  	s0 =	stileid.u32;
	s4 =	rddreg [dreg:$0x4];
	s7 =	simm.s32 $0x0  }
0x6: {  	s8 =	srdreg.scid;
	s28 =	simm.s32 $0x5000;
	s29 =	simm.s32 $0x5  }
0x7: {  	s30 =	simm.s32 $0x9650;
	s31 =	simm.s32 $0x6F40;
	s6 =	smul.u32 $0x13A00, s0  }
0x8: {  	[smem:$0x7FF] =	sst s7;
	s10 =	sand.u32 $0x1, s8;
	s11 =	sadd.s32 $0x15800, s5  }
0x9: {  	s13 =	sadd.s32 $0x29200, s5;
	s14 =	sadd.s32 $0x3CC00, s5;
	s22 =	smul.u32 $0x27400, s0  }
0xa: {  	s15 =	sadd.s32 $0x41C00, s5;
	s21 =	sshll.u32 s0, $0x1;
	s17 =	smul.u32 $0x274, s0  }
0xb: {  	s19 =	smul.u32 $0x4E80, s0;
	_ =	strace $0x80000047;
	s8 =	ssub.s32 $0x2, s10  }
0xc: {  	p0 =	seq.s32 s10, $0x1;
	s7 =	sshrl.u32 s6, $0x4;
	s12 =	sshrl.u32 s8, $0x1  }
0xd: {  	s6 =	sshrl.u32 s6, $0x1;
	s23 =	sshrl.u32 s19, $0x1;
	s26 =	sadd.s32 $0x7D, s17  }
0xe: {  	s11 =	smov.u32 @p0 s13;
	s14 =	smov.u32 @p0 s15;
	p0 =	seq.s32 s0, $0xF  }
0xf: {  	s9 =	sadd.s32 s7, s5;
	s16 =	ssub.s32 s8, s12;
	s8 =	sor.u32 s10, s21  }
0x10: {  	s25 =	sadd.s32 s6, s2;
	s12 =	sshrl.u32 s22, $0x2;
	s5 =	sadd.s32 $0x14460, s5  }
0x11: {  	s21 =	sadd.s32 $0xFA, s17;
	s9 =	sadd.s32 $0x1E00, s9;
	s24 =	sadd.s32 s12, s2  }
0x12: {  	[dreg:$0x7] =	wrdreg s5;
	s18 =	smul.u32 $0x2800, s8;
	s8 =	sadd.s32 s6, s3  }
0x13: {  	s6 =	sshll.u32 s26, $0x6;
	s12 =	sshll.u32 s26, $0x4;
	s22 =	sshll.u32 s21, $0x6  }
0x14: {  	s25 =	sshrl.u32 @!p0 s25, $0x3;
	[dreg:$0x6] =	wrdreg s9;
	s9 =	sadd.s32 s23, s4  }
0x15: {  	s5 =	sadd.s32 s6, s3;
	s23 =	sadd.s32 $0x177, s17;
	s24 =	sshrl.u32 @p0 s24, $0x3  }
0x16: {  	s6 =	simm.s32 $0x8E80;
	[dreg:$0x8] =	wrdreg s5;
	s20 =	sshrl.u32 s18, $0x3  }
0x17: {  	s5 =	sadd.s32 s12, s4;
	s26 =	sshll.u32 s23, $0x6;
	s13 =	sshll.u32 s23, $0x4  }
0x18: {  	s18 =	sadd.s32 s11, s7;
	s23 =	sshrl.u32 s19, $0x4;
	s7 =	simm.s32 $0x3  }
0x19: {  	s11 =	simm.s32 $0x4;
	[dreg:$0x9] =	wrdreg s5;
	s12 =	sadd.s32 s1, s20  }
0x1a: {  	s5 =	sshll.u32 s21, $0x4;
	s1 =	sadd.s32 s22, s3;
	s10 =	sadd.s32 s26, s3  }
0x1b: {  	[dreg:$0xd] =	wrdreg s18;
	s20 =	sadd.s32 $0x1F4, s17;
	s22 =	sadd.s32 $0x271, s17  }
0x1c: {  	s19 =	sadd.s32 s14, s23;
	s23 =	smax.u32 s16, $0x1;
	[dreg:$0xa] =	wrdreg s1  }
0x1d: {  	s5 =	sadd.s32 s5, s4;
	[dreg:$0xc] =	wrdreg s10;
	s1 =	sadd.s32 s13, s4  }
0x1e: {  	s21 =	sshll.u32 s20, $0x6;
	s26 =	sshll.u32 s22, $0x6;
	[dreg:$0xb] =	wrdreg s5  }
0x1f: {  	s10 =	simm.s32 $0x2;
	s13 =	simm.s32 $0x0;
	[dreg:$0xe] =	wrdreg s1  }
0x20: {  	s18 =	sadd.s32 s21, s3;
	s5 =	sshll.u32 s20, $0x4;
	s21 =	sadd.s32 s26, s3  }
0x21: {  	s1 =	sshll.u32 s22, $0x4;
	s26 =	sadd.s32 $0xA000, s12;
	s20 =	sadd.s32 s5, s4  }
0x22: {  	v0 =	vimm.bf16 $0.0e+00;
	v1 =	vimm.bf16 $1.0000e+00;
	s22 =	sadd.s32 s1, s4;
	s1 =	simm.s32 $0x7D;
	s5 =	simm.s32 $0x1  }
.LBB2_1:
0x23: {  	s15 =	simm.s32 $0x0  }
0x24: {  	s14 =	sand.u32 $0x7F00, s15;
	s15 =	sand.u32 $0x60, s15  }
0x25: {  	s14 =	sshrl.u32 s14, $0x2;
	s15 =	sshrl.u32 s15, $0x1  }
0x26: {  	s15 =	sor.u32 s15, s14  }
0x27: {  	s14 =	simm.s32 $0x40;
	[tilespmem:s15+$0x5000] =	vst v0;
	s15 =	simm.s32 $0x0  }
.LBB2_2:
0x28: {  	p1 =	sne.s32 s14, $0x7CC0  }
.Ltmp0:
0x29: {  	s16 =	sand.u32 $0x7F00, s14;
	s15 =	sadd.s32 $0x20, s15;
	(pc) =	sbr.rel @p1 .LBB2_2-.Ltmp0, $4  }
0x2a: {  	s14 =	sadd.s32 $0x40, s14;
	s17 =	sand.u32 $0x60, s15  }
0x2b: {  	s16 =	sshrl.u32 s16, $0x2;
	s17 =	sshrl.u32 s17, $0x1  }
0x2c: {  	s16 =	sor.u32 s17, s16  }
0x2d: {  	[tilespmem:s16+$0x5000] =	vst v0  }
0x2e: {  	s14 =	simm.s32 $0x40;
	s15 =	simm.s32 $0x0  }
.LBB2_4:
0x2f: {  	p1 =	sne.s32 s14, $0x1F00;
	[tilespmem:s15+$0x9650] =	vst v0;
	s15 =	smov.u32 s14;
	s14 =	sadd.s32 $0x40, s14  }
.Ltmp1:
0x30: {  	(pc) =	sbr.rel @p1 .LBB2_4-.Ltmp1, $2  }
0x31: {  	_ =	sdelay $0x2  }
0x32: {  	s15 =	sshra.s32 s15, $0x2  }
0x33: {  	[tilespmem:s15+$0x9650] =	vst v0;
	s14 =	simm.s32 $0x40;
	s15 =	simm.s32 $0x0  }
.LBB2_6:
0x34: {  	p1 =	sne.s32 s14, $0x1F00;
	[tilespmem:s15+$0x8E80] =	vst v1;
	s15 =	smov.u32 s14;
	s14 =	sadd.s32 $0x40, s14  }
.Ltmp2:
0x35: {  	(pc) =	sbr.rel @p1 .LBB2_6-.Ltmp2, $2  }
0x36: {  	_ =	sdelay $0x2  }
0x37: {  	s15 =	sshra.s32 s15, $0x2  }
0x38: {  	[tilespmem:s15+$0x8E80] =	vst v1;
	s14 =	simm.s32 @p0 $0x1FC5;
	s15 =	rddreg [dreg:$0x7]  }
0x39: {  	[spmem:s24], [sflag:s14] =	dma.local @p0 [hbm:s15], $0x1220  }
0x3a: {  	s14 =	simm.s32 @p0 $0x5  }
0x3b: {  	_ =	swait.ge @p0 [sflag:s14], $0x1220  }
0x3c: {  	s15 =	sshll.u32 @!p0 s0, $0x6;
	[sflag:s14] =	ssyncset.done @p0 $0x0  }
0x3d: {  	[sflag:s14] =	ssyncadd.s32 @p0 $0xFFFFEDE0;
	s14 =	sor.u32 @!p0 $0x1C05, s15;
	s15 =	rddreg [dreg:$0x6]  }
0x3e: {  	[spmem:s25], [sflag:s14] =	dma.local @!p0 [hbm:s15], $0x13A0  }
0x3f: {  	s14 =	simm.s32 @!p0 $0x5  }
0x40: {  	_ =	swait.ge @!p0 [sflag:s14], $0x13A0  }
0x41: {  	[sflag:s14] =	ssyncset.done @!p0 $0x0  }
0x42: {  	[sflag:s14] =	ssyncadd.s32 @!p0 $0xFFFFEC60  }
0x43: {  	[spmem:s8] =	stream.linear.scatter [tilespmem:s28], [sflag:$0x5], $0x1F40, $0x38;
	[tilespmem:$0x1FF60] =	vst v63  }
0x44: {  	_ =	swait.ge [sflag:s29], $0x1F40  }
0x45: {  	[sflag:s29] =	ssyncset.done $0x0  }
0x46: {  	[sflag:s29] =	ssyncadd.s32 $0xFFFFE0C0  }
0x47: {  	[spmem:s9] =	stream.linear.scatter [tilespmem:s30], [sflag:$0x5], $0x7D0, $0x38;
	[tilespmem:$0x1FF60] =	vst v63  }
0x48: {  	_ =	swait.ge [sflag:s29], $0x7D0  }
0x49: {  	[sflag:s29] =	ssyncset.done $0x0  }
0x4a: {  	s16 =	rddreg [dreg:$0x8];
	[sflag:s29] =	ssyncadd.s32 $0xFFFFF830  }
0x4b: {  	[spmem:s16] =	stream.linear.scatter [tilespmem:s28], [sflag:$0x5], $0x1F40, $0x38;
	[tilespmem:$0x1FF60] =	vst v63  }
0x4c: {  	_ =	swait.ge [sflag:s29], $0x1F40  }
0x4d: {  	[sflag:s29] =	ssyncset.done $0x0  }
0x4e: {  	s17 =	rddreg [dreg:$0x9];
	[sflag:s29] =	ssyncadd.s32 $0xFFFFE0C0  }
0x4f: {  	[spmem:s17] =	stream.linear.scatter [tilespmem:s30], [sflag:$0x5], $0x7D0, $0x38;
	[tilespmem:$0x1FF60] =	vst v63  }
0x50: {  	_ =	swait.ge [sflag:s29], $0x7D0  }
0x51: {  	[sflag:s29] =	ssyncset.done $0x0  }
0x52: {  	s15 =	rddreg [dreg:$0xa];
	[sflag:s29] =	ssyncadd.s32 $0xFFFFF830  }
0x53: {  	[spmem:s15] =	stream.linear.scatter [tilespmem:s28], [sflag:$0x5], $0x1F40, $0x38;
	[tilespmem:$0x1FF60] =	vst v63  }
0x54: {  	_ =	swait.ge [sflag:s29], $0x1F40  }
0x55: {  	[sflag:s29] =	ssyncset.done $0x0  }
0x56: {  	s16 =	rddreg [dreg:$0xb];
	[sflag:s29] =	ssyncadd.s32 $0xFFFFE0C0  }
0x57: {  	[spmem:s16] =	stream.linear.scatter [tilespmem:s30], [sflag:$0x5], $0x7D0, $0x38;
	[tilespmem:$0x1FF60] =	vst v63  }
0x58: {  	_ =	swait.ge [sflag:s29], $0x7D0  }
0x59: {  	[sflag:s29] =	ssyncset.done $0x0  }
0x5a: {  	s17 =	rddreg [dreg:$0xc];
	[sflag:s29] =	ssyncadd.s32 $0xFFFFF830  }
0x5b: {  	[spmem:s17] =	stream.linear.scatter [tilespmem:s28], [sflag:$0x5], $0x1F40, $0x38;
	[tilespmem:$0x1FF60] =	vst v63  }
0x5c: {  	_ =	swait.ge [sflag:s29], $0x1F40  }
0x5d: {  	[sflag:s29] =	ssyncset.done $0x0  }
0x5e: {  	s15 =	rddreg [dreg:$0xe];
	[sflag:s29] =	ssyncadd.s32 $0xFFFFE0C0  }
0x5f: {  	[spmem:s15] =	stream.linear.scatter [tilespmem:s30], [sflag:$0x5], $0x7D0, $0x38;
	[tilespmem:$0x1FF60] =	vst v63  }
0x60: {  	_ =	swait.ge [sflag:s29], $0x7D0  }
0x61: {  	[sflag:s29] =	ssyncset.done $0x0  }
0x62: {  	[sflag:s29] =	ssyncadd.s32 $0xFFFFF830  }
0x63: {  	[spmem:s18] =	stream.linear.scatter [tilespmem:s28], [sflag:$0x5], $0x1F40, $0x38;
	[tilespmem:$0x1FF60] =	vst v63  }
0x64: {  	_ =	swait.ge [sflag:s29], $0x1F40  }
0x65: {  	[sflag:s29] =	ssyncset.done $0x0  }
0x66: {  	[sflag:s29] =	ssyncadd.s32 $0xFFFFE0C0  }
0x67: {  	[spmem:s20] =	stream.linear.scatter [tilespmem:s30], [sflag:$0x5], $0x7D0, $0x38;
	[tilespmem:$0x1FF60] =	vst v63  }
0x68: {  	_ =	swait.ge [sflag:s29], $0x7D0  }
0x69: {  	[sflag:s29] =	ssyncset.done $0x0  }
0x6a: {  	[sflag:s29] =	ssyncadd.s32 $0xFFFFF830  }
0x6b: {  	[spmem:s21] =	stream.linear.scatter [tilespmem:s28], [sflag:$0x5], $0xC0, $0x38;
	[tilespmem:$0x1FF60] =	vst v63  }
0x6c: {  	_ =	swait.ge [sflag:s29], $0xC0  }
0x6d: {  	[sflag:s29] =	ssyncset.done $0x0  }
0x6e: {  	[sflag:s29] =	ssyncadd.s32 $0xFFFFFF40  }
0x6f: {  	[spmem:s22] =	stream.linear.scatter [tilespmem:s30], [sflag:$0x5], $0x30, $0x38;
	[tilespmem:$0x1FF60] =	vst v63  }
0x70: {  	_ =	swait.ge [sflag:s29], $0x30  }
0x71: {  	[sflag:s29] =	ssyncset.done $0x0  }
0x72: {  	s16 =	simm.s32 $0x0;
	[sflag:s29] =	ssyncadd.s32 $0xFFFFFFD0  }
0x73: {  	[tilespmem:s16], [sflag:$0x5] =	stream.linear.gather [hbm4b:s12+s16], $0x2800, $0x38;
	[tilespmem:$0x1FF60] =	vst v63  }
0x74: {  	_ =	swait.ge [sflag:s29], $0x2800  }
0x75: {  	[sflag:s29] =	ssyncset.done $0x0  }
0x76: {  	s17 =	simm.s32 $0x2800;
	[sflag:s29] =	ssyncadd.s32 $0xFFFFD800  }
0x77: {  	[tilespmem:s17], [sflag:$0x5] =	stream.linear.gather [hbm4b:s26+s16], $0x2800, $0x38;
	[tilespmem:$0x1FF60] =	vst v63  }
0x78: {  	_ =	swait.ge [sflag:s29], $0x2800  }
0x79: {  	[sflag:s29] =	ssyncset.done $0x0  }
0x7a: {  	[sflag:s29] =	ssyncadd.s32 $0xFFFFD800  }
0x7b: {  	s16 =	simm.s32 $0x0;
	[bflag:$0x0] =	sbarrier.arrive $0xFFFF  }
0x7c: {  	[tilespmem:s28], [sflag:$0x1] =	stream.indirect.gather [spmem:s2], $0x40, s16, s1, $0xb8;
	[tilespmem:$0x1FF60] =	vst v63  }
0x7d: {  	s17 =	simm.s32 $0x80  }
0x7e: {  	[tilespmem:s31], [sflag:$0x2] =	stream.indirect.gather [spmem:s2], $0x40, s17, s1, $0xb8;
	[tilespmem:$0x1FF60] =	vst v63  }
0x7f: {  	_ =	swait.ge [sflag:s5], $0x1F40  }
0x80: {  	[sflag:s5] =	ssyncset.done $0x0  }
0x81: {  	s15 =	simm.s32 $0x2800;
	[sflag:s5] =	ssyncadd.s32 $0xFFFFE0C0  }
0x82: {  	[spmem:s3] =	stream.indirect.scatter.add.bf16 [tilespmem:s28], [sflag:$0x3], $0x40, s15, s1, $0xb8;
	[tilespmem:$0x1FF60] =	vst v63  }
0x83: {  	_ = 	snop  }
0x84: {  	[spmem:s4] =	stream.indirect.scatter.add.bf16 [tilespmem:s6], [sflag:$0x3], $0x10, s15, s1, $0xb8;
	[tilespmem:$0x1FF60] =	vst v63  }
0x85: {  	_ =	swait.ge [sflag:s7], $0x1F40  }
0x86: {  	[sflag:s7] =	ssyncset.done $0x0  }
0x87: {  	[sflag:s7] =	ssyncadd.s32 $0xFFFFE0C0  }
0x88: {  	_ =	swait.ge [sflag:s7], $0x7D0  }
0x89: {  	[sflag:s7] =	ssyncset.done $0x0  }
0x8a: {  	s16 =	simm.s32 $0x100;
	[sflag:s7] =	ssyncadd.s32 $0xFFFFF830  }
0x8b: {  	[tilespmem:s28], [sflag:$0x1] =	stream.indirect.gather [spmem:s2], $0x40, s16, s1, $0xb8;
	[tilespmem:$0x1FF60] =	vst v63  }
0x8c: {  	_ =	swait.ge [sflag:s10], $0x1F40  }
0x8d: {  	[sflag:s10] =	ssyncset.done $0x0  }
0x8e: {  	s17 =	simm.s32 $0x2880;
	[sflag:s10] =	ssyncadd.s32 $0xFFFFE0C0  }
0x8f: {  	[spmem:s3] =	stream.indirect.scatter.add.bf16 [tilespmem:s31], [sflag:$0x4], $0x40, s17, s1, $0xb8;
	[tilespmem:$0x1FF60] =	vst v63  }
0x90: {  	_ = 	snop  }
0x91: {  	[spmem:s4] =	stream.indirect.scatter.add.bf16 [tilespmem:s6], [sflag:$0x4], $0x10, s17, s1, $0xb8;
	[tilespmem:$0x1FF60] =	vst v63  }
0x92: {  	_ =	swait.ge [sflag:s11], $0x1F40  }
0x93: {  	[sflag:s11] =	ssyncset.done $0x0  }
0x94: {  	[sflag:s11] =	ssyncadd.s32 $0xFFFFE0C0  }
0x95: {  	_ =	swait.ge [sflag:s11], $0x7D0  }
0x96: {  	[sflag:s11] =	ssyncset.done $0x0  }
0x97: {  	s15 =	simm.s32 $0x180;
	[sflag:s11] =	ssyncadd.s32 $0xFFFFF830  }
0x98: {  	[tilespmem:s31], [sflag:$0x2] =	stream.indirect.gather [spmem:s2], $0x40, s15, s1, $0xb8;
	[tilespmem:$0x1FF60] =	vst v63  }
0x99: {  	_ =	swait.ge [sflag:s5], $0x1F40  }
0x9a: {  	[sflag:s5] =	ssyncset.done $0x0  }
0x9b: {  	s16 =	simm.s32 $0x2900;
	[sflag:s5] =	ssyncadd.s32 $0xFFFFE0C0  }
0x9c: {  	[spmem:s3] =	stream.indirect.scatter.add.bf16 [tilespmem:s28], [sflag:$0x3], $0x40, s16, s1, $0xb8;
	[tilespmem:$0x1FF60] =	vst v63  }
0x9d: {  	_ = 	snop  }
0x9e: {  	[spmem:s4] =	stream.indirect.scatter.add.bf16 [tilespmem:s6], [sflag:$0x3], $0x10, s16, s1, $0xb8;
	[tilespmem:$0x1FF60] =	vst v63  }
0x9f: {  	_ =	swait.ge [sflag:s7], $0x1F40  }
0xa0: {  	[sflag:s7] =	ssyncset.done $0x0  }
0xa1: {  	[sflag:s7] =	ssyncadd.s32 $0xFFFFE0C0  }
0xa2: {  	_ =	swait.ge [sflag:s7], $0x7D0  }
0xa3: {  	[sflag:s7] =	ssyncset.done $0x0  }
0xa4: {  	s17 =	simm.s32 $0x200;
	[sflag:s7] =	ssyncadd.s32 $0xFFFFF830  }
0xa5: {  	[tilespmem:s28], [sflag:$0x1] =	stream.indirect.gather [spmem:s2], $0x40, s17, s1, $0xb8;
	[tilespmem:$0x1FF60] =	vst v63  }
0xa6: {  	_ =	swait.ge [sflag:s10], $0x1F40  }
0xa7: {  	[sflag:s10] =	ssyncset.done $0x0  }
0xa8: {  	s15 =	simm.s32 $0x2980;
	[sflag:s10] =	ssyncadd.s32 $0xFFFFE0C0  }
0xa9: {  	[spmem:s3] =	stream.indirect.scatter.add.bf16 [tilespmem:s31], [sflag:$0x4], $0x40, s15, s1, $0xb8;
	[tilespmem:$0x1FF60] =	vst v63  }
0xaa: {  	_ = 	snop  }
0xab: {  	[spmem:s4] =	stream.indirect.scatter.add.bf16 [tilespmem:s6], [sflag:$0x4], $0x10, s15, s1, $0xb8;
	[tilespmem:$0x1FF60] =	vst v63  }
0xac: {  	_ =	swait.ge [sflag:s11], $0x1F40  }
0xad: {  	[sflag:s11] =	ssyncset.done $0x0  }
0xae: {  	[sflag:s11] =	ssyncadd.s32 $0xFFFFE0C0  }
0xaf: {  	_ =	swait.ge [sflag:s11], $0x7D0  }
0xb0: {  	[sflag:s11] =	ssyncset.done $0x0  }
0xb1: {  	s16 =	simm.s32 $0x280;
	[sflag:s11] =	ssyncadd.s32 $0xFFFFF830  }
0xb2: {  	[tilespmem:s31], [sflag:$0x2] =	stream.indirect.gather [spmem:s2], $0x40, s16, s1, $0xb8;
	[tilespmem:$0x1FF60] =	vst v63  }
0xb3: {  	_ =	swait.ge [sflag:s5], $0x1F40  }
0xb4: {  	[sflag:s5] =	ssyncset.done $0x0  }
0xb5: {  	s17 =	simm.s32 $0x2A00;
	[sflag:s5] =	ssyncadd.s32 $0xFFFFE0C0  }
0xb6: {  	[spmem:s3] =	stream.indirect.scatter.add.bf16 [tilespmem:s28], [sflag:$0x3], $0x40, s17, s1, $0xb8;
	[tilespmem:$0x1FF60] =	vst v63  }
0xb7: {  	_ = 	snop  }
0xb8: {  	[spmem:s4] =	stream.indirect.scatter.add.bf16 [tilespmem:s6], [sflag:$0x3], $0x10, s17, s1, $0xb8;
	[tilespmem:$0x1FF60] =	vst v63  }
0xb9: {  	_ =	swait.ge [sflag:s7], $0x1F40  }
0xba: {  	[sflag:s7] =	ssyncset.done $0x0  }
0xbb: {  	[sflag:s7] =	ssyncadd.s32 $0xFFFFE0C0  }
0xbc: {  	_ =	swait.ge [sflag:s7], $0x7D0  }
0xbd: {  	[sflag:s7] =	ssyncset.done $0x0  }
0xbe: {  	s15 =	simm.s32 $0x300;
	[sflag:s7] =	ssyncadd.s32 $0xFFFFF830  }
0xbf: {  	[tilespmem:s28], [sflag:$0x1] =	stream.indirect.gather [spmem:s2], $0x40, s15, s1, $0xb8;
	[tilespmem:$0x1FF60] =	vst v63  }
0xc0: {  	_ =	swait.ge [sflag:s10], $0x1F40  }
0xc1: {  	[sflag:s10] =	ssyncset.done $0x0  }
0xc2: {  	s16 =	simm.s32 $0x2A80;
	[sflag:s10] =	ssyncadd.s32 $0xFFFFE0C0  }
0xc3: {  	[spmem:s3] =	stream.indirect.scatter.add.bf16 [tilespmem:s31], [sflag:$0x4], $0x40, s16, s1, $0xb8;
	[tilespmem:$0x1FF60] =	vst v63  }
0xc4: {  	_ = 	snop  }
0xc5: {  	[spmem:s4] =	stream.indirect.scatter.add.bf16 [tilespmem:s6], [sflag:$0x4], $0x10, s16, s1, $0xb8;
	[tilespmem:$0x1FF60] =	vst v63  }
0xc6: {  	_ =	swait.ge [sflag:s11], $0x1F40  }
0xc7: {  	[sflag:s11] =	ssyncset.done $0x0  }
0xc8: {  	[sflag:s11] =	ssyncadd.s32 $0xFFFFE0C0  }
0xc9: {  	_ =	swait.ge [sflag:s11], $0x7D0  }
0xca: {  	[sflag:s11] =	ssyncset.done $0x0  }
0xcb: {  	s17 =	simm.s32 $0x380;
	[sflag:s11] =	ssyncadd.s32 $0xFFFFF830  }
0xcc: {  	[tilespmem:s31], [sflag:$0x2] =	stream.indirect.gather [spmem:s2], $0x40, s17, s1, $0xb8;
	[tilespmem:$0x1FF60] =	vst v63  }
0xcd: {  	_ =	swait.ge [sflag:s5], $0x1F40  }
0xce: {  	[sflag:s5] =	ssyncset.done $0x0  }
0xcf: {  	s15 =	simm.s32 $0x2B00;
	[sflag:s5] =	ssyncadd.s32 $0xFFFFE0C0  }
0xd0: {  	[spmem:s3] =	stream.indirect.scatter.add.bf16 [tilespmem:s28], [sflag:$0x3], $0x40, s15, s1, $0xb8;
	[tilespmem:$0x1FF60] =	vst v63  }
0xd1: {  	_ = 	snop  }
0xd2: {  	[spmem:s4] =	stream.indirect.scatter.add.bf16 [tilespmem:s6], [sflag:$0x3], $0x10, s15, s1, $0xb8;
	[tilespmem:$0x1FF60] =	vst v63  }
0xd3: {  	_ =	swait.ge [sflag:s7], $0x1F40  }
0xd4: {  	[sflag:s7] =	ssyncset.done $0x0  }
0xd5: {  	[sflag:s7] =	ssyncadd.s32 $0xFFFFE0C0  }
0xd6: {  	_ =	swait.ge [sflag:s7], $0x7D0  }
0xd7: {  	[sflag:s7] =	ssyncset.done $0x0  }
0xd8: {  	s16 =	simm.s32 $0x400;
	[sflag:s7] =	ssyncadd.s32 $0xFFFFF830  }
0xd9: {  	[tilespmem:s28], [sflag:$0x1] =	stream.indirect.gather [spmem:s2], $0x40, s16, s1, $0xb8;
	[tilespmem:$0x1FF60] =	vst v63  }
0xda: {  	_ =	swait.ge [sflag:s10], $0x1F40  }
0xdb: {  	[sflag:s10] =	ssyncset.done $0x0  }
0xdc: {  	s17 =	simm.s32 $0x2B80;
	[sflag:s10] =	ssyncadd.s32 $0xFFFFE0C0  }
0xdd: {  	[spmem:s3] =	stream.indirect.scatter.add.bf16 [tilespmem:s31], [sflag:$0x4], $0x40, s17, s1, $0xb8;
	[tilespmem:$0x1FF60] =	vst v63  }
0xde: {  	_ = 	snop  }
0xdf: {  	[spmem:s4] =	stream.indirect.scatter.add.bf16 [tilespmem:s6], [sflag:$0x4], $0x10, s17, s1, $0xb8;
	[tilespmem:$0x1FF60] =	vst v63  }
0xe0: {  	_ =	swait.ge [sflag:s11], $0x1F40  }
0xe1: {  	[sflag:s11] =	ssyncset.done $0x0  }
0xe2: {  	[sflag:s11] =	ssyncadd.s32 $0xFFFFE0C0  }
0xe3: {  	_ =	swait.ge [sflag:s11], $0x7D0  }
0xe4: {  	[sflag:s11] =	ssyncset.done $0x0  }
0xe5: {  	s15 =	simm.s32 $0x480;
	[sflag:s11] =	ssyncadd.s32 $0xFFFFF830  }
0xe6: {  	[tilespmem:s31], [sflag:$0x2] =	stream.indirect.gather [spmem:s2], $0x40, s15, s1, $0xb8;
	[tilespmem:$0x1FF60] =	vst v63  }
0xe7: {  	_ =	swait.ge [sflag:s5], $0x1F40  }
0xe8: {  	[sflag:s5] =	ssyncset.done $0x0  }
0xe9: {  	s16 =	simm.s32 $0x2C00;
	[sflag:s5] =	ssyncadd.s32 $0xFFFFE0C0  }
0xea: {  	[spmem:s3] =	stream.indirect.scatter.add.bf16 [tilespmem:s28], [sflag:$0x3], $0x40, s16, s1, $0xb8;
	[tilespmem:$0x1FF60] =	vst v63  }
0xeb: {  	_ = 	snop  }
0xec: {  	[spmem:s4] =	stream.indirect.scatter.add.bf16 [tilespmem:s6], [sflag:$0x3], $0x10, s16, s1, $0xb8;
	[tilespmem:$0x1FF60] =	vst v63  }
0xed: {  	_ =	swait.ge [sflag:s7], $0x1F40  }
0xee: {  	[sflag:s7] =	ssyncset.done $0x0  }
0xef: {  	[sflag:s7] =	ssyncadd.s32 $0xFFFFE0C0  }
0xf0: {  	_ =	swait.ge [sflag:s7], $0x7D0  }
0xf1: {  	[sflag:s7] =	ssyncset.done $0x0  }
0xf2: {  	s17 =	simm.s32 $0x500;
	[sflag:s7] =	ssyncadd.s32 $0xFFFFF830  }
0xf3: {  	[tilespmem:s28], [sflag:$0x1] =	stream.indirect.gather [spmem:s2], $0x40, s17, s1, $0xb8;
	[tilespmem:$0x1FF60] =	vst v63  }
0xf4: {  	_ =	swait.ge [sflag:s10], $0x1F40  }
0xf5: {  	[sflag:s10] =	ssyncset.done $0x0  }
0xf6: {  	s15 =	simm.s32 $0x2C80;
	[sflag:s10] =	ssyncadd.s32 $0xFFFFE0C0  }
0xf7: {  	[spmem:s3] =	stream.indirect.scatter.add.bf16 [tilespmem:s31], [sflag:$0x4], $0x40, s15, s1, $0xb8;
	[tilespmem:$0x1FF60] =	vst v63  }
0xf8: {  	_ = 	snop  }
0xf9: {  	[spmem:s4] =	stream.indirect.scatter.add.bf16 [tilespmem:s6], [sflag:$0x4], $0x10, s15, s1, $0xb8;
	[tilespmem:$0x1FF60] =	vst v63  }
0xfa: {  	_ =	swait.ge [sflag:s11], $0x1F40  }
0xfb: {  	[sflag:s11] =	ssyncset.done $0x0  }
0xfc: {  	[sflag:s11] =	ssyncadd.s32 $0xFFFFE0C0  }
0xfd: {  	_ =	swait.ge [sflag:s11], $0x7D0  }
0xfe: {  	[sflag:s11] =	ssyncset.done $0x0  }
0xff: {  	s16 =	simm.s32 $0x580;
	[sflag:s11] =	ssyncadd.s32 $0xFFFFF830  }
0x100: {  	[tilespmem:s31], [sflag:$0x2] =	stream.indirect.gather [spmem:s2], $0x40, s16, s1, $0xb8;
	[tilespmem:$0x1FF60] =	vst v63  }
0x101: {  	_ =	swait.ge [sflag:s5], $0x1F40  }
0x102: {  	[sflag:s5] =	ssyncset.done $0x0  }
0x103: {  	s17 =	simm.s32 $0x2D00;
	[sflag:s5] =	ssyncadd.s32 $0xFFFFE0C0  }
0x104: {  	[spmem:s3] =	stream.indirect.scatter.add.bf16 [tilespmem:s28], [sflag:$0x3], $0x40, s17, s1, $0xb8;
	[tilespmem:$0x1FF60] =	vst v63  }
0x105: {  	_ = 	snop  }
0x106: {  	[spmem:s4] =	stream.indirect.scatter.add.bf16 [tilespmem:s6], [sflag:$0x3], $0x10, s17, s1, $0xb8;
	[tilespmem:$0x1FF60] =	vst v63  }
0x107: {  	_ =	swait.ge [sflag:s7], $0x1F40  }
0x108: {  	[sflag:s7] =	ssyncset.done $0x0  }
0x109: {  	[sflag:s7] =	ssyncadd.s32 $0xFFFFE0C0  }
0x10a: {  	_ =	swait.ge [sflag:s7], $0x7D0  }
0x10b: {  	[sflag:s7] =	ssyncset.done $0x0  }
0x10c: {  	s15 =	simm.s32 $0x600;
	[sflag:s7] =	ssyncadd.s32 $0xFFFFF830  }
0x10d: {  	[tilespmem:s28], [sflag:$0x1] =	stream.indirect.gather [spmem:s2], $0x40, s15, s1, $0xb8;
	[tilespmem:$0x1FF60] =	vst v63  }
0x10e: {  	_ =	swait.ge [sflag:s10], $0x1F40  }
0x10f: {  	[sflag:s10] =	ssyncset.done $0x0  }
0x110: {  	s16 =	simm.s32 $0x2D80;
	[sflag:s10] =	ssyncadd.s32 $0xFFFFE0C0  }
0x111: {  	[spmem:s3] =	stream.indirect.scatter.add.bf16 [tilespmem:s31], [sflag:$0x4], $0x40, s16, s1, $0xb8;
	[tilespmem:$0x1FF60] =	vst v63  }
0x112: {  	_ = 	snop  }
0x113: {  	[spmem:s4] =	stream.indirect.scatter.add.bf16 [tilespmem:s6], [sflag:$0x4], $0x10, s16, s1, $0xb8;
	[tilespmem:$0x1FF60] =	vst v63  }
0x114: {  	_ =	swait.ge [sflag:s11], $0x1F40  }
0x115: {  	[sflag:s11] =	ssyncset.done $0x0  }
0x116: {  	[sflag:s11] =	ssyncadd.s32 $0xFFFFE0C0  }
0x117: {  	_ =	swait.ge [sflag:s11], $0x7D0  }
0x118: {  	[sflag:s11] =	ssyncset.done $0x0  }
0x119: {  	s17 =	simm.s32 $0x680;
	[sflag:s11] =	ssyncadd.s32 $0xFFFFF830  }
0x11a: {  	[tilespmem:s31], [sflag:$0x2] =	stream.indirect.gather [spmem:s2], $0x40, s17, s1, $0xb8;
	[tilespmem:$0x1FF60] =	vst v63  }
0x11b: {  	_ =	swait.ge [sflag:s5], $0x1F40  }
0x11c: {  	[sflag:s5] =	ssyncset.done $0x0  }
0x11d: {  	s15 =	simm.s32 $0x2E00;
	[sflag:s5] =	ssyncadd.s32 $0xFFFFE0C0  }
0x11e: {  	[spmem:s3] =	stream.indirect.scatter.add.bf16 [tilespmem:s28], [sflag:$0x3], $0x40, s15, s1, $0xb8;
	[tilespmem:$0x1FF60] =	vst v63  }
0x11f: {  	_ = 	snop  }
0x120: {  	[spmem:s4] =	stream.indirect.scatter.add.bf16 [tilespmem:s6], [sflag:$0x3], $0x10, s15, s1, $0xb8;
	[tilespmem:$0x1FF60] =	vst v63  }
0x121: {  	_ =	swait.ge [sflag:s7], $0x1F40  }
0x122: {  	[sflag:s7] =	ssyncset.done $0x0  }
0x123: {  	[sflag:s7] =	ssyncadd.s32 $0xFFFFE0C0  }
0x124: {  	_ =	swait.ge [sflag:s7], $0x7D0  }
0x125: {  	[sflag:s7] =	ssyncset.done $0x0  }
0x126: {  	s16 =	simm.s32 $0x700;
	[sflag:s7] =	ssyncadd.s32 $0xFFFFF830  }
0x127: {  	[tilespmem:s28], [sflag:$0x1] =	stream.indirect.gather [spmem:s2], $0x40, s16, s1, $0xb8;
	[tilespmem:$0x1FF60] =	vst v63  }
0x128: {  	_ =	swait.ge [sflag:s10], $0x1F40  }
0x129: {  	[sflag:s10] =	ssyncset.done $0x0  }
0x12a: {  	s17 =	simm.s32 $0x2E80;
	[sflag:s10] =	ssyncadd.s32 $0xFFFFE0C0  }
0x12b: {  	[spmem:s3] =	stream.indirect.scatter.add.bf16 [tilespmem:s31], [sflag:$0x4], $0x40, s17, s1, $0xb8;
	[tilespmem:$0x1FF60] =	vst v63  }
0x12c: {  	_ = 	snop  }
0x12d: {  	[spmem:s4] =	stream.indirect.scatter.add.bf16 [tilespmem:s6], [sflag:$0x4], $0x10, s17, s1, $0xb8;
	[tilespmem:$0x1FF60] =	vst v63  }
0x12e: {  	_ =	swait.ge [sflag:s11], $0x1F40  }
0x12f: {  	[sflag:s11] =	ssyncset.done $0x0  }
0x130: {  	[sflag:s11] =	ssyncadd.s32 $0xFFFFE0C0  }
0x131: {  	_ =	swait.ge [sflag:s11], $0x7D0  }
0x132: {  	[sflag:s11] =	ssyncset.done $0x0  }
0x133: {  	s15 =	simm.s32 $0x780;
	[sflag:s11] =	ssyncadd.s32 $0xFFFFF830  }
0x134: {  	[tilespmem:s31], [sflag:$0x2] =	stream.indirect.gather [spmem:s2], $0x40, s15, s1, $0xb8;
	[tilespmem:$0x1FF60] =	vst v63  }
0x135: {  	_ =	swait.ge [sflag:s5], $0x1F40  }
0x136: {  	[sflag:s5] =	ssyncset.done $0x0  }
0x137: {  	s16 =	simm.s32 $0x2F00;
	[sflag:s5] =	ssyncadd.s32 $0xFFFFE0C0  }
0x138: {  	[spmem:s3] =	stream.indirect.scatter.add.bf16 [tilespmem:s28], [sflag:$0x3], $0x40, s16, s1, $0xb8;
	[tilespmem:$0x1FF60] =	vst v63  }
0x139: {  	_ = 	snop  }
0x13a: {  	[spmem:s4] =	stream.indirect.scatter.add.bf16 [tilespmem:s6], [sflag:$0x3], $0x10, s16, s1, $0xb8;
	[tilespmem:$0x1FF60] =	vst v63  }
0x13b: {  	_ =	swait.ge [sflag:s10], $0x1F40  }
0x13c: {  	[sflag:s10] =	ssyncset.done $0x0  }
0x13d: {  	s17 =	simm.s32 $0x2F80;
	[sflag:s10] =	ssyncadd.s32 $0xFFFFE0C0  }
0x13e: {  	[spmem:s3] =	stream.indirect.scatter.add.bf16 [tilespmem:s31], [sflag:$0x4], $0x40, s17, s1, $0xb8;
	[tilespmem:$0x1FF60] =	vst v63  }
0x13f: {  	_ = 	snop  }
0x140: {  	[spmem:s4] =	stream.indirect.scatter.add.bf16 [tilespmem:s6], [sflag:$0x4], $0x10, s17, s1, $0xb8;
	[tilespmem:$0x1FF60] =	vst v63  }
0x141: {  	_ =	swait.ge [sflag:s7], $0x1F40  }
0x142: {  	[sflag:s7] =	ssyncset.done $0x0  }
0x143: {  	[sflag:s7] =	ssyncadd.s32 $0xFFFFE0C0  }
0x144: {  	_ =	swait.ge [sflag:s7], $0x7D0  }
0x145: {  	[sflag:s7] =	ssyncset.done $0x0  }
0x146: {  	[sflag:s7] =	ssyncadd.s32 $0xFFFFF830  }
0x147: {  	_ =	swait.ge [sflag:s11], $0x1F40  }
0x148: {  	[sflag:s11] =	ssyncset.done $0x0  }
0x149: {  	[sflag:s11] =	ssyncadd.s32 $0xFFFFE0C0  }
0x14a: {  	_ =	swait.ge [sflag:s11], $0x7D0  }
0x14b: {  	s14 =	simm.s32 $0x2000;
	s15 =	simm.s32 $0x4000;
	[sflag:s11] =	ssyncset.done $0x0  }
.LBB2_8:
0x14c: {  	s16 =	sshra.s32 s14, $0x2  }
0x14d: {  	[sflag:s11] =	ssyncadd.s32 $0xFFFFF830;
	s14 =	smov.u32 s15;
	s17 =	sadd.s32 $0x2000, s15  }
0x14e: {  	[tilespmem:s28], [sflag:$0x1] =	stream.indirect.gather [spmem:s2], $0x40, s16, s1, $0xb8;
	[tilespmem:$0x1FF60] =	vst v63  }
0x14f: {  	p1 =	sne.s32 s15, $0x8000;
	s15 =	sadd.s32 $0x80, s16  }
0x150: {  	[tilespmem:s31], [sflag:$0x2] =	stream.indirect.gather [spmem:s2], $0x40, s15, s1, $0xb8;
	[tilespmem:$0x1FF60] =	vst v63  }
0x151: {  	_ =	swait.ge [sflag:s5], $0x1F40  }
0x152: {  	[sflag:s5] =	ssyncset.done $0x0  }
0x153: {  	s15 =	sadd.s32 $0x2800, s16;
	[sflag:s5] =	ssyncadd.s32 $0xFFFFE0C0  }
0x154: {  	[spmem:s3] =	stream.indirect.scatter.add.bf16 [tilespmem:s28], [sflag:$0x3], $0x40, s15, s1, $0xb8;
	[tilespmem:$0x1FF60] =	vst v63  }
0x155: {  	_ = 	snop  }
0x156: {  	[spmem:s4] =	stream.indirect.scatter.add.bf16 [tilespmem:s6], [sflag:$0x3], $0x10, s15, s1, $0xb8;
	[tilespmem:$0x1FF60] =	vst v63  }
0x157: {  	_ =	swait.ge [sflag:s7], $0x1F40  }
0x158: {  	[sflag:s7] =	ssyncset.done $0x0  }
0x159: {  	[sflag:s7] =	ssyncadd.s32 $0xFFFFE0C0  }
0x15a: {  	_ =	swait.ge [sflag:s7], $0x7D0  }
0x15b: {  	[sflag:s7] =	ssyncset.done $0x0  }
0x15c: {  	s15 =	sadd.s32 $0x100, s16;
	[sflag:s7] =	ssyncadd.s32 $0xFFFFF830  }
0x15d: {  	[tilespmem:s28], [sflag:$0x1] =	stream.indirect.gather [spmem:s2], $0x40, s15, s1, $0xb8;
	[tilespmem:$0x1FF60] =	vst v63  }
0x15e: {  	_ =	swait.ge [sflag:s10], $0x1F40  }
0x15f: {  	[sflag:s10] =	ssyncset.done $0x0  }
0x160: {  	s15 =	sadd.s32 $0x2880, s16;
	[sflag:s10] =	ssyncadd.s32 $0xFFFFE0C0  }
0x161: {  	[spmem:s3] =	stream.indirect.scatter.add.bf16 [tilespmem:s31], [sflag:$0x4], $0x40, s15, s1, $0xb8;
	[tilespmem:$0x1FF60] =	vst v63  }
0x162: {  	_ = 	snop  }
0x163: {  	[spmem:s4] =	stream.indirect.scatter.add.bf16 [tilespmem:s6], [sflag:$0x4], $0x10, s15, s1, $0xb8;
	[tilespmem:$0x1FF60] =	vst v63  }
0x164: {  	_ =	swait.ge [sflag:s11], $0x1F40  }
0x165: {  	[sflag:s11] =	ssyncset.done $0x0  }
0x166: {  	[sflag:s11] =	ssyncadd.s32 $0xFFFFE0C0  }
0x167: {  	_ =	swait.ge [sflag:s11], $0x7D0  }
0x168: {  	[sflag:s11] =	ssyncset.done $0x0  }
0x169: {  	s15 =	sadd.s32 $0x180, s16;
	[sflag:s11] =	ssyncadd.s32 $0xFFFFF830  }
0x16a: {  	[tilespmem:s31], [sflag:$0x2] =	stream.indirect.gather [spmem:s2], $0x40, s15, s1, $0xb8;
	[tilespmem:$0x1FF60] =	vst v63  }
0x16b: {  	_ =	swait.ge [sflag:s5], $0x1F40  }
0x16c: {  	[sflag:s5] =	ssyncset.done $0x0  }
0x16d: {  	s15 =	sadd.s32 $0x2900, s16;
	[sflag:s5] =	ssyncadd.s32 $0xFFFFE0C0  }
0x16e: {  	[spmem:s3] =	stream.indirect.scatter.add.bf16 [tilespmem:s28], [sflag:$0x3], $0x40, s15, s1, $0xb8;
	[tilespmem:$0x1FF60] =	vst v63  }
0x16f: {  	_ = 	snop  }
0x170: {  	[spmem:s4] =	stream.indirect.scatter.add.bf16 [tilespmem:s6], [sflag:$0x3], $0x10, s15, s1, $0xb8;
	[tilespmem:$0x1FF60] =	vst v63  }
0x171: {  	_ =	swait.ge [sflag:s7], $0x1F40  }
0x172: {  	[sflag:s7] =	ssyncset.done $0x0  }
0x173: {  	[sflag:s7] =	ssyncadd.s32 $0xFFFFE0C0  }
0x174: {  	_ =	swait.ge [sflag:s7], $0x7D0  }
0x175: {  	[sflag:s7] =	ssyncset.done $0x0  }
0x176: {  	s15 =	sadd.s32 $0x200, s16;
	[sflag:s7] =	ssyncadd.s32 $0xFFFFF830  }
0x177: {  	[tilespmem:s28], [sflag:$0x1] =	stream.indirect.gather [spmem:s2], $0x40, s15, s1, $0xb8;
	[tilespmem:$0x1FF60] =	vst v63  }
0x178: {  	_ =	swait.ge [sflag:s10], $0x1F40  }
0x179: {  	[sflag:s10] =	ssyncset.done $0x0  }
0x17a: {  	s15 =	sadd.s32 $0x2980, s16;
	[sflag:s10] =	ssyncadd.s32 $0xFFFFE0C0  }
0x17b: {  	[spmem:s3] =	stream.indirect.scatter.add.bf16 [tilespmem:s31], [sflag:$0x4], $0x40, s15, s1, $0xb8;
	[tilespmem:$0x1FF60] =	vst v63  }
0x17c: {  	_ = 	snop  }
0x17d: {  	[spmem:s4] =	stream.indirect.scatter.add.bf16 [tilespmem:s6], [sflag:$0x4], $0x10, s15, s1, $0xb8;
	[tilespmem:$0x1FF60] =	vst v63  }
0x17e: {  	_ =	swait.ge [sflag:s11], $0x1F40  }
0x17f: {  	[sflag:s11] =	ssyncset.done $0x0  }
0x180: {  	[sflag:s11] =	ssyncadd.s32 $0xFFFFE0C0  }
0x181: {  	_ =	swait.ge [sflag:s11], $0x7D0  }
0x182: {  	[sflag:s11] =	ssyncset.done $0x0  }
0x183: {  	s15 =	sadd.s32 $0x280, s16;
	[sflag:s11] =	ssyncadd.s32 $0xFFFFF830  }
0x184: {  	[tilespmem:s31], [sflag:$0x2] =	stream.indirect.gather [spmem:s2], $0x40, s15, s1, $0xb8;
	[tilespmem:$0x1FF60] =	vst v63  }
0x185: {  	_ =	swait.ge [sflag:s5], $0x1F40  }
0x186: {  	[sflag:s5] =	ssyncset.done $0x0  }
0x187: {  	s15 =	sadd.s32 $0x2A00, s16;
	[sflag:s5] =	ssyncadd.s32 $0xFFFFE0C0  }
0x188: {  	[spmem:s3] =	stream.indirect.scatter.add.bf16 [tilespmem:s28], [sflag:$0x3], $0x40, s15, s1, $0xb8;
	[tilespmem:$0x1FF60] =	vst v63  }
0x189: {  	_ = 	snop  }
0x18a: {  	[spmem:s4] =	stream.indirect.scatter.add.bf16 [tilespmem:s6], [sflag:$0x3], $0x10, s15, s1, $0xb8;
	[tilespmem:$0x1FF60] =	vst v63  }
0x18b: {  	_ =	swait.ge [sflag:s7], $0x1F40  }
0x18c: {  	[sflag:s7] =	ssyncset.done $0x0  }
0x18d: {  	[sflag:s7] =	ssyncadd.s32 $0xFFFFE0C0  }
0x18e: {  	_ =	swait.ge [sflag:s7], $0x7D0  }
0x18f: {  	[sflag:s7] =	ssyncset.done $0x0  }
0x190: {  	s15 =	sadd.s32 $0x300, s16;
	[sflag:s7] =	ssyncadd.s32 $0xFFFFF830  }
0x191: {  	[tilespmem:s28], [sflag:$0x1] =	stream.indirect.gather [spmem:s2], $0x40, s15, s1, $0xb8;
	[tilespmem:$0x1FF60] =	vst v63  }
0x192: {  	_ =	swait.ge [sflag:s10], $0x1F40  }
0x193: {  	[sflag:s10] =	ssyncset.done $0x0  }
0x194: {  	s15 =	sadd.s32 $0x2A80, s16;
	[sflag:s10] =	ssyncadd.s32 $0xFFFFE0C0  }
0x195: {  	[spmem:s3] =	stream.indirect.scatter.add.bf16 [tilespmem:s31], [sflag:$0x4], $0x40, s15, s1, $0xb8;
	[tilespmem:$0x1FF60] =	vst v63  }
0x196: {  	_ = 	snop  }
0x197: {  	[spmem:s4] =	stream.indirect.scatter.add.bf16 [tilespmem:s6], [sflag:$0x4], $0x10, s15, s1, $0xb8;
	[tilespmem:$0x1FF60] =	vst v63  }
0x198: {  	_ =	swait.ge [sflag:s11], $0x1F40  }
0x199: {  	[sflag:s11] =	ssyncset.done $0x0  }
0x19a: {  	[sflag:s11] =	ssyncadd.s32 $0xFFFFE0C0  }
0x19b: {  	_ =	swait.ge [sflag:s11], $0x7D0  }
0x19c: {  	[sflag:s11] =	ssyncset.done $0x0  }
0x19d: {  	s15 =	sadd.s32 $0x380, s16;
	[sflag:s11] =	ssyncadd.s32 $0xFFFFF830  }
0x19e: {  	[tilespmem:s31], [sflag:$0x2] =	stream.indirect.gather [spmem:s2], $0x40, s15, s1, $0xb8;
	[tilespmem:$0x1FF60] =	vst v63  }
0x19f: {  	_ =	swait.ge [sflag:s5], $0x1F40  }
0x1a0: {  	[sflag:s5] =	ssyncset.done $0x0  }
0x1a1: {  	s15 =	sadd.s32 $0x2B00, s16;
	[sflag:s5] =	ssyncadd.s32 $0xFFFFE0C0  }
0x1a2: {  	[spmem:s3] =	stream.indirect.scatter.add.bf16 [tilespmem:s28], [sflag:$0x3], $0x40, s15, s1, $0xb8;
	[tilespmem:$0x1FF60] =	vst v63  }
0x1a3: {  	_ = 	snop  }
0x1a4: {  	[spmem:s4] =	stream.indirect.scatter.add.bf16 [tilespmem:s6], [sflag:$0x3], $0x10, s15, s1, $0xb8;
	[tilespmem:$0x1FF60] =	vst v63  }
0x1a5: {  	_ =	swait.ge [sflag:s7], $0x1F40  }
0x1a6: {  	[sflag:s7] =	ssyncset.done $0x0  }
0x1a7: {  	[sflag:s7] =	ssyncadd.s32 $0xFFFFE0C0  }
0x1a8: {  	_ =	swait.ge [sflag:s7], $0x7D0  }
0x1a9: {  	[sflag:s7] =	ssyncset.done $0x0  }
0x1aa: {  	s15 =	sadd.s32 $0x400, s16;
	[sflag:s7] =	ssyncadd.s32 $0xFFFFF830  }
0x1ab: {  	[tilespmem:s28], [sflag:$0x1] =	stream.indirect.gather [spmem:s2], $0x40, s15, s1, $0xb8;
	[tilespmem:$0x1FF60] =	vst v63  }
0x1ac: {  	_ =	swait.ge [sflag:s10], $0x1F40  }
0x1ad: {  	[sflag:s10] =	ssyncset.done $0x0  }
0x1ae: {  	s15 =	sadd.s32 $0x2B80, s16;
	[sflag:s10] =	ssyncadd.s32 $0xFFFFE0C0  }
0x1af: {  	[spmem:s3] =	stream.indirect.scatter.add.bf16 [tilespmem:s31], [sflag:$0x4], $0x40, s15, s1, $0xb8;
	[tilespmem:$0x1FF60] =	vst v63  }
0x1b0: {  	_ = 	snop  }
0x1b1: {  	[spmem:s4] =	stream.indirect.scatter.add.bf16 [tilespmem:s6], [sflag:$0x4], $0x10, s15, s1, $0xb8;
	[tilespmem:$0x1FF60] =	vst v63  }
0x1b2: {  	_ =	swait.ge [sflag:s11], $0x1F40  }
0x1b3: {  	[sflag:s11] =	ssyncset.done $0x0  }
0x1b4: {  	[sflag:s11] =	ssyncadd.s32 $0xFFFFE0C0  }
0x1b5: {  	_ =	swait.ge [sflag:s11], $0x7D0  }
0x1b6: {  	[sflag:s11] =	ssyncset.done $0x0  }
0x1b7: {  	s15 =	sadd.s32 $0x480, s16;
	[sflag:s11] =	ssyncadd.s32 $0xFFFFF830  }
0x1b8: {  	[tilespmem:s31], [sflag:$0x2] =	stream.indirect.gather [spmem:s2], $0x40, s15, s1, $0xb8;
	[tilespmem:$0x1FF60] =	vst v63  }
0x1b9: {  	_ =	swait.ge [sflag:s5], $0x1F40  }
0x1ba: {  	[sflag:s5] =	ssyncset.done $0x0  }
0x1bb: {  	s15 =	sadd.s32 $0x2C00, s16;
	[sflag:s5] =	ssyncadd.s32 $0xFFFFE0C0  }
0x1bc: {  	[spmem:s3] =	stream.indirect.scatter.add.bf16 [tilespmem:s28], [sflag:$0x3], $0x40, s15, s1, $0xb8;
	[tilespmem:$0x1FF60] =	vst v63  }
0x1bd: {  	_ = 	snop  }
0x1be: {  	[spmem:s4] =	stream.indirect.scatter.add.bf16 [tilespmem:s6], [sflag:$0x3], $0x10, s15, s1, $0xb8;
	[tilespmem:$0x1FF60] =	vst v63  }
0x1bf: {  	_ =	swait.ge [sflag:s7], $0x1F40  }
0x1c0: {  	[sflag:s7] =	ssyncset.done $0x0  }
0x1c1: {  	[sflag:s7] =	ssyncadd.s32 $0xFFFFE0C0  }
0x1c2: {  	_ =	swait.ge [sflag:s7], $0x7D0  }
0x1c3: {  	[sflag:s7] =	ssyncset.done $0x0  }
0x1c4: {  	s15 =	sadd.s32 $0x500, s16;
	[sflag:s7] =	ssyncadd.s32 $0xFFFFF830  }
0x1c5: {  	[tilespmem:s28], [sflag:$0x1] =	stream.indirect.gather [spmem:s2], $0x40, s15, s1, $0xb8;
	[tilespmem:$0x1FF60] =	vst v63  }
0x1c6: {  	_ =	swait.ge [sflag:s10], $0x1F40  }
0x1c7: {  	[sflag:s10] =	ssyncset.done $0x0  }
0x1c8: {  	s15 =	sadd.s32 $0x2C80, s16;
	[sflag:s10] =	ssyncadd.s32 $0xFFFFE0C0  }
0x1c9: {  	[spmem:s3] =	stream.indirect.scatter.add.bf16 [tilespmem:s31], [sflag:$0x4], $0x40, s15, s1, $0xb8;
	[tilespmem:$0x1FF60] =	vst v63  }
0x1ca: {  	_ = 	snop  }
0x1cb: {  	[spmem:s4] =	stream.indirect.scatter.add.bf16 [tilespmem:s6], [sflag:$0x4], $0x10, s15, s1, $0xb8;
	[tilespmem:$0x1FF60] =	vst v63  }
0x1cc: {  	_ =	swait.ge [sflag:s11], $0x1F40  }
0x1cd: {  	[sflag:s11] =	ssyncset.done $0x0  }
0x1ce: {  	[sflag:s11] =	ssyncadd.s32 $0xFFFFE0C0  }
0x1cf: {  	_ =	swait.ge [sflag:s11], $0x7D0  }
0x1d0: {  	[sflag:s11] =	ssyncset.done $0x0  }
0x1d1: {  	s15 =	sadd.s32 $0x580, s16;
	[sflag:s11] =	ssyncadd.s32 $0xFFFFF830  }
0x1d2: {  	[tilespmem:s31], [sflag:$0x2] =	stream.indirect.gather [spmem:s2], $0x40, s15, s1, $0xb8;
	[tilespmem:$0x1FF60] =	vst v63  }
0x1d3: {  	_ =	swait.ge [sflag:s5], $0x1F40  }
0x1d4: {  	[sflag:s5] =	ssyncset.done $0x0  }
0x1d5: {  	s15 =	sadd.s32 $0x2D00, s16;
	[sflag:s5] =	ssyncadd.s32 $0xFFFFE0C0  }
0x1d6: {  	[spmem:s3] =	stream.indirect.scatter.add.bf16 [tilespmem:s28], [sflag:$0x3], $0x40, s15, s1, $0xb8;
	[tilespmem:$0x1FF60] =	vst v63  }
0x1d7: {  	_ = 	snop  }
0x1d8: {  	[spmem:s4] =	stream.indirect.scatter.add.bf16 [tilespmem:s6], [sflag:$0x3], $0x10, s15, s1, $0xb8;
	[tilespmem:$0x1FF60] =	vst v63  }
0x1d9: {  	_ =	swait.ge [sflag:s7], $0x1F40  }
0x1da: {  	[sflag:s7] =	ssyncset.done $0x0  }
0x1db: {  	[sflag:s7] =	ssyncadd.s32 $0xFFFFE0C0  }
0x1dc: {  	_ =	swait.ge [sflag:s7], $0x7D0  }
0x1dd: {  	[sflag:s7] =	ssyncset.done $0x0  }
0x1de: {  	s15 =	sadd.s32 $0x600, s16;
	[sflag:s7] =	ssyncadd.s32 $0xFFFFF830  }
0x1df: {  	[tilespmem:s28], [sflag:$0x1] =	stream.indirect.gather [spmem:s2], $0x40, s15, s1, $0xb8;
	[tilespmem:$0x1FF60] =	vst v63  }
0x1e0: {  	_ =	swait.ge [sflag:s10], $0x1F40  }
0x1e1: {  	[sflag:s10] =	ssyncset.done $0x0  }
0x1e2: {  	s15 =	sadd.s32 $0x2D80, s16;
	[sflag:s10] =	ssyncadd.s32 $0xFFFFE0C0  }
0x1e3: {  	[spmem:s3] =	stream.indirect.scatter.add.bf16 [tilespmem:s31], [sflag:$0x4], $0x40, s15, s1, $0xb8;
	[tilespmem:$0x1FF60] =	vst v63  }
0x1e4: {  	_ = 	snop  }
0x1e5: {  	[spmem:s4] =	stream.indirect.scatter.add.bf16 [tilespmem:s6], [sflag:$0x4], $0x10, s15, s1, $0xb8;
	[tilespmem:$0x1FF60] =	vst v63  }
0x1e6: {  	_ =	swait.ge [sflag:s11], $0x1F40  }
0x1e7: {  	[sflag:s11] =	ssyncset.done $0x0  }
0x1e8: {  	[sflag:s11] =	ssyncadd.s32 $0xFFFFE0C0  }
0x1e9: {  	_ =	swait.ge [sflag:s11], $0x7D0  }
0x1ea: {  	[sflag:s11] =	ssyncset.done $0x0  }
0x1eb: {  	s15 =	sadd.s32 $0x680, s16;
	[sflag:s11] =	ssyncadd.s32 $0xFFFFF830  }
0x1ec: {  	[tilespmem:s31], [sflag:$0x2] =	stream.indirect.gather [spmem:s2], $0x40, s15, s1, $0xb8;
	[tilespmem:$0x1FF60] =	vst v63  }
0x1ed: {  	_ =	swait.ge [sflag:s5], $0x1F40  }
0x1ee: {  	[sflag:s5] =	ssyncset.done $0x0  }
0x1ef: {  	s15 =	sadd.s32 $0x2E00, s16;
	[sflag:s5] =	ssyncadd.s32 $0xFFFFE0C0  }
0x1f0: {  	[spmem:s3] =	stream.indirect.scatter.add.bf16 [tilespmem:s28], [sflag:$0x3], $0x40, s15, s1, $0xb8;
	[tilespmem:$0x1FF60] =	vst v63  }
0x1f1: {  	_ = 	snop  }
0x1f2: {  	[spmem:s4] =	stream.indirect.scatter.add.bf16 [tilespmem:s6], [sflag:$0x3], $0x10, s15, s1, $0xb8;
	[tilespmem:$0x1FF60] =	vst v63  }
0x1f3: {  	_ =	swait.ge [sflag:s7], $0x1F40  }
0x1f4: {  	[sflag:s7] =	ssyncset.done $0x0  }
0x1f5: {  	[sflag:s7] =	ssyncadd.s32 $0xFFFFE0C0  }
0x1f6: {  	_ =	swait.ge [sflag:s7], $0x7D0  }
0x1f7: {  	[sflag:s7] =	ssyncset.done $0x0  }
0x1f8: {  	s15 =	sadd.s32 $0x700, s16;
	[sflag:s7] =	ssyncadd.s32 $0xFFFFF830  }
0x1f9: {  	[tilespmem:s28], [sflag:$0x1] =	stream.indirect.gather [spmem:s2], $0x40, s15, s1, $0xb8;
	[tilespmem:$0x1FF60] =	vst v63  }
0x1fa: {  	_ =	swait.ge [sflag:s10], $0x1F40  }
0x1fb: {  	[sflag:s10] =	ssyncset.done $0x0  }
0x1fc: {  	s15 =	sadd.s32 $0x2E80, s16;
	[sflag:s10] =	ssyncadd.s32 $0xFFFFE0C0  }
0x1fd: {  	[spmem:s3] =	stream.indirect.scatter.add.bf16 [tilespmem:s31], [sflag:$0x4], $0x40, s15, s1, $0xb8;
	[tilespmem:$0x1FF60] =	vst v63  }
0x1fe: {  	_ = 	snop  }
0x1ff: {  	[spmem:s4] =	stream.indirect.scatter.add.bf16 [tilespmem:s6], [sflag:$0x4], $0x10, s15, s1, $0xb8;
	[tilespmem:$0x1FF60] =	vst v63  }
0x200: {  	_ =	swait.ge [sflag:s11], $0x1F40  }
0x201: {  	[sflag:s11] =	ssyncset.done $0x0  }
0x202: {  	[sflag:s11] =	ssyncadd.s32 $0xFFFFE0C0  }
0x203: {  	_ =	swait.ge [sflag:s11], $0x7D0  }
0x204: {  	[sflag:s11] =	ssyncset.done $0x0  }
0x205: {  	s15 =	sadd.s32 $0x780, s16;
	[sflag:s11] =	ssyncadd.s32 $0xFFFFF830  }
0x206: {  	[tilespmem:s31], [sflag:$0x2] =	stream.indirect.gather [spmem:s2], $0x40, s15, s1, $0xb8;
	[tilespmem:$0x1FF60] =	vst v63  }
0x207: {  	_ =	swait.ge [sflag:s5], $0x1F40  }
0x208: {  	[sflag:s5] =	ssyncset.done $0x0  }
0x209: {  	s15 =	sadd.s32 $0x2F00, s16;
	[sflag:s5] =	ssyncadd.s32 $0xFFFFE0C0  }
0x20a: {  	[spmem:s3] =	stream.indirect.scatter.add.bf16 [tilespmem:s28], [sflag:$0x3], $0x40, s15, s1, $0xb8;
	[tilespmem:$0x1FF60] =	vst v63  }
0x20b: {  	_ = 	snop  }
0x20c: {  	[spmem:s4] =	stream.indirect.scatter.add.bf16 [tilespmem:s6], [sflag:$0x3], $0x10, s15, s1, $0xb8;
	[tilespmem:$0x1FF60] =	vst v63  }
0x20d: {  	_ =	swait.ge [sflag:s10], $0x1F40  }
0x20e: {  	[sflag:s10] =	ssyncset.done $0x0  }
0x20f: {  	s15 =	sadd.s32 $0x2F80, s16;
	[sflag:s10] =	ssyncadd.s32 $0xFFFFE0C0  }
0x210: {  	[spmem:s3] =	stream.indirect.scatter.add.bf16 [tilespmem:s31], [sflag:$0x4], $0x40, s15, s1, $0xb8;
	[tilespmem:$0x1FF60] =	vst v63  }
0x211: {  	_ = 	snop  }
0x212: {  	[spmem:s4] =	stream.indirect.scatter.add.bf16 [tilespmem:s6], [sflag:$0x4], $0x10, s15, s1, $0xb8;
	[tilespmem:$0x1FF60] =	vst v63  }
0x213: {  	_ =	swait.ge [sflag:s7], $0x1F40  }
0x214: {  	[sflag:s7] =	ssyncset.done $0x0  }
0x215: {  	[sflag:s7] =	ssyncadd.s32 $0xFFFFE0C0  }
0x216: {  	_ =	swait.ge [sflag:s7], $0x7D0  }
0x217: {  	[sflag:s7] =	ssyncset.done $0x0  }
0x218: {  	[sflag:s7] =	ssyncadd.s32 $0xFFFFF830  }
.Ltmp3:
0x219: {  	_ =	swait.ge [sflag:s11], $0x1F40;
	(pc) =	sbr.rel @p1 .LBB2_8-.Ltmp3, $4  }
0x21a: {  	[sflag:s11] =	ssyncset.done $0x0  }
0x21b: {  	[sflag:s11] =	ssyncadd.s32 $0xFFFFE0C0  }
0x21c: {  	_ =	swait.ge [sflag:s11], $0x7D0  }
0x21d: {  	s15 =	smov.u32 s17;
	[sflag:s11] =	ssyncset.done $0x0  }
0x21e: {  	s14 =	sshra.s32 s14, $0x2;
	[sflag:s11] =	ssyncadd.s32 $0xFFFFF830  }
0x21f: {  	[tilespmem:s28], [sflag:$0x1] =	stream.indirect.gather [spmem:s2], $0x40, s14, s1, $0xb8;
	[tilespmem:$0x1FF60] =	vst v63  }
0x220: {  	s15 =	sadd.s32 $0x80, s14  }
0x221: {  	[tilespmem:s31], [sflag:$0x2] =	stream.indirect.gather [spmem:s2], $0x40, s15, s1, $0xb8;
	[tilespmem:$0x1FF60] =	vst v63  }
0x222: {  	_ =	swait.ge [sflag:s5], $0x1F40  }
0x223: {  	[sflag:s5] =	ssyncset.done $0x0  }
0x224: {  	s17 =	sadd.s32 $0x2800, s14;
	[sflag:s5] =	ssyncadd.s32 $0xFFFFE0C0  }
0x225: {  	[spmem:s3] =	stream.indirect.scatter.add.bf16 [tilespmem:s28], [sflag:$0x3], $0x40, s17, s1, $0xb8;
	[tilespmem:$0x1FF60] =	vst v63  }
0x226: {  	_ = 	snop  }
0x227: {  	[spmem:s4] =	stream.indirect.scatter.add.bf16 [tilespmem:s6], [sflag:$0x3], $0x10, s17, s1, $0xb8;
	[tilespmem:$0x1FF60] =	vst v63  }
0x228: {  	_ =	swait.ge [sflag:s7], $0x1F40  }
0x229: {  	[sflag:s7] =	ssyncset.done $0x0  }
0x22a: {  	[sflag:s7] =	ssyncadd.s32 $0xFFFFE0C0  }
0x22b: {  	_ =	swait.ge [sflag:s7], $0x7D0  }
0x22c: {  	[sflag:s7] =	ssyncset.done $0x0  }
0x22d: {  	s16 =	sadd.s32 $0x100, s14;
	[sflag:s7] =	ssyncadd.s32 $0xFFFFF830  }
0x22e: {  	[tilespmem:s28], [sflag:$0x1] =	stream.indirect.gather [spmem:s2], $0x40, s16, s1, $0xb8;
	[tilespmem:$0x1FF60] =	vst v63  }
0x22f: {  	_ =	swait.ge [sflag:s10], $0x1F40  }
0x230: {  	[sflag:s10] =	ssyncset.done $0x0  }
0x231: {  	s17 =	sadd.s32 $0x2880, s14;
	[sflag:s10] =	ssyncadd.s32 $0xFFFFE0C0  }
0x232: {  	[spmem:s3] =	stream.indirect.scatter.add.bf16 [tilespmem:s31], [sflag:$0x4], $0x40, s17, s1, $0xb8;
	[tilespmem:$0x1FF60] =	vst v63  }
0x233: {  	_ = 	snop  }
0x234: {  	[spmem:s4] =	stream.indirect.scatter.add.bf16 [tilespmem:s6], [sflag:$0x4], $0x10, s17, s1, $0xb8;
	[tilespmem:$0x1FF60] =	vst v63  }
0x235: {  	_ =	swait.ge [sflag:s11], $0x1F40  }
0x236: {  	[sflag:s11] =	ssyncset.done $0x0  }
0x237: {  	[sflag:s11] =	ssyncadd.s32 $0xFFFFE0C0  }
0x238: {  	_ =	swait.ge [sflag:s11], $0x7D0  }
0x239: {  	[sflag:s11] =	ssyncset.done $0x0  }
0x23a: {  	s16 =	sadd.s32 $0x180, s14;
	[sflag:s11] =	ssyncadd.s32 $0xFFFFF830  }
0x23b: {  	[tilespmem:s31], [sflag:$0x2] =	stream.indirect.gather [spmem:s2], $0x40, s16, s1, $0xb8;
	[tilespmem:$0x1FF60] =	vst v63  }
0x23c: {  	_ =	swait.ge [sflag:s5], $0x1F40  }
0x23d: {  	[sflag:s5] =	ssyncset.done $0x0  }
0x23e: {  	s17 =	sadd.s32 $0x2900, s14;
	[sflag:s5] =	ssyncadd.s32 $0xFFFFE0C0  }
0x23f: {  	[spmem:s3] =	stream.indirect.scatter.add.bf16 [tilespmem:s28], [sflag:$0x3], $0x40, s17, s1, $0xb8;
	[tilespmem:$0x1FF60] =	vst v63  }
0x240: {  	_ = 	snop  }
0x241: {  	[spmem:s4] =	stream.indirect.scatter.add.bf16 [tilespmem:s6], [sflag:$0x3], $0x10, s17, s1, $0xb8;
	[tilespmem:$0x1FF60] =	vst v63  }
0x242: {  	_ =	swait.ge [sflag:s7], $0x1F40  }
0x243: {  	[sflag:s7] =	ssyncset.done $0x0  }
0x244: {  	[sflag:s7] =	ssyncadd.s32 $0xFFFFE0C0  }
0x245: {  	_ =	swait.ge [sflag:s7], $0x7D0  }
0x246: {  	[sflag:s7] =	ssyncset.done $0x0  }
0x247: {  	s16 =	sadd.s32 $0x200, s14;
	[sflag:s7] =	ssyncadd.s32 $0xFFFFF830  }
0x248: {  	[tilespmem:s28], [sflag:$0x1] =	stream.indirect.gather [spmem:s2], $0x40, s16, s1, $0xb8;
	[tilespmem:$0x1FF60] =	vst v63  }
0x249: {  	_ =	swait.ge [sflag:s10], $0x1F40  }
0x24a: {  	[sflag:s10] =	ssyncset.done $0x0  }
0x24b: {  	s17 =	sadd.s32 $0x2980, s14;
	[sflag:s10] =	ssyncadd.s32 $0xFFFFE0C0  }
0x24c: {  	[spmem:s3] =	stream.indirect.scatter.add.bf16 [tilespmem:s31], [sflag:$0x4], $0x40, s17, s1, $0xb8;
	[tilespmem:$0x1FF60] =	vst v63  }
0x24d: {  	_ = 	snop  }
0x24e: {  	[spmem:s4] =	stream.indirect.scatter.add.bf16 [tilespmem:s6], [sflag:$0x4], $0x10, s17, s1, $0xb8;
	[tilespmem:$0x1FF60] =	vst v63  }
0x24f: {  	_ =	swait.ge [sflag:s11], $0x1F40  }
0x250: {  	[sflag:s11] =	ssyncset.done $0x0  }
0x251: {  	[sflag:s11] =	ssyncadd.s32 $0xFFFFE0C0  }
0x252: {  	_ =	swait.ge [sflag:s11], $0x7D0  }
0x253: {  	[sflag:s11] =	ssyncset.done $0x0  }
0x254: {  	s16 =	sadd.s32 $0x280, s14;
	[sflag:s11] =	ssyncadd.s32 $0xFFFFF830  }
0x255: {  	[tilespmem:s31], [sflag:$0x2] =	stream.indirect.gather [spmem:s2], $0x40, s16, s1, $0xb8;
	[tilespmem:$0x1FF60] =	vst v63  }
0x256: {  	_ =	swait.ge [sflag:s5], $0x1F40  }
0x257: {  	[sflag:s5] =	ssyncset.done $0x0  }
0x258: {  	s17 =	sadd.s32 $0x2A00, s14;
	[sflag:s5] =	ssyncadd.s32 $0xFFFFE0C0  }
0x259: {  	[spmem:s3] =	stream.indirect.scatter.add.bf16 [tilespmem:s28], [sflag:$0x3], $0x40, s17, s1, $0xb8;
	[tilespmem:$0x1FF60] =	vst v63  }
0x25a: {  	_ = 	snop  }
0x25b: {  	[spmem:s4] =	stream.indirect.scatter.add.bf16 [tilespmem:s6], [sflag:$0x3], $0x10, s17, s1, $0xb8;
	[tilespmem:$0x1FF60] =	vst v63  }
0x25c: {  	_ =	swait.ge [sflag:s7], $0x1F40  }
0x25d: {  	[sflag:s7] =	ssyncset.done $0x0  }
0x25e: {  	[sflag:s7] =	ssyncadd.s32 $0xFFFFE0C0  }
0x25f: {  	_ =	swait.ge [sflag:s7], $0x7D0  }
0x260: {  	[sflag:s7] =	ssyncset.done $0x0  }
0x261: {  	s16 =	sadd.s32 $0x300, s14;
	[sflag:s7] =	ssyncadd.s32 $0xFFFFF830  }
0x262: {  	[tilespmem:s28], [sflag:$0x1] =	stream.indirect.gather [spmem:s2], $0x40, s16, s1, $0xb8;
	[tilespmem:$0x1FF60] =	vst v63  }
0x263: {  	_ =	swait.ge [sflag:s10], $0x1F40  }
0x264: {  	[sflag:s10] =	ssyncset.done $0x0  }
0x265: {  	s17 =	sadd.s32 $0x2A80, s14;
	[sflag:s10] =	ssyncadd.s32 $0xFFFFE0C0  }
0x266: {  	[spmem:s3] =	stream.indirect.scatter.add.bf16 [tilespmem:s31], [sflag:$0x4], $0x40, s17, s1, $0xb8;
	[tilespmem:$0x1FF60] =	vst v63  }
0x267: {  	_ = 	snop  }
0x268: {  	[spmem:s4] =	stream.indirect.scatter.add.bf16 [tilespmem:s6], [sflag:$0x4], $0x10, s17, s1, $0xb8;
	[tilespmem:$0x1FF60] =	vst v63  }
0x269: {  	_ =	swait.ge [sflag:s11], $0x1F40  }
0x26a: {  	[sflag:s11] =	ssyncset.done $0x0  }
0x26b: {  	[sflag:s11] =	ssyncadd.s32 $0xFFFFE0C0  }
0x26c: {  	_ =	swait.ge [sflag:s11], $0x7D0  }
0x26d: {  	[sflag:s11] =	ssyncset.done $0x0  }
0x26e: {  	s16 =	sadd.s32 $0x380, s14;
	[sflag:s11] =	ssyncadd.s32 $0xFFFFF830  }
0x26f: {  	[tilespmem:s31], [sflag:$0x2] =	stream.indirect.gather [spmem:s2], $0x40, s16, s1, $0xb8;
	[tilespmem:$0x1FF60] =	vst v63  }
0x270: {  	_ =	swait.ge [sflag:s5], $0x1F40  }
0x271: {  	[sflag:s5] =	ssyncset.done $0x0  }
0x272: {  	s17 =	sadd.s32 $0x2B00, s14;
	[sflag:s5] =	ssyncadd.s32 $0xFFFFE0C0  }
0x273: {  	[spmem:s3] =	stream.indirect.scatter.add.bf16 [tilespmem:s28], [sflag:$0x3], $0x40, s17, s1, $0xb8;
	[tilespmem:$0x1FF60] =	vst v63  }
0x274: {  	_ = 	snop  }
0x275: {  	[spmem:s4] =	stream.indirect.scatter.add.bf16 [tilespmem:s6], [sflag:$0x3], $0x10, s17, s1, $0xb8;
	[tilespmem:$0x1FF60] =	vst v63  }
0x276: {  	_ =	swait.ge [sflag:s7], $0x1F40  }
0x277: {  	[sflag:s7] =	ssyncset.done $0x0  }
0x278: {  	[sflag:s7] =	ssyncadd.s32 $0xFFFFE0C0  }
0x279: {  	_ =	swait.ge [sflag:s7], $0x7D0  }
0x27a: {  	[sflag:s7] =	ssyncset.done $0x0  }
0x27b: {  	s16 =	sadd.s32 $0x400, s14;
	[sflag:s7] =	ssyncadd.s32 $0xFFFFF830  }
0x27c: {  	[tilespmem:s28], [sflag:$0x1] =	stream.indirect.gather [spmem:s2], $0x40, s16, s1, $0xb8;
	[tilespmem:$0x1FF60] =	vst v63  }
0x27d: {  	_ =	swait.ge [sflag:s10], $0x1F40  }
0x27e: {  	[sflag:s10] =	ssyncset.done $0x0  }
0x27f: {  	s17 =	sadd.s32 $0x2B80, s14;
	[sflag:s10] =	ssyncadd.s32 $0xFFFFE0C0  }
0x280: {  	[spmem:s3] =	stream.indirect.scatter.add.bf16 [tilespmem:s31], [sflag:$0x4], $0x40, s17, s1, $0xb8;
	[tilespmem:$0x1FF60] =	vst v63  }
0x281: {  	_ = 	snop  }
0x282: {  	[spmem:s4] =	stream.indirect.scatter.add.bf16 [tilespmem:s6], [sflag:$0x4], $0x10, s17, s1, $0xb8;
	[tilespmem:$0x1FF60] =	vst v63  }
0x283: {  	_ =	swait.ge [sflag:s11], $0x1F40  }
0x284: {  	[sflag:s11] =	ssyncset.done $0x0  }
0x285: {  	[sflag:s11] =	ssyncadd.s32 $0xFFFFE0C0  }
0x286: {  	_ =	swait.ge [sflag:s11], $0x7D0  }
0x287: {  	[sflag:s11] =	ssyncset.done $0x0  }
0x288: {  	s16 =	sadd.s32 $0x480, s14;
	[sflag:s11] =	ssyncadd.s32 $0xFFFFF830  }
0x289: {  	[tilespmem:s31], [sflag:$0x2] =	stream.indirect.gather [spmem:s2], $0x40, s16, s1, $0xb8;
	[tilespmem:$0x1FF60] =	vst v63  }
0x28a: {  	_ =	swait.ge [sflag:s5], $0x1F40  }
0x28b: {  	[sflag:s5] =	ssyncset.done $0x0  }
0x28c: {  	s17 =	sadd.s32 $0x2C00, s14;
	[sflag:s5] =	ssyncadd.s32 $0xFFFFE0C0  }
0x28d: {  	[spmem:s3] =	stream.indirect.scatter.add.bf16 [tilespmem:s28], [sflag:$0x3], $0x40, s17, s1, $0xb8;
	[tilespmem:$0x1FF60] =	vst v63  }
0x28e: {  	_ = 	snop  }
0x28f: {  	[spmem:s4] =	stream.indirect.scatter.add.bf16 [tilespmem:s6], [sflag:$0x3], $0x10, s17, s1, $0xb8;
	[tilespmem:$0x1FF60] =	vst v63  }
0x290: {  	_ =	swait.ge [sflag:s7], $0x1F40  }
0x291: {  	[sflag:s7] =	ssyncset.done $0x0  }
0x292: {  	[sflag:s7] =	ssyncadd.s32 $0xFFFFE0C0  }
0x293: {  	_ =	swait.ge [sflag:s7], $0x7D0  }
0x294: {  	[sflag:s7] =	ssyncset.done $0x0  }
0x295: {  	s16 =	sadd.s32 $0x500, s14;
	[sflag:s7] =	ssyncadd.s32 $0xFFFFF830  }
0x296: {  	[tilespmem:s28], [sflag:$0x1] =	stream.indirect.gather [spmem:s2], $0x40, s16, s1, $0xb8;
	[tilespmem:$0x1FF60] =	vst v63  }
0x297: {  	_ =	swait.ge [sflag:s10], $0x1F40  }
0x298: {  	[sflag:s10] =	ssyncset.done $0x0  }
0x299: {  	s17 =	sadd.s32 $0x2C80, s14;
	[sflag:s10] =	ssyncadd.s32 $0xFFFFE0C0  }
0x29a: {  	[spmem:s3] =	stream.indirect.scatter.add.bf16 [tilespmem:s31], [sflag:$0x4], $0x40, s17, s1, $0xb8;
	[tilespmem:$0x1FF60] =	vst v63  }
0x29b: {  	_ = 	snop  }
0x29c: {  	[spmem:s4] =	stream.indirect.scatter.add.bf16 [tilespmem:s6], [sflag:$0x4], $0x10, s17, s1, $0xb8;
	[tilespmem:$0x1FF60] =	vst v63  }
0x29d: {  	_ =	swait.ge [sflag:s11], $0x1F40  }
0x29e: {  	[sflag:s11] =	ssyncset.done $0x0  }
0x29f: {  	[sflag:s11] =	ssyncadd.s32 $0xFFFFE0C0  }
0x2a0: {  	_ =	swait.ge [sflag:s11], $0x7D0  }
0x2a1: {  	[sflag:s11] =	ssyncset.done $0x0  }
0x2a2: {  	s16 =	sadd.s32 $0x580, s14;
	[sflag:s11] =	ssyncadd.s32 $0xFFFFF830  }
0x2a3: {  	[tilespmem:s31], [sflag:$0x2] =	stream.indirect.gather [spmem:s2], $0x40, s16, s1, $0xb8;
	[tilespmem:$0x1FF60] =	vst v63  }
0x2a4: {  	_ =	swait.ge [sflag:s5], $0x1F40  }
0x2a5: {  	[sflag:s5] =	ssyncset.done $0x0  }
0x2a6: {  	s17 =	sadd.s32 $0x2D00, s14;
	[sflag:s5] =	ssyncadd.s32 $0xFFFFE0C0  }
0x2a7: {  	[spmem:s3] =	stream.indirect.scatter.add.bf16 [tilespmem:s28], [sflag:$0x3], $0x40, s17, s1, $0xb8;
	[tilespmem:$0x1FF60] =	vst v63  }
0x2a8: {  	_ = 	snop  }
0x2a9: {  	[spmem:s4] =	stream.indirect.scatter.add.bf16 [tilespmem:s6], [sflag:$0x3], $0x10, s17, s1, $0xb8;
	[tilespmem:$0x1FF60] =	vst v63  }
0x2aa: {  	_ =	swait.ge [sflag:s7], $0x1F40  }
0x2ab: {  	[sflag:s7] =	ssyncset.done $0x0  }
0x2ac: {  	[sflag:s7] =	ssyncadd.s32 $0xFFFFE0C0  }
0x2ad: {  	_ =	swait.ge [sflag:s7], $0x7D0  }
0x2ae: {  	[sflag:s7] =	ssyncset.done $0x0  }
0x2af: {  	s16 =	sadd.s32 $0x600, s14;
	[sflag:s7] =	ssyncadd.s32 $0xFFFFF830  }
0x2b0: {  	[tilespmem:s28], [sflag:$0x1] =	stream.indirect.gather [spmem:s2], $0x40, s16, s1, $0xb8;
	[tilespmem:$0x1FF60] =	vst v63  }
0x2b1: {  	_ =	swait.ge [sflag:s10], $0x1F40  }
0x2b2: {  	[sflag:s10] =	ssyncset.done $0x0  }
0x2b3: {  	s17 =	sadd.s32 $0x2D80, s14;
	[sflag:s10] =	ssyncadd.s32 $0xFFFFE0C0  }
0x2b4: {  	[spmem:s3] =	stream.indirect.scatter.add.bf16 [tilespmem:s31], [sflag:$0x4], $0x40, s17, s1, $0xb8;
	[tilespmem:$0x1FF60] =	vst v63  }
0x2b5: {  	_ = 	snop  }
0x2b6: {  	[spmem:s4] =	stream.indirect.scatter.add.bf16 [tilespmem:s6], [sflag:$0x4], $0x10, s17, s1, $0xb8;
	[tilespmem:$0x1FF60] =	vst v63  }
0x2b7: {  	_ =	swait.ge [sflag:s11], $0x1F40  }
0x2b8: {  	[sflag:s11] =	ssyncset.done $0x0  }
0x2b9: {  	[sflag:s11] =	ssyncadd.s32 $0xFFFFE0C0  }
0x2ba: {  	_ =	swait.ge [sflag:s11], $0x7D0  }
0x2bb: {  	[sflag:s11] =	ssyncset.done $0x0  }
0x2bc: {  	s16 =	sadd.s32 $0x680, s14;
	[sflag:s11] =	ssyncadd.s32 $0xFFFFF830  }
0x2bd: {  	[tilespmem:s31], [sflag:$0x2] =	stream.indirect.gather [spmem:s2], $0x40, s16, s1, $0xb8;
	[tilespmem:$0x1FF60] =	vst v63  }
0x2be: {  	_ =	swait.ge [sflag:s5], $0x1F40  }
0x2bf: {  	[sflag:s5] =	ssyncset.done $0x0  }
0x2c0: {  	s17 =	sadd.s32 $0x2E00, s14;
	[sflag:s5] =	ssyncadd.s32 $0xFFFFE0C0  }
0x2c1: {  	[spmem:s3] =	stream.indirect.scatter.add.bf16 [tilespmem:s28], [sflag:$0x3], $0x40, s17, s1, $0xb8;
	[tilespmem:$0x1FF60] =	vst v63  }
0x2c2: {  	_ = 	snop  }
0x2c3: {  	[spmem:s4] =	stream.indirect.scatter.add.bf16 [tilespmem:s6], [sflag:$0x3], $0x10, s17, s1, $0xb8;
	[tilespmem:$0x1FF60] =	vst v63  }
0x2c4: {  	_ =	swait.ge [sflag:s7], $0x1F40  }
0x2c5: {  	[sflag:s7] =	ssyncset.done $0x0  }
0x2c6: {  	[sflag:s7] =	ssyncadd.s32 $0xFFFFE0C0  }
0x2c7: {  	_ =	swait.ge [sflag:s7], $0x7D0  }
0x2c8: {  	[sflag:s7] =	ssyncset.done $0x0  }
0x2c9: {  	s16 =	sadd.s32 $0x700, s14;
	[sflag:s7] =	ssyncadd.s32 $0xFFFFF830  }
0x2ca: {  	[tilespmem:s28], [sflag:$0x1] =	stream.indirect.gather [spmem:s2], $0x40, s16, s1, $0xb8;
	[tilespmem:$0x1FF60] =	vst v63  }
0x2cb: {  	_ =	swait.ge [sflag:s10], $0x1F40  }
0x2cc: {  	[sflag:s10] =	ssyncset.done $0x0  }
0x2cd: {  	s17 =	sadd.s32 $0x2E80, s14;
	[sflag:s10] =	ssyncadd.s32 $0xFFFFE0C0  }
0x2ce: {  	[spmem:s3] =	stream.indirect.scatter.add.bf16 [tilespmem:s31], [sflag:$0x4], $0x40, s17, s1, $0xb8;
	[tilespmem:$0x1FF60] =	vst v63  }
0x2cf: {  	_ = 	snop  }
0x2d0: {  	[spmem:s4] =	stream.indirect.scatter.add.bf16 [tilespmem:s6], [sflag:$0x4], $0x10, s17, s1, $0xb8;
	[tilespmem:$0x1FF60] =	vst v63  }
0x2d1: {  	_ =	swait.ge [sflag:s11], $0x1F40  }
0x2d2: {  	[sflag:s11] =	ssyncset.done $0x0  }
0x2d3: {  	[sflag:s11] =	ssyncadd.s32 $0xFFFFE0C0  }
0x2d4: {  	_ =	swait.ge [sflag:s11], $0x7D0  }
0x2d5: {  	[sflag:s11] =	ssyncset.done $0x0  }
0x2d6: {  	s16 =	sadd.s32 $0x780, s14;
	[sflag:s11] =	ssyncadd.s32 $0xFFFFF830  }
0x2d7: {  	[tilespmem:s31], [sflag:$0x2] =	stream.indirect.gather [spmem:s2], $0x40, s16, s1, $0xb8;
	[tilespmem:$0x1FF60] =	vst v63  }
0x2d8: {  	_ =	swait.ge [sflag:s5], $0x1F40  }
0x2d9: {  	[sflag:s5] =	ssyncset.done $0x0  }
0x2da: {  	s17 =	sadd.s32 $0x2F00, s14;
	[sflag:s5] =	ssyncadd.s32 $0xFFFFE0C0  }
0x2db: {  	[spmem:s3] =	stream.indirect.scatter.add.bf16 [tilespmem:s28], [sflag:$0x3], $0x40, s17, s1, $0xb8;
	[tilespmem:$0x1FF60] =	vst v63  }
0x2dc: {  	_ = 	snop  }
0x2dd: {  	[spmem:s4] =	stream.indirect.scatter.add.bf16 [tilespmem:s6], [sflag:$0x3], $0x10, s17, s1, $0xb8;
	[tilespmem:$0x1FF60] =	vst v63  }
0x2de: {  	_ =	swait.ge [sflag:s10], $0x1F40  }
0x2df: {  	[sflag:s10] =	ssyncset.done $0x0  }
0x2e0: {  	s14 =	sadd.s32 $0x2F80, s14;
	[sflag:s10] =	ssyncadd.s32 $0xFFFFE0C0  }
0x2e1: {  	[spmem:s3] =	stream.indirect.scatter.add.bf16 [tilespmem:s31], [sflag:$0x4], $0x40, s14, s1, $0xb8;
	[tilespmem:$0x1FF60] =	vst v63  }
0x2e2: {  	_ = 	snop  }
0x2e3: {  	[spmem:s4] =	stream.indirect.scatter.add.bf16 [tilespmem:s6], [sflag:$0x4], $0x10, s14, s1, $0xb8;
	[tilespmem:$0x1FF60] =	vst v63  }
0x2e4: {  	_ =	swait.ge [sflag:s7], $0x1F40  }
0x2e5: {  	[sflag:s7] =	ssyncset.done $0x0  }
0x2e6: {  	[sflag:s7] =	ssyncadd.s32 $0xFFFFE0C0  }
0x2e7: {  	_ =	swait.ge [sflag:s7], $0x7D0  }
0x2e8: {  	[sflag:s7] =	ssyncset.done $0x0  }
0x2e9: {  	[sflag:s7] =	ssyncadd.s32 $0xFFFFF830  }
0x2ea: {  	_ =	swait.ge [sflag:s11], $0x1F40  }
0x2eb: {  	[sflag:s11] =	ssyncset.done $0x0  }
0x2ec: {  	[sflag:s11] =	ssyncadd.s32 $0xFFFFE0C0  }
0x2ed: {  	_ =	swait.ge [sflag:s11], $0x7D0  }
0x2ee: {  	[sflag:s11] =	ssyncset.done $0x0  }
0x2ef: {  	[sflag:s11] =	ssyncadd.s32 $0xFFFFF830  }
0x2f0: {  	s16 =	sshll.u32 s0, $0x6;
	[bflag:$0x0] =	sbarrier.arrive $0xFFFF  }
0x2f1: {  	s17 =	sshrl.u32 s8, $0x3;
	s14 =	sor.u32 $0x1C05, s16;
	s16 =	rddreg [dreg:$0xd]  }
0x2f2: {  	[hbm:s16], [sflag:s14] =	dma.local [spmem:s17], $0x13A0  }
0x2f3: {  	s13 =	sadd.s32 $0x1, s13;
	_ =	swait.ge [sflag:s29], $0x13A0  }
0x2f4: {  	p1 =	sne.s32 s13, s23;
	[sflag:s29] =	ssyncset.done $0x0  }
.Ltmp4:
0x2f5: {  	s17 =	sshrl.u32 s9, $0x3;
	[sflag:s29] =	ssyncadd.s32 $0xFFFFEC60;
	(pc) =	sbr.rel @p1 .LBB2_1-.Ltmp4, $4  }
0x2f6: {  	[hbm:s19], [sflag:s14] =	dma.local [spmem:s17], $0x4E8  }
0x2f7: {  	_ =	swait.ge [sflag:s29], $0x4E8  }
0x2f8: {  	[sflag:s29] =	ssyncset.done $0x0  }
0x2f9: {  	[sflag:s29] =	ssyncadd.s32 $0xFFFFFB18  }
0x2fa: {  	_ =	sfence.sel $0x180000  }
0x2fb: {  	[bflag:$0x0] =	sbarrier.arrive $0xFFFF  }
0x2fc: {  	_ =	strace $0x90000047  }
0x2fd: {  	[bflag:$0x2] =	sbarrier.arrive $0xFFFF  }
0x2fe: {  	p0 =	sne.s32 s0, $0x0;
	s0 =	rddreg [dreg:$0x5]  }
0x2ff: {  	s0 =	sadd.s32 @!p0 $0x100000, s0  }
0x300: {  	[sflag:s0] =	ssyncadd.tile.s32 @!p0 $0x1;
	_ =	shalt  }
.Lfunc_end2:
_tile_overlayer_lowered:
.L_overlay_start_2:
0x301: {  	(tag) =	ssettag $0x2  }
0x302: {  	s0 =	rddreg [dreg:$0x0];
	s2 =	stileid.u32  }
0x303: {  	s1 =	rddreg [dreg:$0x1];
	p0 =	sne.s32 s2, $0x0  }
0x304: {  	s3 =	rddreg [dreg:$0x2];
	[bflag:$0x3] =	sbarrier.arrive $0xFFFF;
	s2 =	simm.s32 @!p0 $0x1C05  }
0x305: {  	[timem:s3], [sflag:s2] =	dma.local @!p0 [hbm:s0], s1  }
0x306: {  	s0 =	simm.s32 @!p0 $0x5  }
0x307: {  	_ =	swait.ge @!p0 [sflag:s0], s1  }
0x308: {  	s1 =	ssub.s32 @!p0 $0x0, s1;
	[sflag:s0] =	ssyncset.done @!p0 $0x0  }
0x309: {  	[sflag:s0] =	ssyncadd.s32 @!p0 s1  }
0x30a: {  	[bflag:$0x3] =	sbarrier.arrive $0xFFFF  }
0x30b: {  	_ =	shalt  }

</sc_bundles>
